<compile_context>
chip_gen: v7x
topology: tpu7x:2x2x1
jax: 0.10.2.dev20260603
libtpu: 0.0.44.dev20260713+nightly
codegen_flags: <defaults>
</compile_context>

<pallas_src>
import functools

import jax
import jax.numpy as jnp
from jax import lax
from jax.experimental import pallas as pl
from jax.experimental.pallas import tpu as pltpu
from jax.experimental.pallas import tpu_sc as plsc

N = 10000
D = 128
E = 320000

NC = 2
NS = 16
NW = NC * NS
COLS = D // NW
VCHUNK = 1280
ACHUNK = 6400

_sc_mesh = plsc.VectorSubcoreMesh(core_axis_name="c", subcore_axis_name="s")
_sc_params = pltpu.CompilerParams(needs_layout_passes=False)


@functools.partial(
    pl.kernel,
    out_type=(
        jax.ShapeDtypeStruct((NW, N), jnp.float32),
        jax.ShapeDtypeStruct((E,), jnp.int32),
    ),
    mesh=_sc_mesh,
    compiler_params=_sc_params,
    scratch_types=[
        pltpu.VMEM((N,), jnp.float32),
        pltpu.VMEM((2, VCHUNK), jnp.int32),
        pltpu.VMEM((VCHUNK,), jnp.int32),
    ],
)
def _deg_kernel(edge_hbm, parts_hbm, packed_hbm, hist, ebuf, pbuf):
    wid = lax.axis_index("s") * NC + lax.axis_index("c")
    nchunks = E // VCHUNK
    ones = jnp.ones((16,), jnp.float32)

    @plsc.parallel_loop(0, N // 16, unroll=2)
    def zero(j):
        hist[pl.ds(j * 16, 16)] = jnp.zeros((16,), jnp.float32)

    def chunk(j, _):
        cid = wid + j * NW

        @pl.when(cid < nchunks)
        def _do():
            pltpu.sync_copy(edge_hbm.at[:, pl.ds(cid * VCHUNK, VCHUNK)], ebuf)

            @plsc.parallel_loop(0, VCHUNK // 16, unroll=4)
            def grp(g):
                s = ebuf[0, pl.ds(g * 16, 16)]
                d = ebuf[1, pl.ds(g * 16, 16)]
                plsc.addupdate_scatter(hist, [d], ones)
                pbuf[pl.ds(g * 16, 16)] = (d << 16) | s

            pltpu.sync_copy(pbuf, packed_hbm.at[pl.ds(cid * VCHUNK, VCHUNK)])

        return _

    lax.fori_loop(0, (nchunks + NW - 1) // NW, chunk, None)
    pltpu.sync_copy(hist, parts_hbm.at[wid])


def _dinv_body(parts_ref, dinv_ref):
    s = jnp.sum(parts_ref[...], axis=0, keepdims=True) + 1.0
    dinv_ref[...] = lax.rsqrt(s)


def _dinv(parts):
    return pl.pallas_call(
        _dinv_body,
        out_shape=jax.ShapeDtypeStruct((1, N), jnp.float32),
    )(parts)


CPAIRS = COLS // 2
CSTAGE = 2000


@functools.partial(
    pl.kernel,
    out_type=jax.ShapeDtypeStruct((D, N), jnp.float32),
    mesh=_sc_mesh,
    compiler_params=_sc_params,
    scratch_types=[
        pltpu.VMEM((CPAIRS, N), jnp.int32),
        pltpu.VMEM((COLS, N), jnp.float32),
        pltpu.VMEM((N,), jnp.float32),
        pltpu.VMEM((2, ACHUNK), jnp.int32),
        pltpu.SemaphoreType.DMA((2,)),
        pltpu.VMEM((COLS, 16), jnp.float32),
        pltpu.VMEM((COLS, N), jnp.float32),
    ],
)
def _agg_kernel(yt_hbm, dinv_hbm, packed_hbm, bias_hbm, zt_hbm,
                yp, acc, dinv, ebuf, sem, bias, stage):
    wid = lax.axis_index("s") * NC + lax.axis_index("c")
    row0 = wid * COLS
    pltpu.sync_copy(dinv_hbm.at[0], dinv)
    pltpu.sync_copy(bias_hbm.at[pl.ds(row0, COLS)], bias)

    pltpu.sync_copy(yt_hbm.at[pl.ds(row0, COLS)], stage)

    @plsc.parallel_loop(0, N // 16, unroll=2)
    def pro(j):
        sl = pl.ds(j * 16, 16)
        dv = dinv[sl]
        for p in range(CPAIRS):
            a = stage[2 * p, sl] * dv
            bb = stage[2 * p + 1, sl] * dv
            pk = plsc.pack(a, bb, format=plsc.PackFormat.INTERLEAVED)
            yp[p, sl] = plsc.bitcast(pk, jnp.int32)
        for c in range(COLS):
            acc[c, sl] = jnp.zeros((16,), jnp.float32)

    colidx = [jnp.full((16,), c, jnp.int32) for c in range(COLS)]
    pairidx = [jnp.full((16,), p, jnp.int32) for p in range(CPAIRS)]
    nch = E // ACHUNK

    pltpu.async_copy(packed_hbm.at[pl.ds(0, ACHUNK)], ebuf.at[0], sem.at[0])

    def chunk(k, _):
        slot = lax.rem(k, 2)
        nxt = lax.rem(k + 1, 2)

        @pl.when(k + 1 < nch)
        def _prefetch():
            pltpu.async_copy(packed_hbm.at[pl.ds((k + 1) * ACHUNK, ACHUNK)],
                             ebuf.at[nxt], sem.at[nxt])

        pltpu.make_async_copy(packed_hbm.at[pl.ds(k * ACHUNK, ACHUNK)],
                              ebuf.at[slot], sem.at[slot]).wait()

        @plsc.parallel_loop(0, ACHUNK // 16, unroll=4)
        def grp(g):
            w = ebuf[slot, pl.ds(g * 16, 16)]
            s = w & 0xFFFF
            d = lax.shift_right_logical(w, 16)
            vals = []
            for p in range(CPAIRS):
                pw = plsc.load_gather(yp, [pairidx[p], s])
                pb = plsc.bitcast(pw, jnp.bfloat16)
                a, bb = plsc.unpack(pb, format=plsc.PackFormat.INTERLEAVED)
                vals += [a, bb]
            for c in range(COLS):
                plsc.addupdate_scatter(acc, [colidx[c], d], vals[c])

        return _

    lax.fori_loop(0, nch, chunk, None)

    @plsc.parallel_loop(0, N // 16, unroll=2)
    def epi(j):
        sl = pl.ds(j * 16, 16)
        dv = dinv[sl]
        for p in range(CPAIRS):
            pb = plsc.bitcast(yp[p, sl], jnp.bfloat16)
            a, bb = plsc.unpack(pb, format=plsc.PackFormat.INTERLEAVED)
            acc[2 * p, sl] = (acc[2 * p, sl] + a) * dv + bias[2 * p, :]
            acc[2 * p + 1, sl] = ((acc[2 * p + 1, sl] + bb) * dv
                                  + bias[2 * p + 1, :])
    pltpu.sync_copy(acc, zt_hbm.at[pl.ds(row0, COLS)])


_MMT_BLOCK = 2000


def _mm_t_body(zt_ref, w1_ref, b1_ref, w2_ref, gt_ref):
    cdims = (((0,), (0,)), ((), ()))
    h = lax.dot_general(w1_ref[...], zt_ref[...], cdims,
                        preferred_element_type=jnp.float32)
    h = jnp.maximum(h + b1_ref[...], 0.0)
    gt_ref[...] = lax.dot_general(w2_ref[...], h, cdims,
                                  preferred_element_type=jnp.float32)


def _mm_t(zt, W1, b1col, W2):
    return pl.pallas_call(
        _mm_t_body,
        out_shape=jax.ShapeDtypeStruct((D, N), jnp.float32),
    )(zt, W1, b1col, W2)


def kernel(edge_index, emb, W1, b1, W2, b2):
    parts, packed = _deg_kernel(edge_index)
    dinv = _dinv(parts)

    zeros_bias = jnp.zeros((D, 16), jnp.float32)
    b2_bcast = jnp.broadcast_to(b2.reshape(D, 1), (D, 16))
    z1t = _agg_kernel(emb.T, dinv, packed, zeros_bias)
    gt = _mm_t(z1t, W1, b1.reshape(2 * D, 1), W2)
    z2t = _agg_kernel(gt, dinv, packed, b2_bcast)
    return z2t.T

# --- scband reference (transcript-rebuilt; emitter-appended) ---
"""Pipeline reference for scband-graph-nn-56968446214400 (READ-ONLY COPY).

The authoritative reference and input builder live on the scoring server;
editing this copy changes nothing except your own understanding.
"""

import jax, jax.numpy as jnp
import numpy as np

N = 10000
D = 128
E = 320000


def gcn_conv(x, edge_index, W, b):
    # Standard GCNConv: add self-loops, symmetric deg^{-1/2} normalization,
    # linear transform, scatter-add aggregation to dst nodes, plus bias.
    n = x.shape[0]
    loop = jnp.arange(n, dtype=edge_index.dtype)
    src = jnp.concatenate([edge_index[0], loop])
    dst = jnp.concatenate([edge_index[1], loop])
    h = x @ W
    deg = jnp.zeros((n,), dtype=h.dtype).at[dst].add(1.0)
    dinv = jnp.where(deg > 0, deg ** -0.5, 0.0)
    norm = dinv[src] * dinv[dst]
    msgs = h[src] * norm[:, None]
    out = jnp.zeros((n, W.shape[1]), dtype=h.dtype).at[dst].add(msgs)
    return out + b


def setup_inputs(seed: int = 0) -> dict:
    key = jax.random.key(seed)
    k1, k2, k3, k4, k5, k6 = jax.random.split(key, 6)
    edge_index = jax.random.randint(k1, (2, E), 0, N)
    # Embedding table (xavier-normal-ish init); padding_idx=0 row kept as-is
    # since init_weights overwrites it with xavier_normal_ in the original.
    emb = jax.random.normal(k2, (N, D), dtype=jnp.float32) * math_scale(N, D)
    W1 = jax.random.normal(k3, (D, 2 * D), dtype=jnp.float32) * math_scale(D, 2 * D)
    b1 = jnp.zeros((2 * D,), dtype=jnp.float32)
    W2 = jax.random.normal(k4, (2 * D, D), dtype=jnp.float32) * math_scale(2 * D, D)
    b2 = jnp.zeros((D,), dtype=jnp.float32)
    return {"edge_index": edge_index, "emb": emb, "W1": W1, "b1": b1, "W2": W2, "b2": b2}


def math_scale(fan_in, fan_out):
    return float(np.sqrt(2.0 / (fan_in + fan_out)))


def reference(edge_index, emb, W1, b1, W2, b2):
    # forward of GraphNN (eval mode: dropout is identity):
    # h = relu(GCNConv(ninp -> 2*ninp)(embedding.weight, edge_index))
    # out = GCNConv(2*ninp -> ninp)(h, edge_index)
    h = jax.nn.relu(gcn_conv(emb, edge_index, W1, b1))
    out = gcn_conv(h, edge_index, W2, b2)
    return out

if __name__ == "__main__":
    import jax
    _d = setup_inputs()
    print(jax.jit(kernel)(*tuple(_d.values())))

</pallas_src>

<mosaic_0001>
#map = affine_map<(d0, d1) -> (0, 0)>
#map1 = affine_map<(d0, d1) -> (0)>
module attributes {stable_mosaic.version = 14 : i64} {
  func.func @_deg_kernel(%arg0: i32, %arg1: i32, %arg2: memref<2x320000xi32, #tpu.memory_space<hbm>>, %arg3: memref<32x10000xf32, #tpu.memory_space<hbm>>, %arg4: memref<320000xi32, #tpu.memory_space<hbm>>, %arg5: memref<10000xf32, #tpu.memory_space<vmem>>, %arg6: memref<2x1280xi32, #tpu.memory_space<vmem>>, %arg7: memref<1280xi32, #tpu.memory_space<vmem>>) attributes {dimension_semantics = [#tpu.dimension_semantics<core_parallel>, #tpu.dimension_semantics<subcore_parallel>], iteration_bounds = array<i64: 2, 16>, scalar_prefetch = 0 : i64, scratch_operands = 3 : i64, tpu.core_type = #tpu.core_type<sc_vector_subcore>, window_params = [{transform_indices = #map}, {transform_indices = #map}, {transform_indices = #map1}]} {
    %mul3A = arith.constant 2 : i32
    %mul3A_0 = arith.muli %arg1, %mul3A : i32
    %add3A = arith.addi %mul3A_0, %arg0 : i32
    %broadcast_in_dim3A = arith.constant 1.000000e+00 : f32
    %broadcast_in_dim3A_1 = vector.broadcast %broadcast_in_dim3A : f32 to vector<16xf32>
    %parallel_loop3A = arith.constant 0 : i32
    %parallel_loop3A_2 = arith.constant 625 : i32
    %parallel_loop3A_3 = arith.constant 1 : i32
    scf.for %parallel_loop3A_8 = %parallel_loop3A to %parallel_loop3A_2 step %parallel_loop3A_3  : i32 {
      %parallel_loop3A_9 = arith.constant 0.000000e+00 : f32
      %parallel_loop3A_10 = vector.broadcast %parallel_loop3A_9 : f32 to vector<16xf32>
      %parallel_loop3A_11 = arith.constant 16 : i32
      %parallel_loop3A_12 = arith.muli %parallel_loop3A_8, %parallel_loop3A_11 : i32
      %parallel_loop3A_13 = arith.index_cast %parallel_loop3A_12 : i32 to index
      %parallel_loop3A_14 = tpu.vector_load %arg5[%parallel_loop3A_13] {strides = array<i32>} : memref<10000xf32, #tpu.memory_space<vmem>>, vector<16xf32>,
      tpu.vector_store %arg5[%parallel_loop3A_13], %parallel_loop3A_10 {strides = array<i32>} : memref<10000xf32, #tpu.memory_space<vmem>>, vector<16xf32>,
    } {sc.loop_unroll_factor = 2 : i64, sc.parallel_access}
    %scan3A = arith.constant 0 : i32
    %scan3A_4 = arith.constant 8 : i32
    %scan3A_5 = arith.addi %scan3A, %scan3A_4 : i32
    %scan3A_6 = arith.constant 1 : i32
    scf.for %scan3A_8 = %scan3A to %scan3A_5 step %scan3A_6  : i32 {
      %mul3A_9 = arith.constant 32 : i32
      %mul3A_10 = arith.muli %scan3A_8, %mul3A_9 : i32
      %add3A_11 = arith.addi %add3A, %mul3A_10 : i32
      %lt3A = arith.constant 250 : i32
      %lt3A_12 = arith.cmpi slt, %add3A_11, %lt3A : i32
      %convert_element_type3A = arith.extui %lt3A_12 : i1 to i32
      %cond3A = arith.constant 0 : i32
      %cond3A_13 = arith.cmpi ne, %convert_element_type3A, %cond3A : i32
      scf.if %cond3A_13 {
        %mul3A_14 = arith.constant 1280 : i32
        %mul3A_15 = arith.muli %add3A_11, %mul3A_14 : i32
        "tpu.region"() ({
          %run_scoped3A = tpu.sem_alloc : memref<!tpu.dma_semaphore, #tpu.memory_space<semaphore_mem>>
          %dma_start3A = arith.constant 0 : i32
          %dma_start3A_21 = tpu.memref_slice %arg2[%dma_start3A, %mul3A_15] : memref<2x320000xi32, #tpu.memory_space<hbm>> -> memref<2x1280xi32, #tpu.memory_space<hbm>>
          %dma_start3A_22 = arith.constant 0 : i32
          %dma_start3A_23 = tpu.memref_slice %arg2[%dma_start3A_22, %mul3A_15] : memref<2x320000xi32, #tpu.memory_space<hbm>> -> memref<2x1280xi32, #tpu.memory_space<hbm>>
          tpu.enqueue_dma source(%dma_start3A_23 : memref<2x1280xi32, #tpu.memory_space<hbm>>) target(%arg6 : memref<2x1280xi32, #tpu.memory_space<vmem>>) target_semaphore(%run_scoped3A : memref<!tpu.dma_semaphore, #tpu.memory_space<semaphore_mem>>)
          %dma_wait3A = arith.constant 0 : i32
          %dma_wait3A_24 = tpu.memref_slice %arg2[%dma_wait3A, %mul3A_15] : memref<2x320000xi32, #tpu.memory_space<hbm>> -> memref<2x1280xi32, #tpu.memory_space<hbm>>
          %dma_wait3A_25 = arith.constant 0 : i32
          %dma_wait3A_26 = tpu.memref_slice %arg2[%dma_wait3A_25, %mul3A_15] : memref<2x320000xi32, #tpu.memory_space<hbm>> -> memref<2x1280xi32, #tpu.memory_space<hbm>>
          tpu.wait_dma2 semaphore(%run_scoped3A : memref<!tpu.dma_semaphore, #tpu.memory_space<semaphore_mem>>) src(%dma_wait3A_26 : memref<2x1280xi32, #tpu.memory_space<hbm>>) dst(%arg6 : memref<2x1280xi32, #tpu.memory_space<vmem>>)
          tpu.yield
        }) : () -> ()
        %parallel_loop3A_16 = arith.constant 0 : i32
        %parallel_loop3A_17 = arith.constant 80 : i32
        %parallel_loop3A_18 = arith.constant 1 : i32
        scf.for %parallel_loop3A_21 = %parallel_loop3A_16 to %parallel_loop3A_17 step %parallel_loop3A_18  : i32 {
          %parallel_loop3A_22 = arith.constant 16 : i32
          %parallel_loop3A_23 = arith.muli %parallel_loop3A_21, %parallel_loop3A_22 : i32
          %parallel_loop3A_24 = arith.constant 0 : i32
          %parallel_loop3A_25 = arith.index_cast %parallel_loop3A_24 : i32 to index
          %parallel_loop3A_26 = arith.index_cast %parallel_loop3A_23 : i32 to index
          %parallel_loop3A_27 = tpu.vector_load %arg6[%parallel_loop3A_25, %parallel_loop3A_26] {strides = array<i32>} : memref<2x1280xi32, #tpu.memory_space<vmem>>, vector<16xi32>,
          %parallel_loop3A_28 = arith.constant 16 : i32
          %parallel_loop3A_29 = arith.muli %parallel_loop3A_21, %parallel_loop3A_28 : i32
          %parallel_loop3A_30 = arith.constant 1 : i32
          %parallel_loop3A_31 = arith.index_cast %parallel_loop3A_30 : i32 to index
          %parallel_loop3A_32 = arith.index_cast %parallel_loop3A_29 : i32 to index
          %parallel_loop3A_33 = tpu.vector_load %arg6[%parallel_loop3A_31, %parallel_loop3A_32] {strides = array<i32>} : memref<2x1280xi32, #tpu.memory_space<vmem>>, vector<16xi32>,
          tpu.vector_store_idx %arg5[%parallel_loop3A_33], %broadcast_in_dim3A_1 {add = true} : memref<10000xf32, #tpu.memory_space<vmem>>[vector<16xi32>], vector<16xf32>,
          %parallel_loop3A_34 = arith.constant 16 : i32
          %parallel_loop3A_35 = vector.broadcast %parallel_loop3A_34 : i32 to vector<16xi32>
          %parallel_loop3A_36 = arith.shli %parallel_loop3A_33, %parallel_loop3A_35 : vector<16xi32>
          %parallel_loop3A_37 = arith.ori %parallel_loop3A_36, %parallel_loop3A_27 : vector<16xi32>
          %parallel_loop3A_38 = arith.constant 16 : i32
          %parallel_loop3A_39 = arith.muli %parallel_loop3A_21, %parallel_loop3A_38 : i32
          %parallel_loop3A_40 = arith.index_cast %parallel_loop3A_39 : i32 to index
          %parallel_loop3A_41 = tpu.vector_load %arg7[%parallel_loop3A_40] {strides = array<i32>} : memref<1280xi32, #tpu.memory_space<vmem>>, vector<16xi32>,
          tpu.vector_store %arg7[%parallel_loop3A_40], %parallel_loop3A_37 {strides = array<i32>} : memref<1280xi32, #tpu.memory_space<vmem>>, vector<16xi32>,
        } {sc.loop_unroll_factor = 4 : i64, sc.parallel_access}
        %mul3A_19 = arith.constant 1280 : i32
        %mul3A_20 = arith.muli %add3A_11, %mul3A_19 : i32
        "tpu.region"() ({
          %run_scoped3A = tpu.sem_alloc : memref<!tpu.dma_semaphore, #tpu.memory_space<semaphore_mem>>
          %dma_start3A = tpu.memref_slice %arg4[%mul3A_20] : memref<320000xi32, #tpu.memory_space<hbm>> -> memref<1280xi32, #tpu.memory_space<hbm>>
          %dma_start3A_21 = tpu.memref_slice %arg4[%mul3A_20] : memref<320000xi32, #tpu.memory_space<hbm>> -> memref<1280xi32, #tpu.memory_space<hbm>>
          tpu.enqueue_dma source(%arg7 : memref<1280xi32, #tpu.memory_space<vmem>>) target(%dma_start3A_21 : memref<1280xi32, #tpu.memory_space<hbm>>) target_semaphore(%run_scoped3A : memref<!tpu.dma_semaphore, #tpu.memory_space<semaphore_mem>>)
          %dma_wait3A = tpu.memref_slice %arg4[%mul3A_20] : memref<320000xi32, #tpu.memory_space<hbm>> -> memref<1280xi32, #tpu.memory_space<hbm>>
          %dma_wait3A_22 = tpu.memref_slice %arg4[%mul3A_20] : memref<320000xi32, #tpu.memory_space<hbm>> -> memref<1280xi32, #tpu.memory_space<hbm>>
          tpu.wait_dma2 semaphore(%run_scoped3A : memref<!tpu.dma_semaphore, #tpu.memory_space<semaphore_mem>>) src(%arg7 : memref<1280xi32, #tpu.memory_space<vmem>>) dst(%dma_wait3A_22 : memref<1280xi32, #tpu.memory_space<hbm>>)
          tpu.yield
        }) : () -> ()
      } else {
      }
    }
    %scan3A_7 = arith.constant 8 : i32
    "tpu.region"() ({
      %run_scoped3A = tpu.sem_alloc : memref<!tpu.dma_semaphore, #tpu.memory_space<semaphore_mem>>
      %dma_start3A = arith.constant 0 : i32
      %dma_start3A_8 = tpu.memref_slice %arg3[%add3A, %dma_start3A] : memref<32x10000xf32, #tpu.memory_space<hbm>> -> memref<1x10000xf32, #tpu.memory_space<hbm>>
      %dma_start3A_9 = tpu.memref_squeeze %dma_start3A_8 : memref<1x10000xf32, #tpu.memory_space<hbm>> -> memref<10000xf32, #tpu.memory_space<hbm>>
      %dma_start3A_10 = arith.constant 0 : i32
      %dma_start3A_11 = tpu.memref_slice %arg3[%add3A, %dma_start3A_10] : memref<32x10000xf32, #tpu.memory_space<hbm>> -> memref<1x10000xf32, #tpu.memory_space<hbm>>
      %dma_start3A_12 = tpu.memref_squeeze %dma_start3A_11 : memref<1x10000xf32, #tpu.memory_space<hbm>> -> memref<10000xf32, #tpu.memory_space<hbm>>
      tpu.enqueue_dma source(%arg5 : memref<10000xf32, #tpu.memory_space<vmem>>) target(%dma_start3A_12 : memref<10000xf32, #tpu.memory_space<hbm>>) target_semaphore(%run_scoped3A : memref<!tpu.dma_semaphore, #tpu.memory_space<semaphore_mem>>)
      %dma_wait3A = arith.constant 0 : i32
      %dma_wait3A_13 = tpu.memref_slice %arg3[%add3A, %dma_wait3A] : memref<32x10000xf32, #tpu.memory_space<hbm>> -> memref<1x10000xf32, #tpu.memory_space<hbm>>
      %dma_wait3A_14 = tpu.memref_squeeze %dma_wait3A_13 : memref<1x10000xf32, #tpu.memory_space<hbm>> -> memref<10000xf32, #tpu.memory_space<hbm>>
      %dma_wait3A_15 = arith.constant 0 : i32
      %dma_wait3A_16 = tpu.memref_slice %arg3[%add3A, %dma_wait3A_15] : memref<32x10000xf32, #tpu.memory_space<hbm>> -> memref<1x10000xf32, #tpu.memory_space<hbm>>
      %dma_wait3A_17 = tpu.memref_squeeze %dma_wait3A_16 : memref<1x10000xf32, #tpu.memory_space<hbm>> -> memref<10000xf32, #tpu.memory_space<hbm>>
      tpu.wait_dma2 semaphore(%run_scoped3A : memref<!tpu.dma_semaphore, #tpu.memory_space<semaphore_mem>>) src(%arg5 : memref<10000xf32, #tpu.memory_space<vmem>>) dst(%dma_wait3A_17 : memref<10000xf32, #tpu.memory_space<hbm>>)
      tpu.yield
    }) : () -> ()
    return
  }
}

#map = affine_map<(d0, d1) -> (0, 0)>
#map1 = affine_map<(d0, d1) -> (0)>
module attributes {stable_mosaic.version = 14 : i64} {
  func.func @_agg_kernel(%arg0: i32, %arg1: i32, %arg2: memref<128x10000xf32, #tpu.memory_space<hbm>>, %arg3: memref<1x10000xf32, #tpu.memory_space<hbm>>, %arg4: memref<320000xi32, #tpu.memory_space<hbm>>, %arg5: memref<128x16xf32, #tpu.memory_space<hbm>>, %arg6: memref<128x10000xf32, #tpu.memory_space<hbm>>, %arg7: memref<2x10000xi32, #tpu.memory_space<vmem>>, %arg8: memref<4x10000xf32, #tpu.memory_space<vmem>>, %arg9: memref<10000xf32, #tpu.memory_space<vmem>>, %arg10: memref<2x6400xi32, #tpu.memory_space<vmem>>, %arg11: memref<2x!tpu.dma_semaphore, #tpu.memory_space<semaphore_mem>>, %arg12: memref<4x16xf32, #tpu.memory_space<vmem>>, %arg13: memref<4x10000xf32, #tpu.memory_space<vmem>>) attributes {dimension_semantics = [#tpu.dimension_semantics<core_parallel>, #tpu.dimension_semantics<subcore_parallel>], iteration_bounds = array<i64: 2, 16>, scalar_prefetch = 0 : i64, scratch_operands = 7 : i64, tpu.core_type = #tpu.core_type<sc_vector_subcore>, window_params = [{transform_indices = #map}, {transform_indices = #map}, {transform_indices = #map1}, {transform_indices = #map}, {transform_indices = #map}]} {
    %mul3A = arith.constant 2 : i32
    %mul3A_0 = arith.muli %arg1, %mul3A : i32
    %add3A = arith.addi %mul3A_0, %arg0 : i32
    %mul3A_1 = arith.constant 4 : i32
    %mul3A_2 = arith.muli %add3A, %mul3A_1 : i32
    %run_scoped3A = arith.constant 0 : i32
    "tpu.region"() ({
      %run_scoped3A_36 = tpu.sem_alloc : memref<!tpu.dma_semaphore, #tpu.memory_space<semaphore_mem>>
      %dma_start3A_37 = arith.constant 0 : i32
      %dma_start3A_38 = tpu.memref_slice %arg3[%run_scoped3A, %dma_start3A_37] : memref<1x10000xf32, #tpu.memory_space<hbm>> -> memref<1x10000xf32, #tpu.memory_space<hbm>>
      %dma_start3A_39 = tpu.memref_squeeze %dma_start3A_38 : memref<1x10000xf32, #tpu.memory_space<hbm>> -> memref<10000xf32, #tpu.memory_space<hbm>>
      %dma_start3A_40 = arith.constant 0 : i32
      %dma_start3A_41 = tpu.memref_slice %arg3[%run_scoped3A, %dma_start3A_40] : memref<1x10000xf32, #tpu.memory_space<hbm>> -> memref<1x10000xf32, #tpu.memory_space<hbm>>
      %dma_start3A_42 = tpu.memref_squeeze %dma_start3A_41 : memref<1x10000xf32, #tpu.memory_space<hbm>> -> memref<10000xf32, #tpu.memory_space<hbm>>
      tpu.enqueue_dma source(%dma_start3A_42 : memref<10000xf32, #tpu.memory_space<hbm>>) target(%arg9 : memref<10000xf32, #tpu.memory_space<vmem>>) target_semaphore(%run_scoped3A_36 : memref<!tpu.dma_semaphore, #tpu.memory_space<semaphore_mem>>)
      %dma_wait3A = arith.constant 0 : i32
      %dma_wait3A_43 = tpu.memref_slice %arg3[%run_scoped3A, %dma_wait3A] : memref<1x10000xf32, #tpu.memory_space<hbm>> -> memref<1x10000xf32, #tpu.memory_space<hbm>>
      %dma_wait3A_44 = tpu.memref_squeeze %dma_wait3A_43 : memref<1x10000xf32, #tpu.memory_space<hbm>> -> memref<10000xf32, #tpu.memory_space<hbm>>
      %dma_wait3A_45 = arith.constant 0 : i32
      %dma_wait3A_46 = tpu.memref_slice %arg3[%run_scoped3A, %dma_wait3A_45] : memref<1x10000xf32, #tpu.memory_space<hbm>> -> memref<1x10000xf32, #tpu.memory_space<hbm>>
      %dma_wait3A_47 = tpu.memref_squeeze %dma_wait3A_46 : memref<1x10000xf32, #tpu.memory_space<hbm>> -> memref<10000xf32, #tpu.memory_space<hbm>>
      tpu.wait_dma2 semaphore(%run_scoped3A_36 : memref<!tpu.dma_semaphore, #tpu.memory_space<semaphore_mem>>) src(%dma_wait3A_47 : memref<10000xf32, #tpu.memory_space<hbm>>) dst(%arg9 : memref<10000xf32, #tpu.memory_space<vmem>>)
      tpu.yield
    }) : () -> ()
    "tpu.region"() ({
      %run_scoped3A_36 = tpu.sem_alloc : memref<!tpu.dma_semaphore, #tpu.memory_space<semaphore_mem>>
      %dma_start3A_37 = arith.constant 0 : i32
      %dma_start3A_38 = tpu.memref_slice %arg5[%mul3A_2, %dma_start3A_37] : memref<128x16xf32, #tpu.memory_space<hbm>> -> memref<4x16xf32, #tpu.memory_space<hbm>>
      %dma_start3A_39 = arith.constant 0 : i32
      %dma_start3A_40 = tpu.memref_slice %arg5[%mul3A_2, %dma_start3A_39] : memref<128x16xf32, #tpu.memory_space<hbm>> -> memref<4x16xf32, #tpu.memory_space<hbm>>
      tpu.enqueue_dma source(%dma_start3A_40 : memref<4x16xf32, #tpu.memory_space<hbm>>) target(%arg12 : memref<4x16xf32, #tpu.memory_space<vmem>>) target_semaphore(%run_scoped3A_36 : memref<!tpu.dma_semaphore, #tpu.memory_space<semaphore_mem>>)
      %dma_wait3A = arith.constant 0 : i32
      %dma_wait3A_41 = tpu.memref_slice %arg5[%mul3A_2, %dma_wait3A] : memref<128x16xf32, #tpu.memory_space<hbm>> -> memref<4x16xf32, #tpu.memory_space<hbm>>
      %dma_wait3A_42 = arith.constant 0 : i32
      %dma_wait3A_43 = tpu.memref_slice %arg5[%mul3A_2, %dma_wait3A_42] : memref<128x16xf32, #tpu.memory_space<hbm>> -> memref<4x16xf32, #tpu.memory_space<hbm>>
      tpu.wait_dma2 semaphore(%run_scoped3A_36 : memref<!tpu.dma_semaphore, #tpu.memory_space<semaphore_mem>>) src(%dma_wait3A_43 : memref<4x16xf32, #tpu.memory_space<hbm>>) dst(%arg12 : memref<4x16xf32, #tpu.memory_space<vmem>>)
      tpu.yield
    }) : () -> ()
    "tpu.region"() ({
      %run_scoped3A_36 = tpu.sem_alloc : memref<!tpu.dma_semaphore, #tpu.memory_space<semaphore_mem>>
      %dma_start3A_37 = arith.constant 0 : i32
      %dma_start3A_38 = tpu.memref_slice %arg2[%mul3A_2, %dma_start3A_37] : memref<128x10000xf32, #tpu.memory_space<hbm>> -> memref<4x10000xf32, #tpu.memory_space<hbm>>
      %dma_start3A_39 = arith.constant 0 : i32
      %dma_start3A_40 = tpu.memref_slice %arg2[%mul3A_2, %dma_start3A_39] : memref<128x10000xf32, #tpu.memory_space<hbm>> -> memref<4x10000xf32, #tpu.memory_space<hbm>>
      tpu.enqueue_dma source(%dma_start3A_40 : memref<4x10000xf32, #tpu.memory_space<hbm>>) target(%arg13 : memref<4x10000xf32, #tpu.memory_space<vmem>>) target_semaphore(%run_scoped3A_36 : memref<!tpu.dma_semaphore, #tpu.memory_space<semaphore_mem>>)
      %dma_wait3A = arith.constant 0 : i32
      %dma_wait3A_41 = tpu.memref_slice %arg2[%mul3A_2, %dma_wait3A] : memref<128x10000xf32, #tpu.memory_space<hbm>> -> memref<4x10000xf32, #tpu.memory_space<hbm>>
      %dma_wait3A_42 = arith.constant 0 : i32
      %dma_wait3A_43 = tpu.memref_slice %arg2[%mul3A_2, %dma_wait3A_42] : memref<128x10000xf32, #tpu.memory_space<hbm>> -> memref<4x10000xf32, #tpu.memory_space<hbm>>
      tpu.wait_dma2 semaphore(%run_scoped3A_36 : memref<!tpu.dma_semaphore, #tpu.memory_space<semaphore_mem>>) src(%dma_wait3A_43 : memref<4x10000xf32, #tpu.memory_space<hbm>>) dst(%arg13 : memref<4x10000xf32, #tpu.memory_space<vmem>>)
      tpu.yield
    }) : () -> ()
    %parallel_loop3A = arith.constant 0 : i32
    %parallel_loop3A_3 = arith.constant 625 : i32
    %parallel_loop3A_4 = arith.constant 1 : i32
    scf.for %parallel_loop3A_36 = %parallel_loop3A to %parallel_loop3A_3 step %parallel_loop3A_4  : i32 {
      %parallel_loop3A_37 = arith.constant 16 : i32
      %parallel_loop3A_38 = arith.muli %parallel_loop3A_36, %parallel_loop3A_37 : i32
      %parallel_loop3A_39 = arith.index_cast %parallel_loop3A_38 : i32 to index
      %parallel_loop3A_40 = tpu.vector_load %arg9[%parallel_loop3A_39] {strides = array<i32>} : memref<10000xf32, #tpu.memory_space<vmem>>, vector<16xf32>,
      %parallel_loop3A_41 = arith.constant 0 : i32
      %parallel_loop3A_42 = arith.index_cast %parallel_loop3A_41 : i32 to index
      %parallel_loop3A_43 = arith.index_cast %parallel_loop3A_38 : i32 to index
      %parallel_loop3A_44 = tpu.vector_load %arg13[%parallel_loop3A_42, %parallel_loop3A_43] {strides = array<i32>} : memref<4x10000xf32, #tpu.memory_space<vmem>>, vector<16xf32>,
      %parallel_loop3A_45 = arith.mulf %parallel_loop3A_44, %parallel_loop3A_40 : vector<16xf32>
      %parallel_loop3A_46 = arith.constant 1 : i32
      %parallel_loop3A_47 = arith.index_cast %parallel_loop3A_46 : i32 to index
      %parallel_loop3A_48 = arith.index_cast %parallel_loop3A_38 : i32 to index
      %parallel_loop3A_49 = tpu.vector_load %arg13[%parallel_loop3A_47, %parallel_loop3A_48] {strides = array<i32>} : memref<4x10000xf32, #tpu.memory_space<vmem>>, vector<16xf32>,
      %parallel_loop3A_50 = arith.mulf %parallel_loop3A_49, %parallel_loop3A_40 : vector<16xf32>
      %parallel_loop3A_51 = tpu.pack_subelements %parallel_loop3A_45, %parallel_loop3A_50 {pack_format = #tpu.pack_format<interleaved>, positions = array<i32: 0, 1>} : vector<16xf32>, vector<16xf32> -> vector<32xbf16>
      %parallel_loop3A_52 = vector.bitcast %parallel_loop3A_51 : vector<32xbf16> to vector<16xi32>
      %parallel_loop3A_53 = arith.constant 0 : i32
      %parallel_loop3A_54 = arith.index_cast %parallel_loop3A_53 : i32 to index
      %parallel_loop3A_55 = arith.index_cast %parallel_loop3A_38 : i32 to index
      %parallel_loop3A_56 = tpu.vector_load %arg7[%parallel_loop3A_54, %parallel_loop3A_55] {strides = array<i32>} : memref<2x10000xi32, #tpu.memory_space<vmem>>, vector<16xi32>,
      tpu.vector_store %arg7[%parallel_loop3A_54, %parallel_loop3A_55], %parallel_loop3A_52 {strides = array<i32>} : memref<2x10000xi32, #tpu.memory_space<vmem>>, vector<16xi32>,
      %parallel_loop3A_57 = arith.constant 2 : i32
      %parallel_loop3A_58 = arith.index_cast %parallel_loop3A_57 : i32 to index
      %parallel_loop3A_59 = arith.index_cast %parallel_loop3A_38 : i32 to index
      %parallel_loop3A_60 = tpu.vector_load %arg13[%parallel_loop3A_58, %parallel_loop3A_59] {strides = array<i32>} : memref<4x10000xf32, #tpu.memory_space<vmem>>, vector<16xf32>,
      %parallel_loop3A_61 = arith.mulf %parallel_loop3A_60, %parallel_loop3A_40 : vector<16xf32>
      %parallel_loop3A_62 = arith.constant 3 : i32
      %parallel_loop3A_63 = arith.index_cast %parallel_loop3A_62 : i32 to index
      %parallel_loop3A_64 = arith.index_cast %parallel_loop3A_38 : i32 to index
      %parallel_loop3A_65 = tpu.vector_load %arg13[%parallel_loop3A_63, %parallel_loop3A_64] {strides = array<i32>} : memref<4x10000xf32, #tpu.memory_space<vmem>>, vector<16xf32>,
      %parallel_loop3A_66 = arith.mulf %parallel_loop3A_65, %parallel_loop3A_40 : vector<16xf32>
      %parallel_loop3A_67 = tpu.pack_subelements %parallel_loop3A_61, %parallel_loop3A_66 {pack_format = #tpu.pack_format<interleaved>, positions = array<i32: 0, 1>} : vector<16xf32>, vector<16xf32> -> vector<32xbf16>
      %parallel_loop3A_68 = vector.bitcast %parallel_loop3A_67 : vector<32xbf16> to vector<16xi32>
      %parallel_loop3A_69 = arith.constant 1 : i32
      %parallel_loop3A_70 = arith.index_cast %parallel_loop3A_69 : i32 to index
      %parallel_loop3A_71 = arith.index_cast %parallel_loop3A_38 : i32 to index
      %parallel_loop3A_72 = tpu.vector_load %arg7[%parallel_loop3A_70, %parallel_loop3A_71] {strides = array<i32>} : memref<2x10000xi32, #tpu.memory_space<vmem>>, vector<16xi32>,
      tpu.vector_store %arg7[%parallel_loop3A_70, %parallel_loop3A_71], %parallel_loop3A_68 {strides = array<i32>} : memref<2x10000xi32, #tpu.memory_space<vmem>>, vector<16xi32>,
      %parallel_loop3A_73 = arith.constant 0.000000e+00 : f32
      %parallel_loop3A_74 = vector.broadcast %parallel_loop3A_73 : f32 to vector<16xf32>
      %parallel_loop3A_75 = arith.constant 0 : i32
      %parallel_loop3A_76 = arith.index_cast %parallel_loop3A_75 : i32 to index
      %parallel_loop3A_77 = arith.index_cast %parallel_loop3A_38 : i32 to index
      %parallel_loop3A_78 = tpu.vector_load %arg8[%parallel_loop3A_76, %parallel_loop3A_77] {strides = array<i32>} : memref<4x10000xf32, #tpu.memory_space<vmem>>, vector<16xf32>,
      tpu.vector_store %arg8[%parallel_loop3A_76, %parallel_loop3A_77], %parallel_loop3A_74 {strides = array<i32>} : memref<4x10000xf32, #tpu.memory_space<vmem>>, vector<16xf32>,
      %parallel_loop3A_79 = arith.constant 0.000000e+00 : f32
      %parallel_loop3A_80 = vector.broadcast %parallel_loop3A_79 : f32 to vector<16xf32>
      %parallel_loop3A_81 = arith.constant 1 : i32
      %parallel_loop3A_82 = arith.index_cast %parallel_loop3A_81 : i32 to index
      %parallel_loop3A_83 = arith.index_cast %parallel_loop3A_38 : i32 to index
      %parallel_loop3A_84 = tpu.vector_load %arg8[%parallel_loop3A_82, %parallel_loop3A_83] {strides = array<i32>} : memref<4x10000xf32, #tpu.memory_space<vmem>>, vector<16xf32>,
      tpu.vector_store %arg8[%parallel_loop3A_82, %parallel_loop3A_83], %parallel_loop3A_80 {strides = array<i32>} : memref<4x10000xf32, #tpu.memory_space<vmem>>, vector<16xf32>,
      %parallel_loop3A_85 = arith.constant 0.000000e+00 : f32
      %parallel_loop3A_86 = vector.broadcast %parallel_loop3A_85 : f32 to vector<16xf32>
      %parallel_loop3A_87 = arith.constant 2 : i32
      %parallel_loop3A_88 = arith.index_cast %parallel_loop3A_87 : i32 to index
      %parallel_loop3A_89 = arith.index_cast %parallel_loop3A_38 : i32 to index
      %parallel_loop3A_90 = tpu.vector_load %arg8[%parallel_loop3A_88, %parallel_loop3A_89] {strides = array<i32>} : memref<4x10000xf32, #tpu.memory_space<vmem>>, vector<16xf32>,
      tpu.vector_store %arg8[%parallel_loop3A_88, %parallel_loop3A_89], %parallel_loop3A_86 {strides = array<i32>} : memref<4x10000xf32, #tpu.memory_space<vmem>>, vector<16xf32>,
      %parallel_loop3A_91 = arith.constant 0.000000e+00 : f32
      %parallel_loop3A_92 = vector.broadcast %parallel_loop3A_91 : f32 to vector<16xf32>
      %parallel_loop3A_93 = arith.constant 3 : i32
      %parallel_loop3A_94 = arith.index_cast %parallel_loop3A_93 : i32 to index
      %parallel_loop3A_95 = arith.index_cast %parallel_loop3A_38 : i32 to index
      %parallel_loop3A_96 = tpu.vector_load %arg8[%parallel_loop3A_94, %parallel_loop3A_95] {strides = array<i32>} : memref<4x10000xf32, #tpu.memory_space<vmem>>, vector<16xf32>,
      tpu.vector_store %arg8[%parallel_loop3A_94, %parallel_loop3A_95], %parallel_loop3A_92 {strides = array<i32>} : memref<4x10000xf32, #tpu.memory_space<vmem>>, vector<16xf32>,
    } {sc.loop_unroll_factor = 2 : i64, sc.parallel_access}
    %broadcast_in_dim3A = arith.constant 0 : i32
    %broadcast_in_dim3A_5 = vector.broadcast %broadcast_in_dim3A : i32 to vector<16xi32>
    %broadcast_in_dim3A_6 = arith.constant 1 : i32
    %broadcast_in_dim3A_7 = vector.broadcast %broadcast_in_dim3A_6 : i32 to vector<16xi32>
    %broadcast_in_dim3A_8 = arith.constant 2 : i32
    %broadcast_in_dim3A_9 = vector.broadcast %broadcast_in_dim3A_8 : i32 to vector<16xi32>
    %broadcast_in_dim3A_10 = arith.constant 3 : i32
    %broadcast_in_dim3A_11 = vector.broadcast %broadcast_in_dim3A_10 : i32 to vector<16xi32>
    %broadcast_in_dim3A_12 = arith.constant 0 : i32
    %broadcast_in_dim3A_13 = vector.broadcast %broadcast_in_dim3A_12 : i32 to vector<16xi32>
    %broadcast_in_dim3A_14 = arith.constant 1 : i32
    %broadcast_in_dim3A_15 = vector.broadcast %broadcast_in_dim3A_14 : i32 to vector<16xi32>
    %dma_start3A = arith.constant 0 : i32
    %dma_start3A_16 = arith.constant 0 : i32
    %dma_start3A_17 = arith.constant 0 : i32
    %dma_start3A_18 = tpu.memref_slice %arg10[%dma_start3A, %dma_start3A_17] : memref<2x6400xi32, #tpu.memory_space<vmem>> -> memref<1x6400xi32, #tpu.memory_space<vmem>>
    %dma_start3A_19 = tpu.memref_squeeze %dma_start3A_18 : memref<1x6400xi32, #tpu.memory_space<vmem>> -> memref<6400xi32, #tpu.memory_space<vmem>>
    %dma_start3A_20 = arith.constant 0 : i32
    %dma_start3A_21 = tpu.memref_slice %arg4[%dma_start3A_20] : memref<320000xi32, #tpu.memory_space<hbm>> -> memref<6400xi32, #tpu.memory_space<hbm>>
    %dma_start3A_22 = tpu.memref_slice %arg11[%dma_start3A_16] : memref<2x!tpu.dma_semaphore, #tpu.memory_space<semaphore_mem>> -> memref<1x!tpu.dma_semaphore, #tpu.memory_space<semaphore_mem>>
    %dma_start3A_23 = tpu.memref_squeeze %dma_start3A_22 : memref<1x!tpu.dma_semaphore, #tpu.memory_space<semaphore_mem>> -> memref<!tpu.dma_semaphore, #tpu.memory_space<semaphore_mem>>
    %dma_start3A_24 = arith.constant 0 : i32
    %dma_start3A_25 = tpu.memref_slice %arg10[%dma_start3A, %dma_start3A_24] : memref<2x6400xi32, #tpu.memory_space<vmem>> -> memref<1x6400xi32, #tpu.memory_space<vmem>>
    %dma_start3A_26 = tpu.memref_squeeze %dma_start3A_25 : memref<1x6400xi32, #tpu.memory_space<vmem>> -> memref<6400xi32, #tpu.memory_space<vmem>>
    %dma_start3A_27 = arith.constant 0 : i32
    %dma_start3A_28 = tpu.memref_slice %arg4[%dma_start3A_27] : memref<320000xi32, #tpu.memory_space<hbm>> -> memref<6400xi32, #tpu.memory_space<hbm>>
    tpu.enqueue_dma source(%dma_start3A_28 : memref<6400xi32, #tpu.memory_space<hbm>>) target(%dma_start3A_26 : memref<6400xi32, #tpu.memory_space<vmem>>) target_semaphore(%dma_start3A_23 : memref<!tpu.dma_semaphore, #tpu.memory_space<semaphore_mem>>)
    %scan3A = arith.constant 0 : i32
    %scan3A_29 = arith.constant 50 : i32
    %scan3A_30 = arith.addi %scan3A, %scan3A_29 : i32
    %scan3A_31 = arith.constant 1 : i32
    scf.for %scan3A_36 = %scan3A to %scan3A_30 step %scan3A_31  : i32 {
      %rem3A = arith.constant 2 : i32
      %rem3A_37 = arith.remsi %scan3A_36, %rem3A : i32
      %add3A_38 = arith.constant 1 : i32
      %add3A_39 = arith.addi %scan3A_36, %add3A_38 : i32
      %rem3A_40 = arith.constant 2 : i32
      %rem3A_41 = arith.remsi %add3A_39, %rem3A_40 : i32
      %add3A_42 = arith.constant 1 : i32
      %add3A_43 = arith.addi %scan3A_36, %add3A_42 : i32
      %lt3A = arith.constant 50 : i32
      %lt3A_44 = arith.cmpi slt, %add3A_43, %lt3A : i32
      %convert_element_type3A = arith.extui %lt3A_44 : i1 to i32
      %cond3A = arith.constant 0 : i32
      %cond3A_45 = arith.cmpi ne, %convert_element_type3A, %cond3A : i32
      scf.if %cond3A_45 {
        %add3A_60 = arith.constant 1 : i32
        %add3A_61 = arith.addi %scan3A_36, %add3A_60 : i32
        %mul3A_62 = arith.constant 6400 : i32
        %mul3A_63 = arith.muli %add3A_61, %mul3A_62 : i32
        %dma_start3A_64 = arith.constant 0 : i32
        %dma_start3A_65 = tpu.memref_slice %arg10[%rem3A_41, %dma_start3A_64] : memref<2x6400xi32, #tpu.memory_space<vmem>> -> memref<1x6400xi32, #tpu.memory_space<vmem>>
        %dma_start3A_66 = tpu.memref_squeeze %dma_start3A_65 : memref<1x6400xi32, #tpu.memory_space<vmem>> -> memref<6400xi32, #tpu.memory_space<vmem>>
        %dma_start3A_67 = tpu.memref_slice %arg4[%mul3A_63] : memref<320000xi32, #tpu.memory_space<hbm>> -> memref<6400xi32, #tpu.memory_space<hbm>>
        %dma_start3A_68 = tpu.memref_slice %arg11[%rem3A_41] : memref<2x!tpu.dma_semaphore, #tpu.memory_space<semaphore_mem>> -> memref<1x!tpu.dma_semaphore, #tpu.memory_space<semaphore_mem>>
        %dma_start3A_69 = tpu.memref_squeeze %dma_start3A_68 : memref<1x!tpu.dma_semaphore, #tpu.memory_space<semaphore_mem>> -> memref<!tpu.dma_semaphore, #tpu.memory_space<semaphore_mem>>
        %dma_start3A_70 = arith.constant 0 : i32
        %dma_start3A_71 = tpu.memref_slice %arg10[%rem3A_41, %dma_start3A_70] : memref<2x6400xi32, #tpu.memory_space<vmem>> -> memref<1x6400xi32, #tpu.memory_space<vmem>>
        %dma_start3A_72 = tpu.memref_squeeze %dma_start3A_71 : memref<1x6400xi32, #tpu.memory_space<vmem>> -> memref<6400xi32, #tpu.memory_space<vmem>>
        %dma_start3A_73 = tpu.memref_slice %arg4[%mul3A_63] : memref<320000xi32, #tpu.memory_space<hbm>> -> memref<6400xi32, #tpu.memory_space<hbm>>
        tpu.enqueue_dma source(%dma_start3A_73 : memref<6400xi32, #tpu.memory_space<hbm>>) target(%dma_start3A_72 : memref<6400xi32, #tpu.memory_space<vmem>>) target_semaphore(%dma_start3A_69 : memref<!tpu.dma_semaphore, #tpu.memory_space<semaphore_mem>>)
      } else {
      }
      %mul3A_46 = arith.constant 6400 : i32
      %mul3A_47 = arith.muli %scan3A_36, %mul3A_46 : i32
      %dma_wait3A = arith.constant 0 : i32
      %dma_wait3A_48 = tpu.memref_slice %arg10[%rem3A_37, %dma_wait3A] : memref<2x6400xi32, #tpu.memory_space<vmem>> -> memref<1x6400xi32, #tpu.memory_space<vmem>>
      %dma_wait3A_49 = tpu.memref_squeeze %dma_wait3A_48 : memref<1x6400xi32, #tpu.memory_space<vmem>> -> memref<6400xi32, #tpu.memory_space<vmem>>
      %dma_wait3A_50 = tpu.memref_slice %arg4[%mul3A_47] : memref<320000xi32, #tpu.memory_space<hbm>> -> memref<6400xi32, #tpu.memory_space<hbm>>
      %dma_wait3A_51 = tpu.memref_slice %arg11[%rem3A_37] : memref<2x!tpu.dma_semaphore, #tpu.memory_space<semaphore_mem>> -> memref<1x!tpu.dma_semaphore, #tpu.memory_space<semaphore_mem>>
      %dma_wait3A_52 = tpu.memref_squeeze %dma_wait3A_51 : memref<1x!tpu.dma_semaphore, #tpu.memory_space<semaphore_mem>> -> memref<!tpu.dma_semaphore, #tpu.memory_space<semaphore_mem>>
      %dma_wait3A_53 = arith.constant 0 : i32
      %dma_wait3A_54 = tpu.memref_slice %arg10[%rem3A_37, %dma_wait3A_53] : memref<2x6400xi32, #tpu.memory_space<vmem>> -> memref<1x6400xi32, #tpu.memory_space<vmem>>
      %dma_wait3A_55 = tpu.memref_squeeze %dma_wait3A_54 : memref<1x6400xi32, #tpu.memory_space<vmem>> -> memref<6400xi32, #tpu.memory_space<vmem>>
      %dma_wait3A_56 = tpu.memref_slice %arg4[%mul3A_47] : memref<320000xi32, #tpu.memory_space<hbm>> -> memref<6400xi32, #tpu.memory_space<hbm>>
      tpu.wait_dma2 semaphore(%dma_wait3A_52 : memref<!tpu.dma_semaphore, #tpu.memory_space<semaphore_mem>>) src(%dma_wait3A_56 : memref<6400xi32, #tpu.memory_space<hbm>>) dst(%dma_wait3A_55 : memref<6400xi32, #tpu.memory_space<vmem>>)
      %parallel_loop3A_57 = arith.constant 0 : i32
      %parallel_loop3A_58 = arith.constant 400 : i32
      %parallel_loop3A_59 = arith.constant 1 : i32
      scf.for %parallel_loop3A_60 = %parallel_loop3A_57 to %parallel_loop3A_58 step %parallel_loop3A_59  : i32 {
        %parallel_loop3A_61 = arith.constant 16 : i32
        %parallel_loop3A_62 = arith.muli %parallel_loop3A_60, %parallel_loop3A_61 : i32
        %parallel_loop3A_63 = arith.index_cast %rem3A_37 : i32 to index
        %parallel_loop3A_64 = arith.index_cast %parallel_loop3A_62 : i32 to index
        %parallel_loop3A_65 = tpu.vector_load %arg10[%parallel_loop3A_63, %parallel_loop3A_64] {strides = array<i32>} : memref<2x6400xi32, #tpu.memory_space<vmem>>, vector<16xi32>,
        %parallel_loop3A_66 = arith.constant 65535 : i32
        %parallel_loop3A_67 = vector.broadcast %parallel_loop3A_66 : i32 to vector<16xi32>
        %parallel_loop3A_68 = arith.andi %parallel_loop3A_65, %parallel_loop3A_67 : vector<16xi32>
        %parallel_loop3A_69 = arith.constant 16 : i32
        %parallel_loop3A_70 = vector.broadcast %parallel_loop3A_69 : i32 to vector<16xi32>
        %parallel_loop3A_71 = arith.shrui %parallel_loop3A_65, %parallel_loop3A_70 : vector<16xi32>
        %parallel_loop3A_72 = tpu.vector_load_idx %arg7[%broadcast_in_dim3A_13, %parallel_loop3A_68] : memref<2x10000xi32, #tpu.memory_space<vmem>>[vector<16xi32>, vector<16xi32>], vector<16xi32>,
        %parallel_loop3A_73 = vector.bitcast %parallel_loop3A_72 : vector<16xi32> to vector<32xbf16>
        %parallel_loop3A_74 = tpu.unpack_subelements %parallel_loop3A_73, 0 {pack_format = #tpu.pack_format<interleaved>} : vector<32xbf16> -> vector<16xf32>
        %parallel_loop3A_75 = tpu.unpack_subelements %parallel_loop3A_73, 1 {pack_format = #tpu.pack_format<interleaved>} : vector<32xbf16> -> vector<16xf32>
        %parallel_loop3A_76 = tpu.vector_load_idx %arg7[%broadcast_in_dim3A_15, %parallel_loop3A_68] : memref<2x10000xi32, #tpu.memory_space<vmem>>[vector<16xi32>, vector<16xi32>], vector<16xi32>,
        %parallel_loop3A_77 = vector.bitcast %parallel_loop3A_76 : vector<16xi32> to vector<32xbf16>
        %parallel_loop3A_78 = tpu.unpack_subelements %parallel_loop3A_77, 0 {pack_format = #tpu.pack_format<interleaved>} : vector<32xbf16> -> vector<16xf32>
        %parallel_loop3A_79 = tpu.unpack_subelements %parallel_loop3A_77, 1 {pack_format = #tpu.pack_format<interleaved>} : vector<32xbf16> -> vector<16xf32>
        tpu.vector_store_idx %arg8[%broadcast_in_dim3A_5, %parallel_loop3A_71], %parallel_loop3A_74 {add = true} : memref<4x10000xf32, #tpu.memory_space<vmem>>[vector<16xi32>, vector<16xi32>], vector<16xf32>,
        tpu.vector_store_idx %arg8[%broadcast_in_dim3A_7, %parallel_loop3A_71], %parallel_loop3A_75 {add = true} : memref<4x10000xf32, #tpu.memory_space<vmem>>[vector<16xi32>, vector<16xi32>], vector<16xf32>,
        tpu.vector_store_idx %arg8[%broadcast_in_dim3A_9, %parallel_loop3A_71], %parallel_loop3A_78 {add = true} : memref<4x10000xf32, #tpu.memory_space<vmem>>[vector<16xi32>, vector<16xi32>], vector<16xf32>,
        tpu.vector_store_idx %arg8[%broadcast_in_dim3A_11, %parallel_loop3A_71], %parallel_loop3A_79 {add = true} : memref<4x10000xf32, #tpu.memory_space<vmem>>[vector<16xi32>, vector<16xi32>], vector<16xf32>,
      } {sc.loop_unroll_factor = 4 : i64, sc.parallel_access}
    }
    %scan3A_32 = arith.constant 50 : i32
    %parallel_loop3A_33 = arith.constant 0 : i32
    %parallel_loop3A_34 = arith.constant 625 : i32
    %parallel_loop3A_35 = arith.constant 1 : i32
    scf.for %parallel_loop3A_36 = %parallel_loop3A_33 to %parallel_loop3A_34 step %parallel_loop3A_35  : i32 {
      %parallel_loop3A_37 = arith.constant 16 : i32
      %parallel_loop3A_38 = arith.muli %parallel_loop3A_36, %parallel_loop3A_37 : i32
      %parallel_loop3A_39 = arith.index_cast %parallel_loop3A_38 : i32 to index
      %parallel_loop3A_40 = tpu.vector_load %arg9[%parallel_loop3A_39] {strides = array<i32>} : memref<10000xf32, #tpu.memory_space<vmem>>, vector<16xf32>,
      %parallel_loop3A_41 = arith.constant 0 : i32
      %parallel_loop3A_42 = arith.index_cast %parallel_loop3A_41 : i32 to index
      %parallel_loop3A_43 = arith.index_cast %parallel_loop3A_38 : i32 to index
      %parallel_loop3A_44 = tpu.vector_load %arg7[%parallel_loop3A_42, %parallel_loop3A_43] {strides = array<i32>} : memref<2x10000xi32, #tpu.memory_space<vmem>>, vector<16xi32>,
      %parallel_loop3A_45 = vector.bitcast %parallel_loop3A_44 : vector<16xi32> to vector<32xbf16>
      %parallel_loop3A_46 = tpu.unpack_subelements %parallel_loop3A_45, 0 {pack_format = #tpu.pack_format<interleaved>} : vector<32xbf16> -> vector<16xf32>
      %parallel_loop3A_47 = tpu.unpack_subelements %parallel_loop3A_45, 1 {pack_format = #tpu.pack_format<interleaved>} : vector<32xbf16> -> vector<16xf32>
      %parallel_loop3A_48 = arith.constant 0 : i32
      %parallel_loop3A_49 = arith.index_cast %parallel_loop3A_48 : i32 to index
      %parallel_loop3A_50 = arith.index_cast %parallel_loop3A_38 : i32 to index
      %parallel_loop3A_51 = tpu.vector_load %arg8[%parallel_loop3A_49, %parallel_loop3A_50] {strides = array<i32>} : memref<4x10000xf32, #tpu.memory_space<vmem>>, vector<16xf32>,
      %parallel_loop3A_52 = arith.addf %parallel_loop3A_51, %parallel_loop3A_46 : vector<16xf32>
      %parallel_loop3A_53 = arith.mulf %parallel_loop3A_52, %parallel_loop3A_40 : vector<16xf32>
      %parallel_loop3A_54 = arith.constant 0 : i32
      %parallel_loop3A_55 = arith.index_cast %parallel_loop3A_54 : i32 to index
      %parallel_loop3A_56 = arith.constant 0 : index
      %parallel_loop3A_57 = tpu.vector_load %arg12[%parallel_loop3A_55, %parallel_loop3A_56] {strides = array<i32>} : memref<4x16xf32, #tpu.memory_space<vmem>>, vector<16xf32>,
      %parallel_loop3A_58 = arith.addf %parallel_loop3A_53, %parallel_loop3A_57 : vector<16xf32>
      %parallel_loop3A_59 = arith.constant 0 : i32
      %parallel_loop3A_60 = arith.index_cast %parallel_loop3A_59 : i32 to index
      %parallel_loop3A_61 = arith.index_cast %parallel_loop3A_38 : i32 to index
      %parallel_loop3A_62 = tpu.vector_load %arg8[%parallel_loop3A_60, %parallel_loop3A_61] {strides = array<i32>} : memref<4x10000xf32, #tpu.memory_space<vmem>>, vector<16xf32>,
      tpu.vector_store %arg8[%parallel_loop3A_60, %parallel_loop3A_61], %parallel_loop3A_58 {strides = array<i32>} : memref<4x10000xf32, #tpu.memory_space<vmem>>, vector<16xf32>,
      %parallel_loop3A_63 = arith.constant 1 : i32
      %parallel_loop3A_64 = arith.index_cast %parallel_loop3A_63 : i32 to index
      %parallel_loop3A_65 = arith.index_cast %parallel_loop3A_38 : i32 to index
      %parallel_loop3A_66 = tpu.vector_load %arg8[%parallel_loop3A_64, %parallel_loop3A_65] {strides = array<i32>} : memref<4x10000xf32, #tpu.memory_space<vmem>>, vector<16xf32>,
      %parallel_loop3A_67 = arith.addf %parallel_loop3A_66, %parallel_loop3A_47 : vector<16xf32>
      %parallel_loop3A_68 = arith.mulf %parallel_loop3A_67, %parallel_loop3A_40 : vector<16xf32>
      %parallel_loop3A_69 = arith.constant 1 : i32
      %parallel_loop3A_70 = arith.index_cast %parallel_loop3A_69 : i32 to index
      %parallel_loop3A_71 = arith.constant 0 : index
      %parallel_loop3A_72 = tpu.vector_load %arg12[%parallel_loop3A_70, %parallel_loop3A_71] {strides = array<i32>} : memref<4x16xf32, #tpu.memory_space<vmem>>, vector<16xf32>,
      %parallel_loop3A_73 = arith.addf %parallel_loop3A_68, %parallel_loop3A_72 : vector<16xf32>
      %parallel_loop3A_74 = arith.constant 1 : i32
      %parallel_loop3A_75 = arith.index_cast %parallel_loop3A_74 : i32 to index
      %parallel_loop3A_76 = arith.index_cast %parallel_loop3A_38 : i32 to index
      %parallel_loop3A_77 = tpu.vector_load %arg8[%parallel_loop3A_75, %parallel_loop3A_76] {strides = array<i32>} : memref<4x10000xf32, #tpu.memory_space<vmem>>, vector<16xf32>,
      tpu.vector_store %arg8[%parallel_loop3A_75, %parallel_loop3A_76], %parallel_loop3A_73 {strides = array<i32>} : memref<4x10000xf32, #tpu.memory_space<vmem>>, vector<16xf32>,
      %parallel_loop3A_78 = arith.constant 1 : i32
      %parallel_loop3A_79 = arith.index_cast %parallel_loop3A_78 : i32 to index
      %parallel_loop3A_80 = arith.index_cast %parallel_loop3A_38 : i32 to index
      %parallel_loop3A_81 = tpu.vector_load %arg7[%parallel_loop3A_79, %parallel_loop3A_80] {strides = array<i32>} : memref<2x10000xi32, #tpu.memory_space<vmem>>, vector<16xi32>,
      %parallel_loop3A_82 = vector.bitcast %parallel_loop3A_81 : vector<16xi32> to vector<32xbf16>
      %parallel_loop3A_83 = tpu.unpack_subelements %parallel_loop3A_82, 0 {pack_format = #tpu.pack_format<interleaved>} : vector<32xbf16> -> vector<16xf32>
      %parallel_loop3A_84 = tpu.unpack_subelements %parallel_loop3A_82, 1 {pack_format = #tpu.pack_format<interleaved>} : vector<32xbf16> -> vector<16xf32>
      %parallel_loop3A_85 = arith.constant 2 : i32
      %parallel_loop3A_86 = arith.index_cast %parallel_loop3A_85 : i32 to index
      %parallel_loop3A_87 = arith.index_cast %parallel_loop3A_38 : i32 to index
      %parallel_loop3A_88 = tpu.vector_load %arg8[%parallel_loop3A_86, %parallel_loop3A_87] {strides = array<i32>} : memref<4x10000xf32, #tpu.memory_space<vmem>>, vector<16xf32>,
      %parallel_loop3A_89 = arith.addf %parallel_loop3A_88, %parallel_loop3A_83 : vector<16xf32>
      %parallel_loop3A_90 = arith.mulf %parallel_loop3A_89, %parallel_loop3A_40 : vector<16xf32>
      %parallel_loop3A_91 = arith.constant 2 : i32
      %parallel_loop3A_92 = arith.index_cast %parallel_loop3A_91 : i32 to index
      %parallel_loop3A_93 = arith.constant 0 : index
      %parallel_loop3A_94 = tpu.vector_load %arg12[%parallel_loop3A_92, %parallel_loop3A_93] {strides = array<i32>} : memref<4x16xf32, #tpu.memory_space<vmem>>, vector<16xf32>,
      %parallel_loop3A_95 = arith.addf %parallel_loop3A_90, %parallel_loop3A_94 : vector<16xf32>
      %parallel_loop3A_96 = arith.constant 2 : i32
      %parallel_loop3A_97 = arith.index_cast %parallel_loop3A_96 : i32 to index
      %parallel_loop3A_98 = arith.index_cast %parallel_loop3A_38 : i32 to index
      %parallel_loop3A_99 = tpu.vector_load %arg8[%parallel_loop3A_97, %parallel_loop3A_98] {strides = array<i32>} : memref<4x10000xf32, #tpu.memory_space<vmem>>, vector<16xf32>,
      tpu.vector_store %arg8[%parallel_loop3A_97, %parallel_loop3A_98], %parallel_loop3A_95 {strides = array<i32>} : memref<4x10000xf32, #tpu.memory_space<vmem>>, vector<16xf32>,
      %parallel_loop3A_100 = arith.constant 3 : i32
      %parallel_loop3A_101 = arith.index_cast %parallel_loop3A_100 : i32 to index
      %parallel_loop3A_102 = arith.index_cast %parallel_loop3A_38 : i32 to index
      %parallel_loop3A_103 = tpu.vector_load %arg8[%parallel_loop3A_101, %parallel_loop3A_102] {strides = array<i32>} : memref<4x10000xf32, #tpu.memory_space<vmem>>, vector<16xf32>,
      %parallel_loop3A_104 = arith.addf %parallel_loop3A_103, %parallel_loop3A_84 : vector<16xf32>
      %parallel_loop3A_105 = arith.mulf %parallel_loop3A_104, %parallel_loop3A_40 : vector<16xf32>
      %parallel_loop3A_106 = arith.constant 3 : i32
      %parallel_loop3A_107 = arith.index_cast %parallel_loop3A_106 : i32 to index
      %parallel_loop3A_108 = arith.constant 0 : index
      %parallel_loop3A_109 = tpu.vector_load %arg12[%parallel_loop3A_107, %parallel_loop3A_108] {strides = array<i32>} : memref<4x16xf32, #tpu.memory_space<vmem>>, vector<16xf32>,
      %parallel_loop3A_110 = arith.addf %parallel_loop3A_105, %parallel_loop3A_109 : vector<16xf32>
      %parallel_loop3A_111 = arith.constant 3 : i32
      %parallel_loop3A_112 = arith.index_cast %parallel_loop3A_111 : i32 to index
      %parallel_loop3A_113 = arith.index_cast %parallel_loop3A_38 : i32 to index
      %parallel_loop3A_114 = tpu.vector_load %arg8[%parallel_loop3A_112, %parallel_loop3A_113] {strides = array<i32>} : memref<4x10000xf32, #tpu.memory_space<vmem>>, vector<16xf32>,
      tpu.vector_store %arg8[%parallel_loop3A_112, %parallel_loop3A_113], %parallel_loop3A_110 {strides = array<i32>} : memref<4x10000xf32, #tpu.memory_space<vmem>>, vector<16xf32>,
    } {sc.loop_unroll_factor = 2 : i64, sc.parallel_access}
    "tpu.region"() ({
      %run_scoped3A_36 = tpu.sem_alloc : memref<!tpu.dma_semaphore, #tpu.memory_space<semaphore_mem>>
      %dma_start3A_37 = arith.constant 0 : i32
      %dma_start3A_38 = tpu.memref_slice %arg6[%mul3A_2, %dma_start3A_37] : memref<128x10000xf32, #tpu.memory_space<hbm>> -> memref<4x10000xf32, #tpu.memory_space<hbm>>
      %dma_start3A_39 = arith.constant 0 : i32
      %dma_start3A_40 = tpu.memref_slice %arg6[%mul3A_2, %dma_start3A_39] : memref<128x10000xf32, #tpu.memory_space<hbm>> -> memref<4x10000xf32, #tpu.memory_space<hbm>>
      tpu.enqueue_dma source(%arg8 : memref<4x10000xf32, #tpu.memory_space<vmem>>) target(%dma_start3A_40 : memref<4x10000xf32, #tpu.memory_space<hbm>>) target_semaphore(%run_scoped3A_36 : memref<!tpu.dma_semaphore, #tpu.memory_space<semaphore_mem>>)
      %dma_wait3A = arith.constant 0 : i32
      %dma_wait3A_41 = tpu.memref_slice %arg6[%mul3A_2, %dma_wait3A] : memref<128x10000xf32, #tpu.memory_space<hbm>> -> memref<4x10000xf32, #tpu.memory_space<hbm>>
      %dma_wait3A_42 = arith.constant 0 : i32
      %dma_wait3A_43 = tpu.memref_slice %arg6[%mul3A_2, %dma_wait3A_42] : memref<128x10000xf32, #tpu.memory_space<hbm>> -> memref<4x10000xf32, #tpu.memory_space<hbm>>
      tpu.wait_dma2 semaphore(%run_scoped3A_36 : memref<!tpu.dma_semaphore, #tpu.memory_space<semaphore_mem>>) src(%arg8 : memref<4x10000xf32, #tpu.memory_space<vmem>>) dst(%dma_wait3A_43 : memref<4x10000xf32, #tpu.memory_space<hbm>>)
      tpu.yield
    }) : () -> ()
    return
  }
}

#map = affine_map<(d0, d1) -> (0, 0)>
#map1 = affine_map<(d0, d1) -> (0)>
module attributes {stable_mosaic.version = 14 : i64} {
  func.func @_agg_kernel(%arg0: i32, %arg1: i32, %arg2: memref<128x10000xf32, #tpu.memory_space<hbm>>, %arg3: memref<1x10000xf32, #tpu.memory_space<hbm>>, %arg4: memref<320000xi32, #tpu.memory_space<hbm>>, %arg5: memref<128x16xf32, #tpu.memory_space<hbm>>, %arg6: memref<128x10000xf32, #tpu.memory_space<hbm>>, %arg7: memref<2x10000xi32, #tpu.memory_space<vmem>>, %arg8: memref<4x10000xf32, #tpu.memory_space<vmem>>, %arg9: memref<10000xf32, #tpu.memory_space<vmem>>, %arg10: memref<2x6400xi32, #tpu.memory_space<vmem>>, %arg11: memref<2x!tpu.dma_semaphore, #tpu.memory_space<semaphore_mem>>, %arg12: memref<4x16xf32, #tpu.memory_space<vmem>>, %arg13: memref<4x10000xf32, #tpu.memory_space<vmem>>) attributes {dimension_semantics = [#tpu.dimension_semantics<core_parallel>, #tpu.dimension_semantics<subcore_parallel>], iteration_bounds = array<i64: 2, 16>, scalar_prefetch = 0 : i64, scratch_operands = 7 : i64, tpu.core_type = #tpu.core_type<sc_vector_subcore>, window_params = [{transform_indices = #map}, {transform_indices = #map}, {transform_indices = #map1}, {transform_indices = #map}, {transform_indices = #map}]} {
    %mul3A = arith.constant 2 : i32
    %mul3A_0 = arith.muli %arg1, %mul3A : i32
    %add3A = arith.addi %mul3A_0, %arg0 : i32
    %mul3A_1 = arith.constant 4 : i32
    %mul3A_2 = arith.muli %add3A, %mul3A_1 : i32
    %run_scoped3A = arith.constant 0 : i32
    "tpu.region"() ({
      %run_scoped3A_36 = tpu.sem_alloc : memref<!tpu.dma_semaphore, #tpu.memory_space<semaphore_mem>>
      %dma_start3A_37 = arith.constant 0 : i32
      %dma_start3A_38 = tpu.memref_slice %arg3[%run_scoped3A, %dma_start3A_37] : memref<1x10000xf32, #tpu.memory_space<hbm>> -> memref<1x10000xf32, #tpu.memory_space<hbm>>
      %dma_start3A_39 = tpu.memref_squeeze %dma_start3A_38 : memref<1x10000xf32, #tpu.memory_space<hbm>> -> memref<10000xf32, #tpu.memory_space<hbm>>
      %dma_start3A_40 = arith.constant 0 : i32
      %dma_start3A_41 = tpu.memref_slice %arg3[%run_scoped3A, %dma_start3A_40] : memref<1x10000xf32, #tpu.memory_space<hbm>> -> memref<1x10000xf32, #tpu.memory_space<hbm>>
      %dma_start3A_42 = tpu.memref_squeeze %dma_start3A_41 : memref<1x10000xf32, #tpu.memory_space<hbm>> -> memref<10000xf32, #tpu.memory_space<hbm>>
      tpu.enqueue_dma source(%dma_start3A_42 : memref<10000xf32, #tpu.memory_space<hbm>>) target(%arg9 : memref<10000xf32, #tpu.memory_space<vmem>>) target_semaphore(%run_scoped3A_36 : memref<!tpu.dma_semaphore, #tpu.memory_space<semaphore_mem>>)
      %dma_wait3A = arith.constant 0 : i32
      %dma_wait3A_43 = tpu.memref_slice %arg3[%run_scoped3A, %dma_wait3A] : memref<1x10000xf32, #tpu.memory_space<hbm>> -> memref<1x10000xf32, #tpu.memory_space<hbm>>
      %dma_wait3A_44 = tpu.memref_squeeze %dma_wait3A_43 : memref<1x10000xf32, #tpu.memory_space<hbm>> -> memref<10000xf32, #tpu.memory_space<hbm>>
      %dma_wait3A_45 = arith.constant 0 : i32
      %dma_wait3A_46 = tpu.memref_slice %arg3[%run_scoped3A, %dma_wait3A_45] : memref<1x10000xf32, #tpu.memory_space<hbm>> -> memref<1x10000xf32, #tpu.memory_space<hbm>>
      %dma_wait3A_47 = tpu.memref_squeeze %dma_wait3A_46 : memref<1x10000xf32, #tpu.memory_space<hbm>> -> memref<10000xf32, #tpu.memory_space<hbm>>
      tpu.wait_dma2 semaphore(%run_scoped3A_36 : memref<!tpu.dma_semaphore, #tpu.memory_space<semaphore_mem>>) src(%dma_wait3A_47 : memref<10000xf32, #tpu.memory_space<hbm>>) dst(%arg9 : memref<10000xf32, #tpu.memory_space<vmem>>)
      tpu.yield
    }) : () -> ()
    "tpu.region"() ({
      %run_scoped3A_36 = tpu.sem_alloc : memref<!tpu.dma_semaphore, #tpu.memory_space<semaphore_mem>>
      %dma_start3A_37 = arith.constant 0 : i32
      %dma_start3A_38 = tpu.memref_slice %arg5[%mul3A_2, %dma_start3A_37] : memref<128x16xf32, #tpu.memory_space<hbm>> -> memref<4x16xf32, #tpu.memory_space<hbm>>
      %dma_start3A_39 = arith.constant 0 : i32
      %dma_start3A_40 = tpu.memref_slice %arg5[%mul3A_2, %dma_start3A_39] : memref<128x16xf32, #tpu.memory_space<hbm>> -> memref<4x16xf32, #tpu.memory_space<hbm>>
      tpu.enqueue_dma source(%dma_start3A_40 : memref<4x16xf32, #tpu.memory_space<hbm>>) target(%arg12 : memref<4x16xf32, #tpu.memory_space<vmem>>) target_semaphore(%run_scoped3A_36 : memref<!tpu.dma_semaphore, #tpu.memory_space<semaphore_mem>>)
      %dma_wait3A = arith.constant 0 : i32
      %dma_wait3A_41 = tpu.memref_slice %arg5[%mul3A_2, %dma_wait3A] : memref<128x16xf32, #tpu.memory_space<hbm>> -> memref<4x16xf32, #tpu.memory_space<hbm>>
      %dma_wait3A_42 = arith.constant 0 : i32
      %dma_wait3A_43 = tpu.memref_slice %arg5[%mul3A_2, %dma_wait3A_42] : memref<128x16xf32, #tpu.memory_space<hbm>> -> memref<4x16xf32, #tpu.memory_space<hbm>>
      tpu.wait_dma2 semaphore(%run_scoped3A_36 : memref<!tpu.dma_semaphore, #tpu.memory_space<semaphore_mem>>) src(%dma_wait3A_43 : memref<4x16xf32, #tpu.memory_space<hbm>>) dst(%arg12 : memref<4x16xf32, #tpu.memory_space<vmem>>)
      tpu.yield
    }) : () -> ()
    "tpu.region"() ({
      %run_scoped3A_36 = tpu.sem_alloc : memref<!tpu.dma_semaphore, #tpu.memory_space<semaphore_mem>>
      %dma_start3A_37 = arith.constant 0 : i32
      %dma_start3A_38 = tpu.memref_slice %arg2[%mul3A_2, %dma_start3A_37] : memref<128x10000xf32, #tpu.memory_space<hbm>> -> memref<4x10000xf32, #tpu.memory_space<hbm>>
      %dma_start3A_39 = arith.constant 0 : i32
      %dma_start3A_40 = tpu.memref_slice %arg2[%mul3A_2, %dma_start3A_39] : memref<128x10000xf32, #tpu.memory_space<hbm>> -> memref<4x10000xf32, #tpu.memory_space<hbm>>
      tpu.enqueue_dma source(%dma_start3A_40 : memref<4x10000xf32, #tpu.memory_space<hbm>>) target(%arg13 : memref<4x10000xf32, #tpu.memory_space<vmem>>) target_semaphore(%run_scoped3A_36 : memref<!tpu.dma_semaphore, #tpu.memory_space<semaphore_mem>>)
      %dma_wait3A = arith.constant 0 : i32
      %dma_wait3A_41 = tpu.memref_slice %arg2[%mul3A_2, %dma_wait3A] : memref<128x10000xf32, #tpu.memory_space<hbm>> -> memref<4x10000xf32, #tpu.memory_space<hbm>>
      %dma_wait3A_42 = arith.constant 0 : i32
      %dma_wait3A_43 = tpu.memref_slice %arg2[%mul3A_2, %dma_wait3A_42] : memref<128x10000xf32, #tpu.memory_space<hbm>> -> memref<4x10000xf32, #tpu.memory_space<hbm>>
      tpu.wait_dma2 semaphore(%run_scoped3A_36 : memref<!tpu.dma_semaphore, #tpu.memory_space<semaphore_mem>>) src(%dma_wait3A_43 : memref<4x10000xf32, #tpu.memory_space<hbm>>) dst(%arg13 : memref<4x10000xf32, #tpu.memory_space<vmem>>)
      tpu.yield
    }) : () -> ()
    %parallel_loop3A = arith.constant 0 : i32
    %parallel_loop3A_3 = arith.constant 625 : i32
    %parallel_loop3A_4 = arith.constant 1 : i32
    scf.for %parallel_loop3A_36 = %parallel_loop3A to %parallel_loop3A_3 step %parallel_loop3A_4  : i32 {
      %parallel_loop3A_37 = arith.constant 16 : i32
      %parallel_loop3A_38 = arith.muli %parallel_loop3A_36, %parallel_loop3A_37 : i32
      %parallel_loop3A_39 = arith.index_cast %parallel_loop3A_38 : i32 to index
      %parallel_loop3A_40 = tpu.vector_load %arg9[%parallel_loop3A_39] {strides = array<i32>} : memref<10000xf32, #tpu.memory_space<vmem>>, vector<16xf32>,
      %parallel_loop3A_41 = arith.constant 0 : i32
      %parallel_loop3A_42 = arith.index_cast %parallel_loop3A_41 : i32 to index
      %parallel_loop3A_43 = arith.index_cast %parallel_loop3A_38 : i32 to index
      %parallel_loop3A_44 = tpu.vector_load %arg13[%parallel_loop3A_42, %parallel_loop3A_43] {strides = array<i32>} : memref<4x10000xf32, #tpu.memory_space<vmem>>, vector<16xf32>,
      %parallel_loop3A_45 = arith.mulf %parallel_loop3A_44, %parallel_loop3A_40 : vector<16xf32>
      %parallel_loop3A_46 = arith.constant 1 : i32
      %parallel_loop3A_47 = arith.index_cast %parallel_loop3A_46 : i32 to index
      %parallel_loop3A_48 = arith.index_cast %parallel_loop3A_38 : i32 to index
      %parallel_loop3A_49 = tpu.vector_load %arg13[%parallel_loop3A_47, %parallel_loop3A_48] {strides = array<i32>} : memref<4x10000xf32, #tpu.memory_space<vmem>>, vector<16xf32>,
      %parallel_loop3A_50 = arith.mulf %parallel_loop3A_49, %parallel_loop3A_40 : vector<16xf32>
      %parallel_loop3A_51 = tpu.pack_subelements %parallel_loop3A_45, %parallel_loop3A_50 {pack_format = #tpu.pack_format<interleaved>, positions = array<i32: 0, 1>} : vector<16xf32>, vector<16xf32> -> vector<32xbf16>
      %parallel_loop3A_52 = vector.bitcast %parallel_loop3A_51 : vector<32xbf16> to vector<16xi32>
      %parallel_loop3A_53 = arith.constant 0 : i32
      %parallel_loop3A_54 = arith.index_cast %parallel_loop3A_53 : i32 to index
      %parallel_loop3A_55 = arith.index_cast %parallel_loop3A_38 : i32 to index
      %parallel_loop3A_56 = tpu.vector_load %arg7[%parallel_loop3A_54, %parallel_loop3A_55] {strides = array<i32>} : memref<2x10000xi32, #tpu.memory_space<vmem>>, vector<16xi32>,
      tpu.vector_store %arg7[%parallel_loop3A_54, %parallel_loop3A_55], %parallel_loop3A_52 {strides = array<i32>} : memref<2x10000xi32, #tpu.memory_space<vmem>>, vector<16xi32>,
      %parallel_loop3A_57 = arith.constant 2 : i32
      %parallel_loop3A_58 = arith.index_cast %parallel_loop3A_57 : i32 to index
      %parallel_loop3A_59 = arith.index_cast %parallel_loop3A_38 : i32 to index
      %parallel_loop3A_60 = tpu.vector_load %arg13[%parallel_loop3A_58, %parallel_loop3A_59] {strides = array<i32>} : memref<4x10000xf32, #tpu.memory_space<vmem>>, vector<16xf32>,
      %parallel_loop3A_61 = arith.mulf %parallel_loop3A_60, %parallel_loop3A_40 : vector<16xf32>
      %parallel_loop3A_62 = arith.constant 3 : i32
      %parallel_loop3A_63 = arith.index_cast %parallel_loop3A_62 : i32 to index
      %parallel_loop3A_64 = arith.index_cast %parallel_loop3A_38 : i32 to index
      %parallel_loop3A_65 = tpu.vector_load %arg13[%parallel_loop3A_63, %parallel_loop3A_64] {strides = array<i32>} : memref<4x10000xf32, #tpu.memory_space<vmem>>, vector<16xf32>,
      %parallel_loop3A_66 = arith.mulf %parallel_loop3A_65, %parallel_loop3A_40 : vector<16xf32>
      %parallel_loop3A_67 = tpu.pack_subelements %parallel_loop3A_61, %parallel_loop3A_66 {pack_format = #tpu.pack_format<interleaved>, positions = array<i32: 0, 1>} : vector<16xf32>, vector<16xf32> -> vector<32xbf16>
      %parallel_loop3A_68 = vector.bitcast %parallel_loop3A_67 : vector<32xbf16> to vector<16xi32>
      %parallel_loop3A_69 = arith.constant 1 : i32
      %parallel_loop3A_70 = arith.index_cast %parallel_loop3A_69 : i32 to index
      %parallel_loop3A_71 = arith.index_cast %parallel_loop3A_38 : i32 to index
      %parallel_loop3A_72 = tpu.vector_load %arg7[%parallel_loop3A_70, %parallel_loop3A_71] {strides = array<i32>} : memref<2x10000xi32, #tpu.memory_space<vmem>>, vector<16xi32>,
      tpu.vector_store %arg7[%parallel_loop3A_70, %parallel_loop3A_71], %parallel_loop3A_68 {strides = array<i32>} : memref<2x10000xi32, #tpu.memory_space<vmem>>, vector<16xi32>,
      %parallel_loop3A_73 = arith.constant 0.000000e+00 : f32
      %parallel_loop3A_74 = vector.broadcast %parallel_loop3A_73 : f32 to vector<16xf32>
      %parallel_loop3A_75 = arith.constant 0 : i32
      %parallel_loop3A_76 = arith.index_cast %parallel_loop3A_75 : i32 to index
      %parallel_loop3A_77 = arith.index_cast %parallel_loop3A_38 : i32 to index
      %parallel_loop3A_78 = tpu.vector_load %arg8[%parallel_loop3A_76, %parallel_loop3A_77] {strides = array<i32>} : memref<4x10000xf32, #tpu.memory_space<vmem>>, vector<16xf32>,
      tpu.vector_store %arg8[%parallel_loop3A_76, %parallel_loop3A_77], %parallel_loop3A_74 {strides = array<i32>} : memref<4x10000xf32, #tpu.memory_space<vmem>>, vector<16xf32>,
      %parallel_loop3A_79 = arith.constant 0.000000e+00 : f32
      %parallel_loop3A_80 = vector.broadcast %parallel_loop3A_79 : f32 to vector<16xf32>
      %parallel_loop3A_81 = arith.constant 1 : i32
      %parallel_loop3A_82 = arith.index_cast %parallel_loop3A_81 : i32 to index
      %parallel_loop3A_83 = arith.index_cast %parallel_loop3A_38 : i32 to index
      %parallel_loop3A_84 = tpu.vector_load %arg8[%parallel_loop3A_82, %parallel_loop3A_83] {strides = array<i32>} : memref<4x10000xf32, #tpu.memory_space<vmem>>, vector<16xf32>,
      tpu.vector_store %arg8[%parallel_loop3A_82, %parallel_loop3A_83], %parallel_loop3A_80 {strides = array<i32>} : memref<4x10000xf32, #tpu.memory_space<vmem>>, vector<16xf32>,
      %parallel_loop3A_85 = arith.constant 0.000000e+00 : f32
      %parallel_loop3A_86 = vector.broadcast %parallel_loop3A_85 : f32 to vector<16xf32>
      %parallel_loop3A_87 = arith.constant 2 : i32
      %parallel_loop3A_88 = arith.index_cast %parallel_loop3A_87 : i32 to index
      %parallel_loop3A_89 = arith.index_cast %parallel_loop3A_38 : i32 to index
      %parallel_loop3A_90 = tpu.vector_load %arg8[%parallel_loop3A_88, %parallel_loop3A_89] {strides = array<i32>} : memref<4x10000xf32, #tpu.memory_space<vmem>>, vector<16xf32>,
      tpu.vector_store %arg8[%parallel_loop3A_88, %parallel_loop3A_89], %parallel_loop3A_86 {strides = array<i32>} : memref<4x10000xf32, #tpu.memory_space<vmem>>, vector<16xf32>,
      %parallel_loop3A_91 = arith.constant 0.000000e+00 : f32
      %parallel_loop3A_92 = vector.broadcast %parallel_loop3A_91 : f32 to vector<16xf32>
      %parallel_loop3A_93 = arith.constant 3 : i32
      %parallel_loop3A_94 = arith.index_cast %parallel_loop3A_93 : i32 to index
      %parallel_loop3A_95 = arith.index_cast %parallel_loop3A_38 : i32 to index
      %parallel_loop3A_96 = tpu.vector_load %arg8[%parallel_loop3A_94, %parallel_loop3A_95] {strides = array<i32>} : memref<4x10000xf32, #tpu.memory_space<vmem>>, vector<16xf32>,
      tpu.vector_store %arg8[%parallel_loop3A_94, %parallel_loop3A_95], %parallel_loop3A_92 {strides = array<i32>} : memref<4x10000xf32, #tpu.memory_space<vmem>>, vector<16xf32>,
    } {sc.loop_unroll_factor = 2 : i64, sc.parallel_access}
    %broadcast_in_dim3A = arith.constant 0 : i32
    %broadcast_in_dim3A_5 = vector.broadcast %broadcast_in_dim3A : i32 to vector<16xi32>
    %broadcast_in_dim3A_6 = arith.constant 1 : i32
    %broadcast_in_dim3A_7 = vector.broadcast %broadcast_in_dim3A_6 : i32 to vector<16xi32>
    %broadcast_in_dim3A_8 = arith.constant 2 : i32
    %broadcast_in_dim3A_9 = vector.broadcast %broadcast_in_dim3A_8 : i32 to vector<16xi32>
    %broadcast_in_dim3A_10 = arith.constant 3 : i32
    %broadcast_in_dim3A_11 = vector.broadcast %broadcast_in_dim3A_10 : i32 to vector<16xi32>
    %broadcast_in_dim3A_12 = arith.constant 0 : i32
    %broadcast_in_dim3A_13 = vector.broadcast %broadcast_in_dim3A_12 : i32 to vector<16xi32>
    %broadcast_in_dim3A_14 = arith.constant 1 : i32
    %broadcast_in_dim3A_15 = vector.broadcast %broadcast_in_dim3A_14 : i32 to vector<16xi32>
    %dma_start3A = arith.constant 0 : i32
    %dma_start3A_16 = arith.constant 0 : i32
    %dma_start3A_17 = arith.constant 0 : i32
    %dma_start3A_18 = tpu.memref_slice %arg10[%dma_start3A, %dma_start3A_17] : memref<2x6400xi32, #tpu.memory_space<vmem>> -> memref<1x6400xi32, #tpu.memory_space<vmem>>
    %dma_start3A_19 = tpu.memref_squeeze %dma_start3A_18 : memref<1x6400xi32, #tpu.memory_space<vmem>> -> memref<6400xi32, #tpu.memory_space<vmem>>
    %dma_start3A_20 = arith.constant 0 : i32
    %dma_start3A_21 = tpu.memref_slice %arg4[%dma_start3A_20] : memref<320000xi32, #tpu.memory_space<hbm>> -> memref<6400xi32, #tpu.memory_space<hbm>>
    %dma_start3A_22 = tpu.memref_slice %arg11[%dma_start3A_16] : memref<2x!tpu.dma_semaphore, #tpu.memory_space<semaphore_mem>> -> memref<1x!tpu.dma_semaphore, #tpu.memory_space<semaphore_mem>>
    %dma_start3A_23 = tpu.memref_squeeze %dma_start3A_22 : memref<1x!tpu.dma_semaphore, #tpu.memory_space<semaphore_mem>> -> memref<!tpu.dma_semaphore, #tpu.memory_space<semaphore_mem>>
    %dma_start3A_24 = arith.constant 0 : i32
    %dma_start3A_25 = tpu.memref_slice %arg10[%dma_start3A, %dma_start3A_24] : memref<2x6400xi32, #tpu.memory_space<vmem>> -> memref<1x6400xi32, #tpu.memory_space<vmem>>
    %dma_start3A_26 = tpu.memref_squeeze %dma_start3A_25 : memref<1x6400xi32, #tpu.memory_space<vmem>> -> memref<6400xi32, #tpu.memory_space<vmem>>
    %dma_start3A_27 = arith.constant 0 : i32
    %dma_start3A_28 = tpu.memref_slice %arg4[%dma_start3A_27] : memref<320000xi32, #tpu.memory_space<hbm>> -> memref<6400xi32, #tpu.memory_space<hbm>>
    tpu.enqueue_dma source(%dma_start3A_28 : memref<6400xi32, #tpu.memory_space<hbm>>) target(%dma_start3A_26 : memref<6400xi32, #tpu.memory_space<vmem>>) target_semaphore(%dma_start3A_23 : memref<!tpu.dma_semaphore, #tpu.memory_space<semaphore_mem>>)
    %scan3A = arith.constant 0 : i32
    %scan3A_29 = arith.constant 50 : i32
    %scan3A_30 = arith.addi %scan3A, %scan3A_29 : i32
    %scan3A_31 = arith.constant 1 : i32
    scf.for %scan3A_36 = %scan3A to %scan3A_30 step %scan3A_31  : i32 {
      %rem3A = arith.constant 2 : i32
      %rem3A_37 = arith.remsi %scan3A_36, %rem3A : i32
      %add3A_38 = arith.constant 1 : i32
      %add3A_39 = arith.addi %scan3A_36, %add3A_38 : i32
      %rem3A_40 = arith.constant 2 : i32
      %rem3A_41 = arith.remsi %add3A_39, %rem3A_40 : i32
      %add3A_42 = arith.constant 1 : i32
      %add3A_43 = arith.addi %scan3A_36, %add3A_42 : i32
      %lt3A = arith.constant 50 : i32
      %lt3A_44 = arith.cmpi slt, %add3A_43, %lt3A : i32
      %convert_element_type3A = arith.extui %lt3A_44 : i1 to i32
      %cond3A = arith.constant 0 : i32
      %cond3A_45 = arith.cmpi ne, %convert_element_type3A, %cond3A : i32
      scf.if %cond3A_45 {
        %add3A_60 = arith.constant 1 : i32
        %add3A_61 = arith.addi %scan3A_36, %add3A_60 : i32
        %mul3A_62 = arith.constant 6400 : i32
        %mul3A_63 = arith.muli %add3A_61, %mul3A_62 : i32
        %dma_start3A_64 = arith.constant 0 : i32
        %dma_start3A_65 = tpu.memref_slice %arg10[%rem3A_41, %dma_start3A_64] : memref<2x6400xi32, #tpu.memory_space<vmem>> -> memref<1x6400xi32, #tpu.memory_space<vmem>>
        %dma_start3A_66 = tpu.memref_squeeze %dma_start3A_65 : memref<1x6400xi32, #tpu.memory_space<vmem>> -> memref<6400xi32, #tpu.memory_space<vmem>>
        %dma_start3A_67 = tpu.memref_slice %arg4[%mul3A_63] : memref<320000xi32, #tpu.memory_space<hbm>> -> memref<6400xi32, #tpu.memory_space<hbm>>
        %dma_start3A_68 = tpu.memref_slice %arg11[%rem3A_41] : memref<2x!tpu.dma_semaphore, #tpu.memory_space<semaphore_mem>> -> memref<1x!tpu.dma_semaphore, #tpu.memory_space<semaphore_mem>>
        %dma_start3A_69 = tpu.memref_squeeze %dma_start3A_68 : memref<1x!tpu.dma_semaphore, #tpu.memory_space<semaphore_mem>> -> memref<!tpu.dma_semaphore, #tpu.memory_space<semaphore_mem>>
        %dma_start3A_70 = arith.constant 0 : i32
        %dma_start3A_71 = tpu.memref_slice %arg10[%rem3A_41, %dma_start3A_70] : memref<2x6400xi32, #tpu.memory_space<vmem>> -> memref<1x6400xi32, #tpu.memory_space<vmem>>
        %dma_start3A_72 = tpu.memref_squeeze %dma_start3A_71 : memref<1x6400xi32, #tpu.memory_space<vmem>> -> memref<6400xi32, #tpu.memory_space<vmem>>
        %dma_start3A_73 = tpu.memref_slice %arg4[%mul3A_63] : memref<320000xi32, #tpu.memory_space<hbm>> -> memref<6400xi32, #tpu.memory_space<hbm>>
        tpu.enqueue_dma source(%dma_start3A_73 : memref<6400xi32, #tpu.memory_space<hbm>>) target(%dma_start3A_72 : memref<6400xi32, #tpu.memory_space<vmem>>) target_semaphore(%dma_start3A_69 : memref<!tpu.dma_semaphore, #tpu.memory_space<semaphore_mem>>)
      } else {
      }
      %mul3A_46 = arith.constant 6400 : i32
      %mul3A_47 = arith.muli %scan3A_36, %mul3A_46 : i32
      %dma_wait3A = arith.constant 0 : i32
      %dma_wait3A_48 = tpu.memref_slice %arg10[%rem3A_37, %dma_wait3A] : memref<2x6400xi32, #tpu.memory_space<vmem>> -> memref<1x6400xi32, #tpu.memory_space<vmem>>
      %dma_wait3A_49 = tpu.memref_squeeze %dma_wait3A_48 : memref<1x6400xi32, #tpu.memory_space<vmem>> -> memref<6400xi32, #tpu.memory_space<vmem>>
      %dma_wait3A_50 = tpu.memref_slice %arg4[%mul3A_47] : memref<320000xi32, #tpu.memory_space<hbm>> -> memref<6400xi32, #tpu.memory_space<hbm>>
      %dma_wait3A_51 = tpu.memref_slice %arg11[%rem3A_37] : memref<2x!tpu.dma_semaphore, #tpu.memory_space<semaphore_mem>> -> memref<1x!tpu.dma_semaphore, #tpu.memory_space<semaphore_mem>>
      %dma_wait3A_52 = tpu.memref_squeeze %dma_wait3A_51 : memref<1x!tpu.dma_semaphore, #tpu.memory_space<semaphore_mem>> -> memref<!tpu.dma_semaphore, #tpu.memory_space<semaphore_mem>>
      %dma_wait3A_53 = arith.constant 0 : i32
      %dma_wait3A_54 = tpu.memref_slice %arg10[%rem3A_37, %dma_wait3A_53] : memref<2x6400xi32, #tpu.memory_space<vmem>> -> memref<1x6400xi32, #tpu.memory_space<vmem>>
      %dma_wait3A_55 = tpu.memref_squeeze %dma_wait3A_54 : memref<1x6400xi32, #tpu.memory_space<vmem>> -> memref<6400xi32, #tpu.memory_space<vmem>>
      %dma_wait3A_56 = tpu.memref_slice %arg4[%mul3A_47] : memref<320000xi32, #tpu.memory_space<hbm>> -> memref<6400xi32, #tpu.memory_space<hbm>>
      tpu.wait_dma2 semaphore(%dma_wait3A_52 : memref<!tpu.dma_semaphore, #tpu.memory_space<semaphore_mem>>) src(%dma_wait3A_56 : memref<6400xi32, #tpu.memory_space<hbm>>) dst(%dma_wait3A_55 : memref<6400xi32, #tpu.memory_space<vmem>>)
      %parallel_loop3A_57 = arith.constant 0 : i32
      %parallel_loop3A_58 = arith.constant 400 : i32
      %parallel_loop3A_59 = arith.constant 1 : i32
      scf.for %parallel_loop3A_60 = %parallel_loop3A_57 to %parallel_loop3A_58 step %parallel_loop3A_59  : i32 {
        %parallel_loop3A_61 = arith.constant 16 : i32
        %parallel_loop3A_62 = arith.muli %parallel_loop3A_60, %parallel_loop3A_61 : i32
        %parallel_loop3A_63 = arith.index_cast %rem3A_37 : i32 to index
        %parallel_loop3A_64 = arith.index_cast %parallel_loop3A_62 : i32 to index
        %parallel_loop3A_65 = tpu.vector_load %arg10[%parallel_loop3A_63, %parallel_loop3A_64] {strides = array<i32>} : memref<2x6400xi32, #tpu.memory_space<vmem>>, vector<16xi32>,
        %parallel_loop3A_66 = arith.constant 65535 : i32
        %parallel_loop3A_67 = vector.broadcast %parallel_loop3A_66 : i32 to vector<16xi32>
        %parallel_loop3A_68 = arith.andi %parallel_loop3A_65, %parallel_loop3A_67 : vector<16xi32>
        %parallel_loop3A_69 = arith.constant 16 : i32
        %parallel_loop3A_70 = vector.broadcast %parallel_loop3A_69 : i32 to vector<16xi32>
        %parallel_loop3A_71 = arith.shrui %parallel_loop3A_65, %parallel_loop3A_70 : vector<16xi32>
        %parallel_loop3A_72 = tpu.vector_load_idx %arg7[%broadcast_in_dim3A_13, %parallel_loop3A_68] : memref<2x10000xi32, #tpu.memory_space<vmem>>[vector<16xi32>, vector<16xi32>], vector<16xi32>,
        %parallel_loop3A_73 = vector.bitcast %parallel_loop3A_72 : vector<16xi32> to vector<32xbf16>
        %parallel_loop3A_74 = tpu.unpack_subelements %parallel_loop3A_73, 0 {pack_format = #tpu.pack_format<interleaved>} : vector<32xbf16> -> vector<16xf32>
        %parallel_loop3A_75 = tpu.unpack_subelements %parallel_loop3A_73, 1 {pack_format = #tpu.pack_format<interleaved>} : vector<32xbf16> -> vector<16xf32>
        %parallel_loop3A_76 = tpu.vector_load_idx %arg7[%broadcast_in_dim3A_15, %parallel_loop3A_68] : memref<2x10000xi32, #tpu.memory_space<vmem>>[vector<16xi32>, vector<16xi32>], vector<16xi32>,
        %parallel_loop3A_77 = vector.bitcast %parallel_loop3A_76 : vector<16xi32> to vector<32xbf16>
        %parallel_loop3A_78 = tpu.unpack_subelements %parallel_loop3A_77, 0 {pack_format = #tpu.pack_format<interleaved>} : vector<32xbf16> -> vector<16xf32>
        %parallel_loop3A_79 = tpu.unpack_subelements %parallel_loop3A_77, 1 {pack_format = #tpu.pack_format<interleaved>} : vector<32xbf16> -> vector<16xf32>
        tpu.vector_store_idx %arg8[%broadcast_in_dim3A_5, %parallel_loop3A_71], %parallel_loop3A_74 {add = true} : memref<4x10000xf32, #tpu.memory_space<vmem>>[vector<16xi32>, vector<16xi32>], vector<16xf32>,
        tpu.vector_store_idx %arg8[%broadcast_in_dim3A_7, %parallel_loop3A_71], %parallel_loop3A_75 {add = true} : memref<4x10000xf32, #tpu.memory_space<vmem>>[vector<16xi32>, vector<16xi32>], vector<16xf32>,
        tpu.vector_store_idx %arg8[%broadcast_in_dim3A_9, %parallel_loop3A_71], %parallel_loop3A_78 {add = true} : memref<4x10000xf32, #tpu.memory_space<vmem>>[vector<16xi32>, vector<16xi32>], vector<16xf32>,
        tpu.vector_store_idx %arg8[%broadcast_in_dim3A_11, %parallel_loop3A_71], %parallel_loop3A_79 {add = true} : memref<4x10000xf32, #tpu.memory_space<vmem>>[vector<16xi32>, vector<16xi32>], vector<16xf32>,
      } {sc.loop_unroll_factor = 4 : i64, sc.parallel_access}
    }
    %scan3A_32 = arith.constant 50 : i32
    %parallel_loop3A_33 = arith.constant 0 : i32
    %parallel_loop3A_34 = arith.constant 625 : i32
    %parallel_loop3A_35 = arith.constant 1 : i32
    scf.for %parallel_loop3A_36 = %parallel_loop3A_33 to %parallel_loop3A_34 step %parallel_loop3A_35  : i32 {
      %parallel_loop3A_37 = arith.constant 16 : i32
      %parallel_loop3A_38 = arith.muli %parallel_loop3A_36, %parallel_loop3A_37 : i32
      %parallel_loop3A_39 = arith.index_cast %parallel_loop3A_38 : i32 to index
      %parallel_loop3A_40 = tpu.vector_load %arg9[%parallel_loop3A_39] {strides = array<i32>} : memref<10000xf32, #tpu.memory_space<vmem>>, vector<16xf32>,
      %parallel_loop3A_41 = arith.constant 0 : i32
      %parallel_loop3A_42 = arith.index_cast %parallel_loop3A_41 : i32 to index
      %parallel_loop3A_43 = arith.index_cast %parallel_loop3A_38 : i32 to index
      %parallel_loop3A_44 = tpu.vector_load %arg7[%parallel_loop3A_42, %parallel_loop3A_43] {strides = array<i32>} : memref<2x10000xi32, #tpu.memory_space<vmem>>, vector<16xi32>,
      %parallel_loop3A_45 = vector.bitcast %parallel_loop3A_44 : vector<16xi32> to vector<32xbf16>
      %parallel_loop3A_46 = tpu.unpack_subelements %parallel_loop3A_45, 0 {pack_format = #tpu.pack_format<interleaved>} : vector<32xbf16> -> vector<16xf32>
      %parallel_loop3A_47 = tpu.unpack_subelements %parallel_loop3A_45, 1 {pack_format = #tpu.pack_format<interleaved>} : vector<32xbf16> -> vector<16xf32>
      %parallel_loop3A_48 = arith.constant 0 : i32
      %parallel_loop3A_49 = arith.index_cast %parallel_loop3A_48 : i32 to index
      %parallel_loop3A_50 = arith.index_cast %parallel_loop3A_38 : i32 to index
      %parallel_loop3A_51 = tpu.vector_load %arg8[%parallel_loop3A_49, %parallel_loop3A_50] {strides = array<i32>} : memref<4x10000xf32, #tpu.memory_space<vmem>>, vector<16xf32>,
      %parallel_loop3A_52 = arith.addf %parallel_loop3A_51, %parallel_loop3A_46 : vector<16xf32>
      %parallel_loop3A_53 = arith.mulf %parallel_loop3A_52, %parallel_loop3A_40 : vector<16xf32>
      %parallel_loop3A_54 = arith.constant 0 : i32
      %parallel_loop3A_55 = arith.index_cast %parallel_loop3A_54 : i32 to index
      %parallel_loop3A_56 = arith.constant 0 : index
      %parallel_loop3A_57 = tpu.vector_load %arg12[%parallel_loop3A_55, %parallel_loop3A_56] {strides = array<i32>} : memref<4x16xf32, #tpu.memory_space<vmem>>, vector<16xf32>,
      %parallel_loop3A_58 = arith.addf %parallel_loop3A_53, %parallel_loop3A_57 : vector<16xf32>
      %parallel_loop3A_59 = arith.constant 0 : i32
      %parallel_loop3A_60 = arith.index_cast %parallel_loop3A_59 : i32 to index
      %parallel_loop3A_61 = arith.index_cast %parallel_loop3A_38 : i32 to index
      %parallel_loop3A_62 = tpu.vector_load %arg8[%parallel_loop3A_60, %parallel_loop3A_61] {strides = array<i32>} : memref<4x10000xf32, #tpu.memory_space<vmem>>, vector<16xf32>,
      tpu.vector_store %arg8[%parallel_loop3A_60, %parallel_loop3A_61], %parallel_loop3A_58 {strides = array<i32>} : memref<4x10000xf32, #tpu.memory_space<vmem>>, vector<16xf32>,
      %parallel_loop3A_63 = arith.constant 1 : i32
      %parallel_loop3A_64 = arith.index_cast %parallel_loop3A_63 : i32 to index
      %parallel_loop3A_65 = arith.index_cast %parallel_loop3A_38 : i32 to index
      %parallel_loop3A_66 = tpu.vector_load %arg8[%parallel_loop3A_64, %parallel_loop3A_65] {strides = array<i32>} : memref<4x10000xf32, #tpu.memory_space<vmem>>, vector<16xf32>,
      %parallel_loop3A_67 = arith.addf %parallel_loop3A_66, %parallel_loop3A_47 : vector<16xf32>
      %parallel_loop3A_68 = arith.mulf %parallel_loop3A_67, %parallel_loop3A_40 : vector<16xf32>
      %parallel_loop3A_69 = arith.constant 1 : i32
      %parallel_loop3A_70 = arith.index_cast %parallel_loop3A_69 : i32 to index
      %parallel_loop3A_71 = arith.constant 0 : index
      %parallel_loop3A_72 = tpu.vector_load %arg12[%parallel_loop3A_70, %parallel_loop3A_71] {strides = array<i32>} : memref<4x16xf32, #tpu.memory_space<vmem>>, vector<16xf32>,
      %parallel_loop3A_73 = arith.addf %parallel_loop3A_68, %parallel_loop3A_72 : vector<16xf32>
      %parallel_loop3A_74 = arith.constant 1 : i32
      %parallel_loop3A_75 = arith.index_cast %parallel_loop3A_74 : i32 to index
      %parallel_loop3A_76 = arith.index_cast %parallel_loop3A_38 : i32 to index
      %parallel_loop3A_77 = tpu.vector_load %arg8[%parallel_loop3A_75, %parallel_loop3A_76] {strides = array<i32>} : memref<4x10000xf32, #tpu.memory_space<vmem>>, vector<16xf32>,
      tpu.vector_store %arg8[%parallel_loop3A_75, %parallel_loop3A_76], %parallel_loop3A_73 {strides = array<i32>} : memref<4x10000xf32, #tpu.memory_space<vmem>>, vector<16xf32>,
      %parallel_loop3A_78 = arith.constant 1 : i32
      %parallel_loop3A_79 = arith.index_cast %parallel_loop3A_78 : i32 to index
      %parallel_loop3A_80 = arith.index_cast %parallel_loop3A_38 : i32 to index
      %parallel_loop3A_81 = tpu.vector_load %arg7[%parallel_loop3A_79, %parallel_loop3A_80] {strides = array<i32>} : memref<2x10000xi32, #tpu.memory_space<vmem>>, vector<16xi32>,
      %parallel_loop3A_82 = vector.bitcast %parallel_loop3A_81 : vector<16xi32> to vector<32xbf16>
      %parallel_loop3A_83 = tpu.unpack_subelements %parallel_loop3A_82, 0 {pack_format = #tpu.pack_format<interleaved>} : vector<32xbf16> -> vector<16xf32>
      %parallel_loop3A_84 = tpu.unpack_subelements %parallel_loop3A_82, 1 {pack_format = #tpu.pack_format<interleaved>} : vector<32xbf16> -> vector<16xf32>
      %parallel_loop3A_85 = arith.constant 2 : i32
      %parallel_loop3A_86 = arith.index_cast %parallel_loop3A_85 : i32 to index
      %parallel_loop3A_87 = arith.index_cast %parallel_loop3A_38 : i32 to index
      %parallel_loop3A_88 = tpu.vector_load %arg8[%parallel_loop3A_86, %parallel_loop3A_87] {strides = array<i32>} : memref<4x10000xf32, #tpu.memory_space<vmem>>, vector<16xf32>,
      %parallel_loop3A_89 = arith.addf %parallel_loop3A_88, %parallel_loop3A_83 : vector<16xf32>
      %parallel_loop3A_90 = arith.mulf %parallel_loop3A_89, %parallel_loop3A_40 : vector<16xf32>
      %parallel_loop3A_91 = arith.constant 2 : i32
      %parallel_loop3A_92 = arith.index_cast %parallel_loop3A_91 : i32 to index
      %parallel_loop3A_93 = arith.constant 0 : index
      %parallel_loop3A_94 = tpu.vector_load %arg12[%parallel_loop3A_92, %parallel_loop3A_93] {strides = array<i32>} : memref<4x16xf32, #tpu.memory_space<vmem>>, vector<16xf32>,
      %parallel_loop3A_95 = arith.addf %parallel_loop3A_90, %parallel_loop3A_94 : vector<16xf32>
      %parallel_loop3A_96 = arith.constant 2 : i32
      %parallel_loop3A_97 = arith.index_cast %parallel_loop3A_96 : i32 to index
      %parallel_loop3A_98 = arith.index_cast %parallel_loop3A_38 : i32 to index
      %parallel_loop3A_99 = tpu.vector_load %arg8[%parallel_loop3A_97, %parallel_loop3A_98] {strides = array<i32>} : memref<4x10000xf32, #tpu.memory_space<vmem>>, vector<16xf32>,
      tpu.vector_store %arg8[%parallel_loop3A_97, %parallel_loop3A_98], %parallel_loop3A_95 {strides = array<i32>} : memref<4x10000xf32, #tpu.memory_space<vmem>>, vector<16xf32>,
      %parallel_loop3A_100 = arith.constant 3 : i32
      %parallel_loop3A_101 = arith.index_cast %parallel_loop3A_100 : i32 to index
      %parallel_loop3A_102 = arith.index_cast %parallel_loop3A_38 : i32 to index
      %parallel_loop3A_103 = tpu.vector_load %arg8[%parallel_loop3A_101, %parallel_loop3A_102] {strides = array<i32>} : memref<4x10000xf32, #tpu.memory_space<vmem>>, vector<16xf32>,
      %parallel_loop3A_104 = arith.addf %parallel_loop3A_103, %parallel_loop3A_84 : vector<16xf32>
      %parallel_loop3A_105 = arith.mulf %parallel_loop3A_104, %parallel_loop3A_40 : vector<16xf32>
      %parallel_loop3A_106 = arith.constant 3 : i32
      %parallel_loop3A_107 = arith.index_cast %parallel_loop3A_106 : i32 to index
      %parallel_loop3A_108 = arith.constant 0 : index
      %parallel_loop3A_109 = tpu.vector_load %arg12[%parallel_loop3A_107, %parallel_loop3A_108] {strides = array<i32>} : memref<4x16xf32, #tpu.memory_space<vmem>>, vector<16xf32>,
      %parallel_loop3A_110 = arith.addf %parallel_loop3A_105, %parallel_loop3A_109 : vector<16xf32>
      %parallel_loop3A_111 = arith.constant 3 : i32
      %parallel_loop3A_112 = arith.index_cast %parallel_loop3A_111 : i32 to index
      %parallel_loop3A_113 = arith.index_cast %parallel_loop3A_38 : i32 to index
      %parallel_loop3A_114 = tpu.vector_load %arg8[%parallel_loop3A_112, %parallel_loop3A_113] {strides = array<i32>} : memref<4x10000xf32, #tpu.memory_space<vmem>>, vector<16xf32>,
      tpu.vector_store %arg8[%parallel_loop3A_112, %parallel_loop3A_113], %parallel_loop3A_110 {strides = array<i32>} : memref<4x10000xf32, #tpu.memory_space<vmem>>, vector<16xf32>,
    } {sc.loop_unroll_factor = 2 : i64, sc.parallel_access}
    "tpu.region"() ({
      %run_scoped3A_36 = tpu.sem_alloc : memref<!tpu.dma_semaphore, #tpu.memory_space<semaphore_mem>>
      %dma_start3A_37 = arith.constant 0 : i32
      %dma_start3A_38 = tpu.memref_slice %arg6[%mul3A_2, %dma_start3A_37] : memref<128x10000xf32, #tpu.memory_space<hbm>> -> memref<4x10000xf32, #tpu.memory_space<hbm>>
      %dma_start3A_39 = arith.constant 0 : i32
      %dma_start3A_40 = tpu.memref_slice %arg6[%mul3A_2, %dma_start3A_39] : memref<128x10000xf32, #tpu.memory_space<hbm>> -> memref<4x10000xf32, #tpu.memory_space<hbm>>
      tpu.enqueue_dma source(%arg8 : memref<4x10000xf32, #tpu.memory_space<vmem>>) target(%dma_start3A_40 : memref<4x10000xf32, #tpu.memory_space<hbm>>) target_semaphore(%run_scoped3A_36 : memref<!tpu.dma_semaphore, #tpu.memory_space<semaphore_mem>>)
      %dma_wait3A = arith.constant 0 : i32
      %dma_wait3A_41 = tpu.memref_slice %arg6[%mul3A_2, %dma_wait3A] : memref<128x10000xf32, #tpu.memory_space<hbm>> -> memref<4x10000xf32, #tpu.memory_space<hbm>>
      %dma_wait3A_42 = arith.constant 0 : i32
      %dma_wait3A_43 = tpu.memref_slice %arg6[%mul3A_2, %dma_wait3A_42] : memref<128x10000xf32, #tpu.memory_space<hbm>> -> memref<4x10000xf32, #tpu.memory_space<hbm>>
      tpu.wait_dma2 semaphore(%run_scoped3A_36 : memref<!tpu.dma_semaphore, #tpu.memory_space<semaphore_mem>>) src(%arg8 : memref<4x10000xf32, #tpu.memory_space<vmem>>) dst(%dma_wait3A_43 : memref<4x10000xf32, #tpu.memory_space<hbm>>)
      tpu.yield
    }) : () -> ()
    return
  }
}

module attributes {stable_mosaic.version = 14 : i64} {
  func.func @_mm_t_body(%arg0: memref<128x10000xf32, #tpu.memory_space<vmem>>, %arg1: memref<128x256xf32, #tpu.memory_space<vmem>>, %arg2: memref<256x1xf32, #tpu.memory_space<vmem>>, %arg3: memref<256x128xf32, #tpu.memory_space<vmem>>, %arg4: memref<128x10000xf32, #tpu.memory_space<vmem>>) attributes {dimension_semantics = [], scalar_prefetch = 0 : i64, scratch_operands = 0 : i64, tpu.core_type = #tpu.core_type<tc>} {
    %get3A = arith.constant 0 : index
    %get3A_0 = arith.constant 0 : index
    %get3A_1 = vector.load %arg1[%get3A, %get3A_0] : memref<128x256xf32, #tpu.memory_space<vmem>>, vector<128x256xf32>
    %get3A_2 = arith.constant 0 : index
    %get3A_3 = arith.constant 0 : index
    %get3A_4 = vector.load %arg0[%get3A_2, %get3A_3] : memref<128x10000xf32, #tpu.memory_space<vmem>>, vector<128x10000xf32>
    %dot_general3A = arith.constant dense<0.000000e+00> : vector<256x10000xf32>
    %dot_general3A_5 = tpu.matmul %get3A_1, %get3A_4, %dot_general3A {dimension_numbers = #tpu.dot_dimension_numbers<[0], [0], [1], [1], [0, 1, 1, 1], [], []>, transpose_lhs_hint = false} : vector<128x256xf32>, vector<128x10000xf32>, vector<256x10000xf32> -> vector<256x10000xf32>
    %get3A_6 = arith.constant 0 : index
    %get3A_7 = arith.constant 0 : index
    %get3A_8 = vector.load %arg2[%get3A_6, %get3A_7] : memref<256x1xf32, #tpu.memory_space<vmem>>, vector<256x1xf32>
    %add3A = vector.broadcast %get3A_8 : vector<256x1xf32> to vector<256x10000xf32>
    %add3A_9 = arith.addf %dot_general3A_5, %add3A : vector<256x10000xf32>
    %max3A = arith.constant 0.000000e+00 : f32
    %max3A_10 = vector.broadcast %max3A : f32 to vector<256x10000xf32>
    %max3A_11 = arith.maximumf %add3A_9, %max3A_10 : vector<256x10000xf32>
    %get3A_12 = arith.constant 0 : index
    %get3A_13 = arith.constant 0 : index
    %get3A_14 = vector.load %arg3[%get3A_12, %get3A_13] : memref<256x128xf32, #tpu.memory_space<vmem>>, vector<256x128xf32>
    %dot_general3A_15 = arith.constant dense<0.000000e+00> : vector<128x10000xf32>
    %dot_general3A_16 = tpu.matmul %get3A_14, %max3A_11, %dot_general3A_15 {dimension_numbers = #tpu.dot_dimension_numbers<[0], [0], [1], [1], [0, 1, 1, 1], [], []>, transpose_lhs_hint = false} : vector<256x128xf32>, vector<256x10000xf32>, vector<128x10000xf32> -> vector<128x10000xf32>
    %swap3A = arith.constant 0 : index
    %swap3A_17 = arith.constant 0 : index
    %swap3A_18 = vector.load %arg4[%swap3A, %swap3A_17] : memref<128x10000xf32, #tpu.memory_space<vmem>>, vector<128x10000xf32>
    tpu.vector_store %arg4[%swap3A, %swap3A_17], %dot_general3A_16 {strides = array<i32>} : memref<128x10000xf32, #tpu.memory_space<vmem>>, vector<128x10000xf32>,
    return
  }
}

module attributes {stable_mosaic.version = 14 : i64} {
  func.func @_dinv_body(%arg0: memref<32x10000xf32, #tpu.memory_space<vmem>>, %arg1: memref<1x10000xf32, #tpu.memory_space<vmem>>) attributes {dimension_semantics = [], scalar_prefetch = 0 : i64, scratch_operands = 0 : i64, tpu.core_type = #tpu.core_type<tc>} {
    %get3A = arith.constant 0 : index
    %get3A_0 = arith.constant 0 : index
    %get3A_1 = vector.load %arg0[%get3A, %get3A_0] : memref<32x10000xf32, #tpu.memory_space<vmem>>, vector<32x10000xf32>
    %reduce_sum3A = arith.constant dense<0.000000e+00> : vector<10000xf32>
    %reduce_sum3A_2 = vector.multi_reduction <add>, %get3A_1, %reduce_sum3A [0] : vector<32x10000xf32> to vector<10000xf32>
    %broadcast_in_dim3A = vector.shape_cast %reduce_sum3A_2 : vector<10000xf32> to vector<1x10000xf32>
    %add3A = arith.constant 1.000000e+00 : f32
    %add3A_3 = vector.broadcast %add3A : f32 to vector<1x10000xf32>
    %add3A_4 = arith.addf %broadcast_in_dim3A, %add3A_3 : vector<1x10000xf32>
    %rsqrt3A = math.rsqrt %add3A_4 : vector<1x10000xf32>
    %swap3A = arith.constant 0 : index
    %swap3A_5 = arith.constant 0 : index
    %swap3A_6 = vector.load %arg1[%swap3A, %swap3A_5] : memref<1x10000xf32, #tpu.memory_space<vmem>>, vector<1x10000xf32>
    tpu.vector_store %arg1[%swap3A, %swap3A_5], %rsqrt3A {strides = array<i32>} : memref<1x10000xf32, #tpu.memory_space<vmem>>, vector<1x10000xf32>,
    return
  }
}

</mosaic_0001>

<sc_bundles>
// kernel: kernel.10.cloned.1.call-start
scs
__scs_entry_jumppad:
0x0: {  	(pc) =	sbr.rel $0x88, $3  }
0x1: {  	(tag) =	ssettag $0x0;
	lr =	simm.s32 $0x1  }
0x2: {  	[smem:$0x3F9B] =	sst lr;
	_ =	strace $0xD0000000  }
0x3: {  	_ = 	snop  }
0x4: {  	_ = 	snop  }
0x5: {  	_ = 	snop  }
0x6: {  	_ = 	snop  }
0x7: {  	_ = 	snop  }
__scs_overlays_trampoline_lowered:
0x8: {  	[smem:$0x3FAA] =	sst s0  }
0x9: {  	[smem:$0x3FAB] =	sst s1  }
0xa: {  	[smem:$0x3FAC] =	sst s2  }
0xb: {  	[smem:$0x3FAD] =	sst s3  }
0xc: {  	[smem:$0x3FAE] =	sst s4  }
0xd: {  	[smem:$0x3FAF] =	sst s5  }
0xe: {  	[smem:$0x3FB0] =	sst s6  }
0xf: {  	[smem:$0x3FB1] =	sst s7  }
0x10: {  	[smem:$0x3FB2] =	sst s8  }
0x11: {  	[smem:$0x3FB3] =	sst s9;
	s0 =	simm.s32 @!p0 $0x0  }
0x12: {  	s1 =	sld [smem:$0x3F99];
	s0 =	simm.s32 @p0 $0x1  }
0x13: {  	[smem:$0x3FB4] =	sst s0;
	s0 =	simm.s32 @!p1 $0x0  }
0x14: {  	s2 =	sld [smem:$0x3F98];
	s0 =	simm.s32 @p1 $0x1  }
0x15: {  	[smem:$0x3FB5] =	sst s0;
	s0 =	simm.s32 @!p2 $0x0  }
0x16: {  	s3 =	sld [smem:$0x3FDB];
	s0 =	simm.s32 @p2 $0x1  }
0x17: {  	s4 =	simm.s32 $0x1BF5;
	[smem:$0x3FB7] =	sst s0  }
0x18: {  	s0 =	sld [smem:$0x3F9A];
	_ =	swait.ge [sflag:s4], $0x0  }
0x19: {  	s7 =	sld [smem:$0x3F9B]  }
0x1a: {  	s8 =	sadd.s32 $0xFFFFE003, lr  }
0x1b: {  	s9 =	sadd.s32 $0xFFFFFEF7, lr;
	s5 =	simm.s32 $0xFFFFFFFF;
	p2 =	slt.u32 s8, $0xFFFFF086  }
0x1c: {  	p1 =	slt.u32 s9, $0xF7A;
	s5 =	simm.s32 @!p2 $0x0  }
0x1d: {  	s5 =	simm.s32 @p1 $0x1;
	p0 =	seq.s32 s7, s2  }
0x1e: {  	s7 =	smul.u32 @!p0 $0xF7A, s2;
	p2 =	seq.s32 @!p0 s5, $0x0  }
0x1f: {  	s9 =	smul.u32 $0xF7A, s1;
	s8 =	simm.s32 @!p0 $0x1BF5;
	p2 =	por !p2, p0  }
0x20: {  	[sflag:s8] =	ssyncset.s32 @!p0 $0xFFFFF086;
	s6 =	sadd.s32 @!p0 s3, s7;
	s7 =	simm.s32 @!p0 $0x108  }
0x21: {  	s3 =	sadd.s32 s3, s9;
	s6 =	sadd.s32 @!p0 $0x88, s6;
	s7 =	simm.s32 @p2 $0x1082  }
0x22: {  	[simem:s7], [sflag:s8] =	dma.local @!p0 [hbm:s6], $0xF7A  }
0x23: {  	s9 =	sor.u32 $0xD0000000, s2;
	s6 =	simm.s32 $0x108;
	_ =	swait.ge @!p0 [sflag:s8], $0x0  }
0x24: {  	s3 =	sadd.s32 $0x88, s3;
	s6 =	simm.s32 @!p1 $0x1082;
	[sflag:s4] =	ssyncset.s32 $0xFFFFF086  }
0x25: {  	[simem:s6], [sflag:s4] =	dma.local [hbm:s3], $0xF7A  }
0x26: {  	[smem:$0x3F9B] =	sst s1;
	(tag) =	ssettag s2;
	_ =	strace s9  }
0x27: {  	s1 =	sld [smem:$0x3FAB]  }
0x28: {  	s2 =	sld [smem:$0x3FAC]  }
0x29: {  	s4 =	sld [smem:$0x3FAE]  }
0x2a: {  	p0 =	seq.s32 s5, $0x0;
	s5 =	sld [smem:$0x3FAF]  }
0x2b: {  	s6 =	sld [smem:$0x3FB0]  }
0x2c: {  	s7 =	sld [smem:$0x3FB1]  }
0x2d: {  	s3 =	simm.s32 $0x108;
	s8 =	sld [smem:$0x3FB2]  }
0x2e: {  	s3 =	simm.s32 @!p0 $0x1082;
	s9 =	sld [smem:$0x3FB3]  }
0x2f: {  	lr =	sadd.s32 s0, s3;
	s0 =	sld [smem:$0x3FAA]  }
0x30: {  	s3 =	sld [smem:$0x3FAD]  }
0x31: {  	[smem:$0x3FB6] =	sst s10  }
0x32: {  	s10 =	sld [smem:$0x3FB4];
	_ =	sdelay $0x3  }
0x33: {  	p0 =	seq.s32 s10, $0x1;
	s10 =	sld [smem:$0x3FB6];
	_ =	sdelay $0x3  }
0x34: {  	[smem:$0x3FB6] =	sst s10  }
0x35: {  	s10 =	sld [smem:$0x3FB5];
	_ =	sdelay $0x3  }
0x36: {  	p1 =	seq.s32 s10, $0x1;
	s10 =	sld [smem:$0x3FB6];
	_ =	sdelay $0x3  }
0x37: {  	[smem:$0x3FB6] =	sst s10  }
0x38: {  	s10 =	sld [smem:$0x3FB7]  }
0x39: {  	_ = 	snop;
	(pc) =	sbr.ind lr, $3  }
0x3a: {  	_ = 	snop  }
0x3b: {  	_ = 	snop  }
0x3c: {  	p2 =	seq.s32 s10, $0x1;
	s10 =	sld [smem:$0x3FB6]  }
0x3d: {  	_ =	shalt  }
0x3e: {  	_ =	shalt  }
0x3f: {  	_ =	shalt  }
0x40: {  	_ =	shalt  }
0x41: {  	_ =	shalt  }
0x42: {  	_ =	shalt  }
0x43: {  	_ =	shalt  }
0x44: {  	_ =	shalt  }
0x45: {  	_ =	shalt  }
0x46: {  	_ =	shalt  }
0x47: {  	_ =	shalt  }
0x48: {  	_ =	shalt  }
0x49: {  	_ =	shalt  }
0x4a: {  	_ =	shalt  }
0x4b: {  	_ =	shalt  }
0x4c: {  	_ =	shalt  }
0x4d: {  	_ =	shalt  }
0x4e: {  	_ =	shalt  }
0x4f: {  	_ =	shalt  }
0x50: {  	_ =	shalt  }
0x51: {  	_ =	shalt  }
0x52: {  	_ =	shalt  }
0x53: {  	_ =	shalt  }
0x54: {  	_ =	shalt  }
0x55: {  	_ =	shalt  }
0x56: {  	_ =	shalt  }
0x57: {  	_ =	shalt  }
0x58: {  	_ =	shalt  }
0x59: {  	_ =	shalt  }
0x5a: {  	_ =	shalt  }
0x5b: {  	_ =	shalt  }
0x5c: {  	_ =	shalt  }
0x5d: {  	_ =	shalt  }
0x5e: {  	_ =	shalt  }
0x5f: {  	_ =	shalt  }
0x60: {  	_ =	shalt  }
0x61: {  	_ =	shalt  }
0x62: {  	_ =	shalt  }
0x63: {  	_ =	shalt  }
0x64: {  	_ =	shalt  }
0x65: {  	_ =	shalt  }
0x66: {  	_ =	shalt  }
0x67: {  	_ =	shalt  }
0x68: {  	_ =	shalt  }
0x69: {  	_ =	shalt  }
0x6a: {  	_ =	shalt  }
0x6b: {  	_ =	shalt  }
0x6c: {  	_ =	shalt  }
0x6d: {  	_ =	shalt  }
0x6e: {  	_ =	shalt  }
0x6f: {  	_ =	shalt  }
0x70: {  	_ =	shalt  }
0x71: {  	_ =	shalt  }
0x72: {  	_ =	shalt  }
0x73: {  	_ =	shalt  }
0x74: {  	_ =	shalt  }
0x75: {  	_ =	shalt  }
0x76: {  	_ =	shalt  }
0x77: {  	_ =	shalt  }
0x78: {  	_ =	shalt  }
0x79: {  	_ =	shalt  }
0x7a: {  	_ =	shalt  }
0x7b: {  	_ =	shalt  }
0x7c: {  	_ =	shalt  }
0x7d: {  	_ =	shalt  }
0x7e: {  	_ =	shalt  }
0x7f: {  	_ =	shalt  }
0x80: {  	_ =	shalt  }
0x81: {  	_ =	shalt  }
0x82: {  	_ =	shalt  }
0x83: {  	_ =	shalt  }
0x84: {  	_ =	shalt  }
0x85: {  	_ =	shalt  }
0x86: {  	_ =	shalt  }
0x87: {  	_ =	shalt  }
.Lfunc_end0:
.L_simem_size_0:
called_computation.1_lowered:
.L_overlay_start_0:
0x88: {  	s2 =	sld [smem:$0x3FD9]  }
0x89: {  	s3 =	sld [smem:$0x3FFE];
	_ =	sdelay $0x1  }
0x8a: {  	s1 =	srdreg.scid  }
0x8b: {  	s0 =	sand.u32 $0x1, s1  }
0x8c: {  	s17 =	sshll.u32 s0, $0xA;
	s2 =	sadd.s32 s3, s2  }
0x8d: {  	s2 =	sadd.s32 s2, s17  }
0x8e: {  	[smem:$0x3FC2] =	sst s2  }
0x8f: {  	_ = 	snop  }
0x90: {  	s2 =	sld [smem:$0x3FD0];
	(tm) =	ssettm $0x1  }
0x91: {  	s18 =	sld [smem:$0x3FFB];
	_ =	sdelay $0x3  }
0x92: {  	_ =	strace s18  }
0x93: {  	s3 =	sld [smem:$0x3FFC];
	_ =	sdelay $0x3  }
0x94: {  	_ =	strace s3  }
0x95: {  	s3 =	sld [smem:$0x3FFD];
	_ =	sdelay $0x3  }
0x96: {  	_ =	strace s3  }
0x97: {  	_ =	strace $0x8FFFFFFF  }
0x98: {  	s19 =	sld [smem:$0x3FDB];
	_ =	sdelay $0x1  }
0x99: {  	s4 =	simm.s32 $_scs_section_size  }
0x9a: {  	s5 =	simm.s32 $_size__tile_overlayer_lowered;
	s6 =	simm.s32 $_tile_overlayer_lowered  }
0x9b: {  	s22 =	simm.s32 $0x1BFF;
	s21 =	sshll.u32 s6, $0x1;
	s3 =	sadd.s32 s4, s19  }
0x9c: {  	s7 =	simm.s32 $0x0;
	s20 =	sshll.u32 s5, $0x1;
	s5 =	sadd.s32 s21, s3  }
0x9d: {  	[timem:s7], [sflag:s22] =	dma.local [hbm:s5], s20  }
0x9e: {  	_ =	swait.ge [sflag:s22], s20  }
0x9f: {  	s4 =	ssub.s32 $0x0, s20;
	[sflag:s22] =	ssyncset.done $0x0  }
0xa0: {  	[sflag:s22] =	ssyncadd.s32 s4;
	_ =	sdelay $0x1  }
0xa1: {  	s23 =	simm.s32 $0x1B8B  }
0xa2: {  	_ =	swait.ge [sflag:s23], $0x1  }
0xa3: {  	[sflag:s23] =	ssyncset.done $0x0  }
0xa4: {  	s25 =	simm.s32 $0x1B8E;
	s24 =	sld [smem:$0x3FFE];
	[sflag:s23] =	ssyncadd.s32 $0xFFFFFFFF  }
0xa5: {  	s26 =	simm.s32 $execute0_lowered;
	[smem:$0x3FD2] =	sst s25  }
0xa6: {  	s5 =	sshll.u32 s26, $0x1;
	_ =	strace $0x80000049;
	[dreg:$0x1] =	wrdreg $0xFFFFFFFF  }
0xa7: {  	s28 =	simm.s32 $_size_execute0_lowered;
	s3 =	sadd.s32 s3, s5;
	[dreg:$0x0] =	wrdreg $0x0  }
0xa8: {  	s5 =	sshll.u32 s28, $0x1;
	[dreg:$0x2] =	wrdreg s3  }
0xa9: {  	[dreg:$0x3] =	wrdreg s5  }
0xaa: {  	[dreg:$0x4] =	wrdreg $0xC0  }
0xab: {  	_ =	task [dreg:s7], $0x5FFFF  }
0xac: {  	[dreg:$0x1] =	wrdreg $0xFFFFFFFF  }
0xad: {  	[dreg:$0x0] =	wrdreg $0x60  }
0xae: {  	[dreg:$0x2] =	wrdreg s24  }
0xaf: {  	[dreg:$0x3] =	wrdreg s2  }
0xb0: {  	[dreg:$0x4] =	wrdreg $0x9  }
0xb1: {  	_ =	task.clear_ibuf [dreg:s7], $0x5FFFF;
	_ =	strace $0x90000049  }
0xb2: {  	s29 =	simm.s32 $0x9;
	_ =	strace $0x8000004B  }
0xb3: {  	_ =	swait.ge [sflag:s29], $0x1  }
0xb4: {  	[sflag:s29] =	ssyncadd.s32 $0xFFFFFFFF  }
0xb5: {  	_ =	strace $0x9000004B  }
0xb6: {  	_ =	sfence  }
0xb7: {  	s30 =	sld [smem:$0x0];
	_ =	sdelay $0x2  }
0xb8: {  	s31 =	sshll.u32 s1, $0xD;
	s1 =	sshrl.u32 s1, $0x2  }
0xb9: {  	s3 =	sand.u32 $0x4000, s31;
	s1 =	sadd.s32 s1, s30  }
0xba: {  	s0 =	sor.u32 s3, s0;
	s1 =	sshll.u32 s1, $0x11  }
0xbb: {  	s0 =	sor.u32 s1, s0  }
0xbc: {  	s0 =	sadd.s32 $0x8F2B, s0  }
0xbd: {  	[sflag:s0] =	ssyncadd.remote.s32 $0x1  }
0xbe: {  	_ =	sfence.sel $0xFFFF  }
0xbf: {  	[dreg:$0x0] =	wrdreg $0xFFFFFFFF;
	(pc) =	sbr.abs _section_cstart, $3  }
0xc0: {  	[dreg:$0x1] =	wrdreg $0xFFFFFFFF  }
0xc1: {  	_ =	task.clear_ibuf [dreg:s7], $0x2FFFF;
	_ =	strace $0x9FFFFFFF  }
0xc2: {  	(tm) =	ssettm $0x7FFFFFFF  }
0xc3: {  	_ =	shalt  }
tec
execute0_lowered:
.L_overlay_start_1:
0x0: {  	(tag) =	ssettag $0x1  }
0x1: {  	s5 =	rddreg [dreg:$0x0]  }
0x2: {  	s6 =	rddreg [dreg:$0x1]  }
0x3: {  	s0 =	rddreg [dreg:$0x2]  }
0x4: {  	s2 =	simm.s32 $0x0;
	s3 =	srdreg.scid;
	s1 =	stileid.u32  }
0x5: {  	s11 =	simm.s32 $0x200;
	s12 =	simm.s32 $0x400;
	s13 =	simm.s32 $0x14880  }
0x6: {  	s14 =	simm.s32 $0x4F00;
	s15 =	simm.s32 $0x0;
	[smem:$0x7FF] =	sst s2  }
0x7: {  	s7 =	sand.u32 $0x1, s3;
	s8 =	smul.u32 $0x13C00, s1;
	s3 =	sadd.s32 $0x33800, s5  }
0x8: {  	s4 =	sadd.s32 $0x2200, s5;
	s10 =	sshll.u32 s1, $0xA;
	s9 =	sshll.u32 s7, $0x9  }
0x9: {  	_ =	strace $0x8000004A;
	s7 =	ssub.s32 $0x2, s7;
	s8 =	sor.u32 s9, s8  }
0xa: {  	s9 =	sor.u32 s9, s10;
	s30 =	sshrl.u32 s7, $0x1;
	s10 =	simm.s32 $0x14680  }
0xb: {  	s8 =	sshrl.u32 s8, $0x3;
	s9 =	sshrl.u32 s9, $0x3;
	s31 =	ssub.s32 s7, s30  }
0xc: {  	s8 =	sadd.s32 s8, s5;
	s5 =	sadd.s32 s6, s9;
	s9 =	simm.s32 $0x3  }
0xd: {  	v0 =	vimm.f32 $0.0e+00;
	s6 =	sadd.s32 $0xC000, s8;
	s7 =	sadd.s32 $0x33E00, s8;
	s8 =	smax.u32 s31, $0x1  }
.LBB2_1:
0xe: {  	s16 =	simm.s32 $0xED00  }
0xf: {  	[tilespmem:s16], [sflag:$0x3] =	stream.linear.gather [hbm4b:s3+s2], $0x2780, $0x38;
	[tilespmem:$0x1E680] =	vst v63  }
0x10: {  	_ =	swait.ge [sflag:s9], $0x2780  }
0x11: {  	[sflag:s9] =	ssyncset.done $0x0  }
0x12: {  	[sflag:s9] =	ssyncadd.s32 $0xFFFFD880  }
0x13: {  	[tilespmem:s10], [sflag:$0x3] =	stream.linear.gather [hbm4b:s5+s2], $0x200, $0x38;
	[tilespmem:$0x1E680] =	vst v63  }
0x14: {  	_ =	swait.ge [sflag:s9], $0x200  }
0x15: {  	[sflag:s9] =	ssyncset.done $0x0  }
0x16: {  	[sflag:s9] =	ssyncadd.s32 $0xFFFFFE00  }
0x17: {  	[tilespmem:s13], [sflag:$0x3] =	stream.strided.gather [hbm4b:s6+s11], $0x9E00, s12, s11, $0x38;
	[tilespmem:$0x1E680] =	vst v63  }
0x18: {  	s18 =	sand.u32 $0x60, s2;
	_ =	swait.ge [sflag:s9], $0x9E00  }
0x19: {  	s19 =	sand.u32 $0x3F80, s2;
	s17 =	sor.u32 $0x10, s18;
	[sflag:s9] =	ssyncset.done $0x0  }
0x1a: {  	s20 =	simm.s32 $0x0;
	s19 =	sor.u32 s17, s19;
	[sflag:s9] =	ssyncadd.s32 $0xFFFF6200  }
0x1b: {  	s20 =	sand.u32 $0xFFFFFE00, s20;
	v2 =	vld [tilespmem:s19+$0xED00]  }
0x1c: {  	s26 =	sor.u32 s18, s20;
	v4 =	vld [tilespmem:s16+$0x0]  }
0x1d: {  	v5 =	vld [tilespmem:s26+$0x14880]  }
0x1e: {  	s19 =	sor.u32 s20, s17;
	v7 =	vld [tilespmem:s26+$0x14900]  }
0x1f: {  	s30 =	simm.s32 $0x20;
	v1 =	vld [tilespmem:s19+$0x14880]  }
0x20: {  	s21 =	simm.s32 $0x0;
	s20 =	sand.u32 $0x60, s30;
	v3 =	vld [tilespmem:s19+$0x14900]  }
0x21: {  	s23 =	simm.s32 $0x80;
	s16 =	sand.u32 $0x3F80, s30;
	s25 =	sor.u32 $0x10, s20  }
0x22: {  	s21 =	sand.u32 $0x3FFFFF00, s21;
	s24 =	sand.u32 $0xFFFFFE00, s23;
	s16 =	sor.u32 s25, s16  }
0x23: {  	s31 =	sor.u32 s17, s21;
	s17 =	sor.u32 s24, s25;
	v11 =	vld [tilespmem:s16+$0xED00]  }
0x24: {  	v8 =	vld [tilespmem:s17+$0x14880];
	v5 =	vmul.f32 v5, v4;
	v7 =	vmul.f32 v7, v4  }
0x25: {  	s22 =	simm.s32 $0xED20;
	v9 =	vld [tilespmem:s17+$0x14900];
	v6 =	vmul.f32 v1, v2;
	v3 =	vmul.f32 v3, v2  }
0x26: {  	s28 =	sor.u32 s18, s21;
	s16 =	sor.u32 s20, s24;
	v1 =	vld [tilespmem:s22+$0x0];
	v5 =	vpack.i.f32.bf16 v7, v5  }
0x27: {  	v7 =	vld [tilespmem:s16+$0x14880];
	v3 =	vpack.i.f32.bf16 v3, v6;
	[tilespmem:s28+$0x0] =	vst v5  }
0x28: {  	v5 =	vld [tilespmem:s16+$0x14900];
	[tilespmem:s31+$0x0] =	vst v3  }
0x29: {  	v3 =	vld [tilespmem:s19+$0x14980]  }
0x2a: {  	v6 =	vld [tilespmem:s19+$0x14A00];
	_ =	sdelay $0x2  }
0x2b: {  	v8 =	vmul.f32 v8, v11;
	v9 =	vmul.f32 v9, v11;
	v10 =	vld [tilespmem:s26+$0x14980]  }
0x2c: {  	s29 =	simm.s32 $0x40;
	v7 =	vmul.f32 v7, v1;
	v5 =	vmul.f32 v5, v1  }
0x2d: {  	s29 =	sand.u32 $0x3FFFFF00, s29;
	v3 =	vmul.f32 v3, v2;
	v2 =	vmul.f32 v6, v2;
	v6 =	vld [tilespmem:s26+$0x14A00]  }
0x2e: {  	s25 =	sor.u32 s25, s29;
	v8 =	vpack.i.f32.bf16 v9, v8  }
0x2f: {  	s30 =	simm.s32 $0x40;
	s22 =	sor.u32 s20, s29;
	[tilespmem:s25+$0x0] =	vst v8;
	v5 =	vpack.i.f32.bf16 v5, v7  }
0x30: {  	s23 =	simm.s32 $0xED40;
	s21 =	sand.u32 $0x60, s30;
	v8 =	vmul.f32 v10, v4;
	v10 =	vld [tilespmem:s17+$0x14980];
	[tilespmem:s22+$0x0] =	vst v5;
	v2 =	vpack.i.f32.bf16 v2, v3  }
0x31: {  	s18 =	sand.u32 $0x3F80, s30;
	s30 =	simm.s32 $0x100;
	s24 =	sor.u32 $0x10, s21;
	v5 =	vld [tilespmem:s17+$0x14A00];
	[tilespmem:s31+$0x80] =	vst v2  }
0x32: {  	s18 =	sor.u32 s24, s18;
	v3 =	vld [tilespmem:s23+$0x0];
	s31 =	sand.u32 $0xFFFFFE00, s30;
	[tilespmem:s19+$0x5080] =	vst v0;
	v4 =	vmul.f32 v6, v4  }
0x33: {  	v2 =	vld [tilespmem:s18+$0xED00];
	[tilespmem:s19+$0x4F00] =	vst v0;
	s18 =	sor.u32 s31, s24  }
0x34: {  	[tilespmem:s19+$0x4F80] =	vst v0;
	v6 =	vld [tilespmem:s18+$0x14880];
	v4 =	vpack.i.f32.bf16 v4, v8  }
0x35: {  	s20 =	sor.u32 s21, s31;
	v9 =	vld [tilespmem:s18+$0x14900];
	[tilespmem:s28+$0x80] =	vst v4  }
0x36: {  	v8 =	vld [tilespmem:s20+$0x14880];
	[tilespmem:s26+$0x4F00] =	vst v0  }
0x37: {  	v7 =	vld [tilespmem:s20+$0x14900];
	[tilespmem:s26+$0x4F80] =	vst v0  }
0x38: {  	v10 =	vmul.f32 v10, v11;
	v11 =	vmul.f32 v5, v11;
	v4 =	vld [tilespmem:s16+$0x14980];
	[tilespmem:s26+$0x5000] =	vst v0  }
0x39: {  	s29 =	simm.s32 $0x60;
	v5 =	vld [tilespmem:s16+$0x14A00];
	s28 =	simm.s32 $0x4;
	[tilespmem:s26+$0x5080] =	vst v0  }
.LBB2_2:
0x3a: {  	s26 =	sand.u32 $0x60, s29;
	s30 =	sshll.u32 s28, $0x5;
	v6 =	vmul.f32 v6, v2;
	v9 =	vmul.f32 v9, v2;
	s23 =	sadd.s32 $0x20, s23;
	v10 =	vpack.i.f32.bf16 v11, v10;
	[tilespmem:s19+$0x5000] =	vst v0  }
0x3b: {  	s31 =	sand.u32 $0x3F80, s29;
	s19 =	sor.u32 $0x10, s26;
	v8 =	vmul.f32 v8, v3;
	s30 =	sand.u32 $0x3FFFFF00, s30;
	[tilespmem:s25+$0x80] =	vst v10  }
0x3c: {  	s28 =	sadd.s32 $0x2, s28;
	v10 =	vld [tilespmem:s23+$0x0];
	s31 =	sor.u32 s19, s31;
	v7 =	vmul.f32 v7, v3;
	v6 =	vpack.i.f32.bf16 v9, v6;
	s25 =	sor.u32 s24, s30;
	[tilespmem:s17+$0x5080] =	vst v0  }
0x3d: {  	s24 =	sshll.u32 s28, $0x6;
	s30 =	sor.u32 s21, s30;
	s21 =	smov.u32 s26;
	v12 =	vld [tilespmem:s31+$0xED00];
	[tilespmem:s25+$0x0] =	vst v6;
	v4 =	vmul.f32 v4, v1  }
0x3e: {  	s26 =	sand.u32 $0xFFFFFE00, s24;
	s24 =	smov.u32 s19;
	s19 =	smov.u32 s17;
	v6 =	vpack.i.f32.bf16 v7, v8;
	v11 =	vld [tilespmem:s18+$0x14980];
	v5 =	vmul.f32 v5, v1;
	[tilespmem:s17+$0x4F00] =	vst v0;
	v1 =	vmov v3  }
0x3f: {  	p0 =	slt.u32 s28, $0x26E;
	s31 =	sor.u32 s21, s26;
	s26 =	sor.u32 s26, s24;
	[tilespmem:s30+$0x0] =	vst v6;
	v13 =	vld [tilespmem:s18+$0x14A00]  }
0x40: {  	s17 =	smov.u32 s18;
	s18 =	smov.u32 s26;
	v6 =	vld [tilespmem:s26+$0x14880];
	v4 =	vpack.i.f32.bf16 v5, v4;
	[tilespmem:s19+$0x4F80] =	vst v0  }
.Ltmp0:
0x41: {  	v9 =	vld [tilespmem:s18+$0x14900];
	[tilespmem:s22+$0x80] =	vst v4;
	v3 =	vmov v10;
	s22 =	smov.u32 s30;
	(pc) =	sbr.rel @p0 .LBB2_2-.Ltmp0, $4  }
0x42: {  	v8 =	vld [tilespmem:s31+$0x14880];
	[tilespmem:s16+$0x4F00] =	vst v0  }
0x43: {  	v7 =	vld [tilespmem:s31+$0x14900];
	[tilespmem:s16+$0x4F80] =	vst v0  }
0x44: {  	v10 =	vmul.f32 v11, v2;
	v4 =	vld [tilespmem:s20+$0x14980];
	v11 =	vmul.f32 v13, v2;
	[tilespmem:s16+$0x5000] =	vst v0;
	v2 =	vmov v12  }
0x45: {  	s29 =	sadd.s32 $0x20, s29;
	v5 =	vld [tilespmem:s20+$0x14A00];
	[tilespmem:s16+$0x5080] =	vst v0;
	s16 =	smov.u32 s20;
	s20 =	smov.u32 s31  }
0x46: {  	s23 =	sshll.u32 s28, $0x5;
	v6 =	vmul.f32 v6, v2;
	v9 =	vmul.f32 v9, v2;
	v10 =	vpack.i.f32.bf16 v11, v10;
	[tilespmem:s19+$0x5000] =	vst v0  }
0x47: {  	s31 =	sand.u32 $0x3FFFFF00, s23;
	[tilespmem:s25+$0x80] =	vst v10  }
0x48: {  	v6 =	vpack.i.f32.bf16 v9, v6;
	s23 =	sor.u32 s24, s31;
	[tilespmem:s17+$0x5080] =	vst v0  }
0x49: {  	[tilespmem:s23+$0x0] =	vst v6  }
0x4a: {  	v8 =	vmul.f32 v8, v3;
	v7 =	vmul.f32 v7, v3;
	[tilespmem:s17+$0x4F00] =	vst v0;
	v58 =	vld [tilespmem:s18+$0x14980]  }
0x4b: {  	[tilespmem:s17+$0x4F80] =	vst v0;
	v4 =	vmul.f32 v4, v1;
	v1 =	vmul.f32 v5, v1;
	v59 =	vld [tilespmem:s18+$0x14A00]  }
0x4c: {  	s19 =	sor.u32 s21, s31;
	[tilespmem:s17+$0x5000] =	vst v0;
	v57 =	vpack.i.f32.bf16 v7, v8  }
0x4d: {  	[tilespmem:s19+$0x0] =	vst v57;
	v1 =	vpack.i.f32.bf16 v1, v4  }
0x4e: {  	[tilespmem:s22+$0x80] =	vst v1  }
0x4f: {  	v60 =	vld [tilespmem:s20+$0x14A00];
	[tilespmem:s16+$0x4F00] =	vst v0  }
0x50: {  	v1 =	vld [tilespmem:s20+$0x14980];
	[tilespmem:s16+$0x4F80] =	vst v0;
	v61 =	vmul.f32 v58, v2;
	v2 =	vmul.f32 v59, v2  }
0x51: {  	[tilespmem:s16+$0x5000] =	vst v0  }
0x52: {  	[tilespmem:s16+$0x5080] =	vst v0;
	v2 =	vpack.i.f32.bf16 v2, v61  }
0x53: {  	[tilespmem:s23+$0x80] =	vst v2  }
0x54: {  	[tilespmem:s18+$0x5080] =	vst v0  }
0x55: {  	v1 =	vmul.f32 v1, v3;
	v2 =	vmul.f32 v60, v3;
	[tilespmem:s18+$0x4F00] =	vst v0  }
0x56: {  	[tilespmem:s18+$0x4F80] =	vst v0  }
0x57: {  	[tilespmem:s18+$0x5000] =	vst v0;
	v1 =	vpack.i.f32.bf16 v2, v1  }
0x58: {  	[tilespmem:s19+$0x80] =	vst v1  }
0x59: {  	[tilespmem:s20+$0x4F00] =	vst v0  }
0x5a: {  	[tilespmem:s20+$0x4F80] =	vst v0  }
0x5b: {  	[tilespmem:s20+$0x5000] =	vst v0  }
0x5c: {  	[tilespmem:s20+$0x5080] =	vst v0  }
0x5d: {  	v1 =	vld [tilespmem:$0x11400]  }
0x5e: {  	v2 =	vld [tilespmem:$0x1E480]  }
0x5f: {  	v3 =	vld [tilespmem:$0x1E500]  }
0x60: {  	v62 =	vld [tilespmem:$0x1E580]  }
0x61: {  	v63 =	vld [tilespmem:$0x1E600];
	_ =	sdelay $0x2  }
0x62: {  	[tilespmem:$0xEB00] =	vst v0  }
0x63: {  	[tilespmem:$0xEB80] =	vst v0;
	v2 =	vmul.f32 v2, v1;
	v3 =	vmul.f32 v3, v1  }
0x64: {  	[tilespmem:$0xEC00] =	vst v0;
	v4 =	vmul.f32 v62, v1;
	v1 =	vmul.f32 v63, v1  }
0x65: {  	[tilespmem:$0xEC80] =	vst v0;
	v2 =	vpack.i.f32.bf16 v3, v2  }
0x66: {  	v1 =	vpack.i.f32.bf16 v1, v4;
	[tilespmem:$0x4E00] =	vst v2  }
0x67: {  	s17 =	simm.s32 $0x0;
	s16 =	simm.s32 $0x11480;
	s18 =	simm.s32 $0x0;
	[tilespmem:$0x4E80] =	vst v1  }
.LBB2_4:
0x68: {  	p0 =	seq.s32 s17, $0x310  }
.Ltmp1:
0x69: {  	_ = 	snop;
	(pc) =	sbr.rel @!p0 .LBB2_4-.Ltmp1, $4  }
0x6a: {  	_ = 	snop  }
0x6b: {  	s19 =	sadd.s32 s17, s4  }
0x6c: {  	[tilespmem:s16], [sflag:$0x1] =	stream.linear.gather [hbm4b:s19+s18], $0x80, $0x38;
	[tilespmem:$0x1E680] =	vst v63  }
0x6d: {  	s17 =	sadd.s32 $0x10, s17;
	s16 =	sadd.s32 $0x100, s16  }
0x6e: {  	p0 =	por $0x1, $0x1  }
.LBB2_6:
0x6f: {  	p1 =	seq.s32 s18, $0x31  }
.Ltmp2:
0x70: {  	_ = 	snop;
	(pc) =	sbr.rel @p1 .LBB2_10-.Ltmp2, $2  }
0x71: {  	_ =	sdelay $0x2  }
0x72: {  	s16 =	sadd.s32 $0x1, s18  }
0x73: {  	s17 =	simm.s32 $0x1  }
0x74: {  	s20 =	smul.u32 $0x320, s16;
	s17 =	simm.s32 @!p0 $0x0  }
0x75: {  	s21 =	sand.u32 $0x1, s16;
	s17 =	sshll.u32 s17, $0x7  }
0x76: {  	s20 =	sadd.s32 s4, s20;
	s19 =	sadd.s32 $0x11480, s17;
	s17 =	sadd.s32 $0x1, s21  }
0x77: {  	s21 =	simm.s32 $0x10;
	s23 =	sadd.s32 $0x0, s20;
	s22 =	sadd.s32 $0x100, s19  }
.LBB2_8:
0x78: {  	[tilespmem:s19], [sflag:s17] =	stream.linear.gather [hbm4b:s23+s2], $0x80, $0x38;
	[tilespmem:$0x1E680] =	vst v63  }
0x79: {  	s23 =	smov.u32 s21;
	s19 =	smov.u32 s22;
	p1 =	sne.s32 s21, $0x310  }
.Ltmp3:
0x7a: {  	s21 =	sadd.s32 $0x10, s21;
	(pc) =	sbr.rel @p1 .LBB2_8-.Ltmp3, $2  }
0x7b: {  	_ =	sdelay $0x2  }
0x7c: {  	s22 =	sadd.s32 $0x100, s22;
	s23 =	sadd.s32 s23, s20  }
0x7d: {  	[tilespmem:s19], [sflag:s17] =	stream.linear.gather [hbm4b:s23+s2], $0x80, $0x38;
	[tilespmem:$0x1E680] =	vst v63  }
.LBB2_10:
0x7e: {  	s17 =	sshll.u32 s18, $0x7  }
0x7f: {  	s17 =	sand.u32 $0x80, s17  }
0x80: {  	s25 =	sand.u32 $0x1, s18;
	v1 =	vmov s17  }
0x81: {  	s18 =	sadd.s32 $0x1, s25  }
0x82: {  	s19 =	simm.s32 $0x0;
	_ =	swait.ge [sflag:s18], $0x1900  }
0x83: {  	s20 =	sand.u32 $0x40, s19;
	s19 =	sand.u32 $0x3F00, s19;
	[sflag:s18] =	ssyncset.done $0x0  }
0x84: {  	s26 =	sor.u32 s20, s19;
	[sflag:s18] =	ssyncadd.s32 $0xFFFFE700  }
0x85: {  	s19 =	sadd.s32 s17, s26;
	v2 =	vld.idx.msk [tilespmem:v1+s26+$0x11480 ss:$0x1], $0xffff  }
0x86: {  	s28 =	sadd.s32 $0x11480, s19  }
0x87: {  	v3 =	vld [tilespmem:s28+$0x10];
	_ =	sdelay $0x1  }
0x88: {  	v4 =	vld [tilespmem:s28+$0x30]  }
0x89: {  	s29 =	simm.s32 $0x80;
	s30 =	simm.s32 $0x40;
	v5 =	vshll.u32 v2, $0x1  }
0x8a: {  	s19 =	sand.u32 $0x40, s30;
	s18 =	sand.u32 $0x3F00, s29;
	v6 =	vld [tilespmem:s28+$0x20];
	v7 =	vand.u32 $0x7F, v2;
	v5 =	vand.u32 $0x1FF00, v5  }
0x8b: {  	s18 =	sor.u32 s19, s18;
	v5 =	vor.u32 v7, v5;
	v7 =	vshll.u32 v3, $0x1  }
0x8c: {  	s19 =	sadd.s32 s17, s18;
	v9 =	vand.u32 $0x7F, v3;
	v8 =	vor.u32 $0x80, v5;
	v7 =	vand.u32 $0x1FF00, v7  }
0x8d: {  	s31 =	sadd.s32 $0x11480, s19;
	v10 =	vshll.u32 v4, $0x1;
	v7 =	vor.u32 v9, v7  }
0x8e: {  	v57 =	vld [tilespmem:s31+$0x20];
	v10 =	vand.u32 $0x1FF00, v10;
	v9 =	vand.u32 $0x7F, v4;
	v11 =	vor.u32 $0x80, v7  }
0x8f: {  	v12 =	vshll.u32 v6, $0x1;
	v17 =	vshrl.u32 v3, $0x10;
	v9 =	vor.u32 v9, v10  }
0x90: {  	v12 =	vand.u32 $0x1FF00, v12;
	v10 =	vand.u32 $0x7F, v6;
	v13 =	vor.u32 $0x80, v9;
	v5 =	vld.idx.msk [tilespmem:v5+s2+$0x0], $0xffff  }
0x91: {  	v14 =	vshrl.u32 v2, $0x10;
	v2 =	vshrl.u32 v2, $0xE;
	v10 =	vor.u32 v10, v12;
	v8 =	vld.idx.msk [tilespmem:v8+s2+$0x0], $0xffff  }
0x92: {  	v2 =	vand.u32 $0x3FE00, v2;
	v12 =	vand.u32 $0x7F, v14;
	v14 =	vor.u32 $0x80, v10;
	v15 =	vld.idx.msk [tilespmem:v7+s2+$0x0], $0xffff  }
0x93: {  	v60 =	vshrl.u32 v57, $0x10;
	v61 =	vand.u32 $0x7F, v57;
	v7 =	vshrl.u32 v4, $0x10;
	v16 =	vld.idx.msk [tilespmem:v11+s2+$0x0], $0xffff  }
0x94: {  	v12 =	vor.u32 v12, v2;
	v4 =	vshrl.u32 v4, $0xE;
	v2 =	vand.u32 $0x7F, v7;
	v9 =	vld.idx.msk [tilespmem:v9+s2+$0x0], $0xffff  }
0x95: {  	v7 =	vshrl.u32 v6, $0x10;
	v6 =	vshrl.u32 v6, $0xE;
	v11 =	vor.u32 $0x80, v12;
	v13 =	vld.idx.msk [tilespmem:v13+s2+$0x0], $0xffff  }
0x96: {  	v4 =	vand.u32 $0x3FE00, v4;
	v7 =	vand.u32 $0x7F, v7;
	v6 =	vand.u32 $0x3FE00, v6;
	v10 =	vld.idx.msk [tilespmem:v10+s2+$0x0], $0xffff  }
0x97: {  	v19 =	vor.u32 v2, v4;
	v18 =	vunpack.i.l.bf16.f32 v5;
	v14 =	vld.idx.msk [tilespmem:v14+s2+$0x0], $0xffff;
	v6 =	vor.u32 v7, v6  }
0x98: {  	v7 =	vshrl.u32 v3, $0xE;
	v3 =	vld.idx.msk [tilespmem:v1+s18+$0x11480 ss:$0x1], $0xffff;
	v2 =	vunpack.i.u.bf16.f32 v5;
	v5 =	vor.u32 $0x100, v19  }
0x99: {  	[tilespmem:v12+s14+$0x0] =	vst.idx.add.f32.msk $0xffff, v18;
	v18 =	vor.u32 $0x80, v19;
	v20 =	vunpack.i.u.bf16.f32 v8;
	v4 =	vor.u32 $0x180, v6  }
0x9a: {  	v21 =	vor.u32 $0x80, v6;
	v22 =	vor.u32 $0x100, v6;
	v7 =	vand.u32 $0x3FE00, v7;
	[tilespmem:v11+s14+$0x0] =	vst.idx.add.f32.msk $0xffff, v2  }
0x9b: {  	v8 =	vunpack.i.l.bf16.f32 v8;
	v2 =	vld [tilespmem:s31+$0x30];
	v11 =	vor.u32 $0x100, v12;
	v23 =	vunpack.i.l.bf16.f32 v9  }
0x9c: {  	v59 =	vunpack.i.l.bf16.f32 v15;
	v9 =	vunpack.i.u.bf16.f32 v9;
	v25 =	vunpack.i.l.bf16.f32 v10;
	[tilespmem:v19+s14+$0x0] =	vst.idx.add.f32.msk $0xffff, v23  }
0x9d: {  	v24 =	vunpack.i.l.bf16.f32 v13;
	v26 =	vunpack.i.u.bf16.f32 v13;
	v13 =	vand.u32 $0x7F, v17;
	[tilespmem:v6+s14+$0x0] =	vst.idx.add.f32.msk $0xffff, v25  }
0x9e: {  	v15 =	vunpack.i.u.bf16.f32 v15;
	v10 =	vunpack.i.u.bf16.f32 v10;
	v17 =	vor.u32 v13, v7;
	[tilespmem:v18+s14+$0x0] =	vst.idx.add.f32.msk $0xffff, v9  }
0x9f: {  	v12 =	vor.u32 $0x180, v12;
	v23 =	vshll.u32 v57, $0x1;
	v6 =	vshll.u32 v3, $0x1;
	[tilespmem:v21+s14+$0x0] =	vst.idx.add.f32.msk $0xffff, v10  }
0xa0: {  	v7 =	vunpack.i.u.bf16.f32 v14;
	v13 =	vshrl.u32 v3, $0x10;
	v18 =	vunpack.i.l.bf16.f32 v14;
	[tilespmem:v11+s14+$0x0] =	vst.idx.add.f32.msk $0xffff, v8  }
0xa1: {  	v9 =	vor.u32 $0x180, v17;
	v6 =	vand.u32 $0x1FF00, v6;
	v58 =	vor.u32 $0x80, v17;
	v11 =	vld [tilespmem:s31+$0x10]  }
0xa2: {  	v14 =	vor.u32 $0x100, v17;
	v10 =	vand.u32 $0x7F, v60;
	[tilespmem:v5+s14+$0x0] =	vst.idx.add.f32.msk $0xffff, v24;
	v8 =	vand.u32 $0x7F, v13  }
0xa3: {  	v13 =	vshrl.u32 v2, $0x10;
	[tilespmem:v17+s14+$0x0] =	vst.idx.add.f32.msk $0xffff, v59;
	v17 =	vor.u32 $0x180, v19;
	v19 =	vand.u32 $0x7F, v3  }
0xa4: {  	[tilespmem:v22+s14+$0x0] =	vst.idx.add.f32.msk $0xffff, v18;
	v63 =	vshll.u32 v2, $0x1;
	v5 =	vand.u32 $0x7F, v13;
	v6 =	vor.u32 v19, v6  }
0xa5: {  	v13 =	vunpack.i.u.bf16.f32 v16;
	[tilespmem:v12+s14+$0x0] =	vst.idx.add.f32.msk $0xffff, v20;
	v19 =	vshrl.u32 v57, $0xE;
	v18 =	vor.u32 $0x80, v6  }
0xa6: {  	v16 =	vunpack.i.l.bf16.f32 v16;
	[tilespmem:v58+s14+$0x0] =	vst.idx.add.f32.msk $0xffff, v15;
	v62 =	vand.u32 $0x3FE00, v19;
	v19 =	vshll.u32 v11, $0x1  }
0xa7: {  	v20 =	vand.u32 $0x1FF00, v23;
	[tilespmem:v14+s14+$0x0] =	vst.idx.add.f32.msk $0xffff, v16;
	v15 =	vand.u32 $0x7F, v11;
	v14 =	vand.u32 $0x1FF00, v19  }
0xa8: {  	v16 =	vand.u32 $0x7F, v2;
	v19 =	vand.u32 $0x1FF00, v63;
	[tilespmem:v17+s14+$0x0] =	vst.idx.add.f32.msk $0xffff, v26;
	v17 =	vor.u32 v15, v14  }
0xa9: {  	v12 =	vshrl.u32 v11, $0x10;
	v15 =	vor.u32 v16, v19;
	v14 =	vld.idx.msk [tilespmem:v6+s2+$0x0], $0xffff;
	v19 =	vor.u32 $0x80, v17  }
0xaa: {  	s20 =	simm.s32 $0x80;
	s19 =	simm.s32 $0x100;
	s18 =	simm.s32 $0x4;
	v10 =	vor.u32 v10, v62;
	v16 =	vor.u32 $0x80, v15;
	v6 =	vld.idx.msk [tilespmem:v18+s2+$0x0], $0xffff;
	v18 =	vor.u32 v61, v20  }
.LBB2_11:
0xab: {  	s21 =	sand.u32 $0x40, s20;
	s22 =	sand.u32 $0x3F00, s19;
	s18 =	sadd.s32 $0x4, s18;
	v11 =	vshrl.u32 v11, $0xE;
	v20 =	vor.u32 $0x80, v18;
	[tilespmem:v9+s14+$0x0] =	vst.idx.add.f32.msk $0xffff, v13  }
0xac: {  	v3 =	vshrl.u32 v3, $0xE;
	s22 =	sor.u32 s21, s22;
	p1 =	slt.u32 s18, $0x18C;
	[tilespmem:v4+s14+$0x0] =	vst.idx.add.f32.msk $0xffff, v7  }
0xad: {  	v3 =	vand.u32 $0x3FE00, v3;
	s21 =	sadd.s32 s17, s22;
	v13 =	vld.idx.msk [tilespmem:v17+s2+$0x0], $0xffff  }
0xae: {  	v17 =	vor.u32 v8, v3;
	s21 =	sadd.s32 $0x11480, s21;
	v19 =	vld.idx.msk [tilespmem:v19+s2+$0x0], $0xffff  }
0xaf: {  	v7 =	vld.idx.msk [tilespmem:v15+s2+$0x0], $0xffff  }
0xb0: {  	v2 =	vshrl.u32 v2, $0xE;
	v8 =	vor.u32 $0x80, v17;
	v9 =	vld.idx.msk [tilespmem:v16+s2+$0x0], $0xffff  }
0xb1: {  	v2 =	vand.u32 $0x3FE00, v2;
	v15 =	vld.idx.msk [tilespmem:v18+s2+$0x0], $0xffff  }
0xb2: {  	v3 =	vunpack.i.l.bf16.f32 v14;
	v18 =	vor.u32 v5, v2;
	v16 =	vld.idx.msk [tilespmem:v20+s2+$0x0], $0xffff  }
0xb3: {  	v5 =	vor.u32 $0x80, v18;
	[tilespmem:v17+s14+$0x0] =	vst.idx.add.f32.msk $0xffff, v3  }
0xb4: {  	v4 =	vor.u32 $0x180, v10;
	v2 =	vunpack.i.u.bf16.f32 v14;
	v14 =	vunpack.i.u.bf16.f32 v6;
	v3 =	vld.idx.msk [tilespmem:v1+s22+$0x11480 ss:$0x1], $0xffff  }
0xb5: {  	v21 =	vor.u32 $0x100, v10;
	v20 =	vor.u32 $0x80, v10;
	v22 =	vor.u32 $0x100, v18;
	[tilespmem:v8+s14+$0x0] =	vst.idx.add.f32.msk $0xffff, v2  }
0xb6: {  	v23 =	vunpack.i.l.bf16.f32 v7;
	v8 =	vor.u32 $0x100, v17;
	v24 =	vunpack.i.l.bf16.f32 v9;
	v2 =	vld [tilespmem:s21+$0x30]  }
0xb7: {  	v7 =	vunpack.i.u.bf16.f32 v7;
	v26 =	vunpack.i.u.bf16.f32 v9;
	v25 =	vunpack.i.l.bf16.f32 v15;
	[tilespmem:v18+s14+$0x0] =	vst.idx.add.f32.msk $0xffff, v23  }
0xb8: {  	v11 =	vand.u32 $0x3FE00, v11;
	v9 =	vand.u32 $0x7F, v12;
	v12 =	vunpack.i.u.bf16.f32 v15;
	[tilespmem:v5+s14+$0x0] =	vst.idx.add.f32.msk $0xffff, v7  }
0xb9: {  	v15 =	vunpack.i.l.bf16.f32 v16;
	v5 =	vunpack.i.l.bf16.f32 v6;
	v6 =	vor.u32 v9, v11;
	[tilespmem:v10+s14+$0x0] =	vst.idx.add.f32.msk $0xffff, v25  }
0xba: {  	v7 =	vunpack.i.u.bf16.f32 v16;
	v10 =	vshll.u32 v3, $0x1;
	v9 =	vor.u32 $0x180, v6;
	v23 =	vld [tilespmem:s21+$0x20]  }
0xbb: {  	v11 =	vshrl.u32 v3, $0x10;
	v16 =	vor.u32 $0x100, v6;
	v10 =	vand.u32 $0x1FF00, v10;
	[tilespmem:v8+s14+$0x0] =	vst.idx.add.f32.msk $0xffff, v5  }
0xbc: {  	v25 =	vor.u32 $0x80, v6;
	v8 =	vand.u32 $0x7F, v11;
	v5 =	vshrl.u32 v2, $0x10;
	[tilespmem:v22+s14+$0x0] =	vst.idx.add.f32.msk $0xffff, v24  }
0xbd: {  	v5 =	vand.u32 $0x7F, v5;
	v22 =	vor.u32 $0x180, v17;
	v17 =	vunpack.i.l.bf16.f32 v13;
	v11 =	vld [tilespmem:s21+$0x10]  }
0xbe: {  	v24 =	vunpack.i.u.bf16.f32 v13;
	v13 =	vunpack.i.u.bf16.f32 v19;
	[tilespmem:v6+s14+$0x0] =	vst.idx.add.f32.msk $0xffff, v17;
	v6 =	vor.u32 $0x180, v18  }
0xbf: {  	v19 =	vunpack.i.l.bf16.f32 v19;
	v17 =	vand.u32 $0x7F, v3;
	v18 =	vshrl.u32 v23, $0x10;
	[tilespmem:v20+s14+$0x0] =	vst.idx.add.f32.msk $0xffff, v12  }
0xc0: {  	v10 =	vor.u32 v17, v10;
	v12 =	vshrl.u32 v23, $0xE;
	v20 =	vand.u32 $0x7F, v18;
	[tilespmem:v21+s14+$0x0] =	vst.idx.add.f32.msk $0xffff, v15  }
0xc1: {  	v18 =	vor.u32 $0x80, v10;
	v21 =	vand.u32 $0x7F, v23;
	v27 =	vand.u32 $0x3FE00, v12;
	[tilespmem:v25+s14+$0x0] =	vst.idx.add.f32.msk $0xffff, v24  }
.Ltmp4:
0xc2: {  	v17 =	vshll.u32 v2, $0x1;
	v12 =	vand.u32 $0x7F, v11;
	v15 =	vshll.u32 v11, $0x1;
	[tilespmem:v16+s14+$0x0] =	vst.idx.add.f32.msk $0xffff, v19;
	(pc) =	sbr.rel @p1 .LBB2_11-.Ltmp4, $4  }
0xc3: {  	v16 =	vand.u32 $0x7F, v2;
	v19 =	vand.u32 $0x1FF00, v17;
	v15 =	vand.u32 $0x1FF00, v15;
	[tilespmem:v6+s14+$0x0] =	vst.idx.add.f32.msk $0xffff, v26  }
0xc4: {  	v6 =	vshll.u32 v23, $0x1;
	v17 =	vor.u32 v12, v15;
	v15 =	vor.u32 v16, v19;
	[tilespmem:v22+s14+$0x0] =	vst.idx.add.f32.msk $0xffff, v14  }
0xc5: {  	v14 =	vld.idx.msk [tilespmem:v10+s2+$0x0], $0xffff;
	v19 =	vor.u32 $0x80, v17;
	v10 =	vand.u32 $0x1FF00, v6;
	v16 =	vor.u32 $0x80, v15  }
0xc6: {  	s19 =	sadd.s32 $0x80, s19;
	s20 =	sadd.s32 $0x40, s20;
	v12 =	vshrl.u32 v11, $0x10;
	v6 =	vld.idx.msk [tilespmem:v18+s2+$0x0], $0xffff;
	v18 =	vor.u32 v21, v10;
	v10 =	vor.u32 v20, v27  }
0xc7: {  	_ =	sdelay $0x3  }
0xc8: {  	[tilespmem:v9+s14+$0x0] =	vst.idx.add.f32.msk $0xffff, v13  }
0xc9: {  	[tilespmem:v4+s14+$0x0] =	vst.idx.add.f32.msk $0xffff, v7  }
0xca: {  	v1 =	vshrl.u32 v3, $0xE;
	v3 =	vor.u32 $0x80, v18;
	v42 =	vld.idx.msk [tilespmem:v18+s2+$0x0], $0xffff  }
0xcb: {  	v37 =	vld.idx.msk [tilespmem:v17+s2+$0x0], $0xffff;
	v2 =	vshrl.u32 v2, $0xE;
	v1 =	vand.u32 $0x3FE00, v1  }
0xcc: {  	v39 =	vld.idx.msk [tilespmem:v15+s2+$0x0], $0xffff;
	v11 =	vshrl.u32 v11, $0xE;
	v2 =	vand.u32 $0x3FE00, v2;
	v1 =	vor.u32 v8, v1  }
0xcd: {  	v38 =	vld.idx.msk [tilespmem:v19+s2+$0x0], $0xffff;
	v12 =	vand.u32 $0x7F, v12;
	v11 =	vand.u32 $0x3FE00, v11;
	v2 =	vor.u32 v5, v2  }
0xce: {  	v41 =	vld.idx.msk [tilespmem:v16+s2+$0x0], $0xffff;
	v49 =	vor.u32 v12, v11  }
0xcf: {  	v50 =	vor.u32 $0x80, v10;
	v3 =	vld.idx.msk [tilespmem:v3+s2+$0x0], $0xffff;
	v51 =	vunpack.i.l.bf16.f32 v42  }
0xd0: {  	v40 =	vor.u32 $0x80, v1;
	v44 =	vunpack.i.l.bf16.f32 v14;
	[tilespmem:v10+s14+$0x0] =	vst.idx.add.f32.msk $0xffff, v51  }
0xd1: {  	v43 =	vor.u32 $0x80, v2;
	v48 =	vunpack.i.l.bf16.f32 v39;
	[tilespmem:v1+s14+$0x0] =	vst.idx.add.f32.msk $0xffff, v44  }
0xd2: {  	v55 =	vor.u32 $0x80, v49;
	v57 =	vunpack.i.l.bf16.f32 v37;
	[tilespmem:v2+s14+$0x0] =	vst.idx.add.f32.msk $0xffff, v48  }
0xd3: {  	v47 =	vor.u32 $0x100, v1;
	v5 =	vunpack.i.u.bf16.f32 v42;
	[tilespmem:v49+s14+$0x0] =	vst.idx.add.f32.msk $0xffff, v57  }
0xd4: {  	v45 =	vunpack.i.u.bf16.f32 v14;
	v46 =	vor.u32 $0x100, v2;
	[tilespmem:v50+s14+$0x0] =	vst.idx.add.f32.msk $0xffff, v5  }
0xd5: {  	v56 =	vor.u32 $0x100, v49;
	v8 =	vunpack.i.u.bf16.f32 v39;
	[tilespmem:v40+s14+$0x0] =	vst.idx.add.f32.msk $0xffff, v45  }
0xd6: {  	v52 =	vor.u32 $0x100, v10;
	v4 =	vunpack.i.u.bf16.f32 v37;
	[tilespmem:v43+s14+$0x0] =	vst.idx.add.f32.msk $0xffff, v8  }
0xd7: {  	v53 =	vunpack.i.l.bf16.f32 v6;
	v2 =	vor.u32 $0x180, v2;
	[tilespmem:v55+s14+$0x0] =	vst.idx.add.f32.msk $0xffff, v4  }
0xd8: {  	v54 =	vunpack.i.l.bf16.f32 v41;
	v1 =	vor.u32 $0x180, v1;
	[tilespmem:v47+s14+$0x0] =	vst.idx.add.f32.msk $0xffff, v53  }
0xd9: {  	v59 =	vor.u32 $0x180, v49;
	v61 =	vunpack.i.l.bf16.f32 v38;
	[tilespmem:v46+s14+$0x0] =	vst.idx.add.f32.msk $0xffff, v54  }
0xda: {  	v60 =	vor.u32 $0x180, v10;
	p1 =	seq.s32 s16, $0x32;
	[tilespmem:v56+s14+$0x0] =	vst.idx.add.f32.msk $0xffff, v61;
	v58 =	vunpack.i.l.bf16.f32 v3  }
.Ltmp5:
0xdb: {  	v62 =	vunpack.i.u.bf16.f32 v41;
	[tilespmem:v52+s14+$0x0] =	vst.idx.add.f32.msk $0xffff, v58;
	(pc) =	sbr.rel @!p1 .LBB2_6-.Ltmp5, $4  }
0xdc: {  	v63 =	vunpack.i.u.bf16.f32 v6;
	[tilespmem:v2+s14+$0x0] =	vst.idx.add.f32.msk $0xffff, v62  }
0xdd: {  	v2 =	vunpack.i.u.bf16.f32 v38;
	[tilespmem:v1+s14+$0x0] =	vst.idx.add.f32.msk $0xffff, v63  }
0xde: {  	v1 =	vunpack.i.u.bf16.f32 v3;
	[tilespmem:v59+s14+$0x0] =	vst.idx.add.f32.msk $0xffff, v2  }
0xdf: {  	p0 =	por !p0, !p0;
	s18 =	smov.u32 s16;
	[tilespmem:v60+s14+$0x0] =	vst.idx.add.f32.msk $0xffff, v1  }
0xe0: {  	s16 =	simm.s32 $0x0  }
0xe1: {  	s19 =	simm.s32 $0x0;
	s20 =	simm.s32 $0x0;
	s18 =	sand.u32 $0x60, s16  }
0xe2: {  	s19 =	sand.u32 $0x3FFFFF00, s19;
	s20 =	sand.u32 $0x3FFFFE00, s20;
	s21 =	sor.u32 $0x10, s18  }
0xe3: {  	s20 =	sadd.s32 $0x4F00, s20;
	s22 =	sor.u32 s21, s19  }
0xe4: {  	s25 =	sor.u32 s21, s20;
	v1 =	vld [tilespmem:s22+$0x0]  }
0xe5: {  	s16 =	sand.u32 $0x3F80, s16;
	v2 =	vld [tilespmem:s25+$0x0]  }
0xe6: {  	s16 =	sor.u32 s21, s16  }
0xe7: {  	v8 =	vld [tilespmem:s16+$0xED00];
	_ =	sdelay $0x1  }
0xe8: {  	v4 =	vld [tilespmem:$0x14680];
	s19 =	sor.u32 s18, s19;
	v5 =	vunpack.i.l.bf16.f32 v1  }
0xe9: {  	v3 =	vld [tilespmem:s19+$0x0];
	s16 =	sor.u32 s18, s20;
	v2 =	vadd.f32 v2, v5  }
0xea: {  	s17 =	simm.s32 $0xED00;
	v5 =	vld [tilespmem:s16+$0x0]  }
0xeb: {  	v6 =	vld [tilespmem:s17+$0x0];
	v2 =	vmul.f32 v2, v8  }
0xec: {  	v7 =	vld [tilespmem:s25+$0x80]  }
0xed: {  	v2 =	vadd.f32 v2, v4  }
0xee: {  	v9 =	vunpack.i.l.bf16.f32 v3  }
0xef: {  	v18 =	vld [tilespmem:s25+$0x180];
	v5 =	vadd.f32 v5, v9;
	[tilespmem:s25+$0x0] =	vst v2  }
0xf0: {  	v1 =	vunpack.i.u.bf16.f32 v1;
	v2 =	vld [tilespmem:$0x14700]  }
0xf1: {  	s26 =	simm.s32 $0x20;
	v10 =	vld [tilespmem:s16+$0x100];
	v1 =	vadd.f32 v7, v1;
	v5 =	vmul.f32 v5, v6  }
0xf2: {  	s28 =	simm.s32 $0x40;
	s21 =	sand.u32 $0x60, s26;
	v11 =	vld [tilespmem:s16+$0x180]  }
0xf3: {  	s29 =	simm.s32 $0x80;
	s23 =	sand.u32 $0x3FFFFF00, s28;
	s24 =	sor.u32 $0x10, s21;
	v7 =	vld [tilespmem:s25+$0x100];
	v1 =	vmul.f32 v1, v8;
	v4 =	vadd.f32 v5, v4  }
0xf4: {  	s30 =	sand.u32 $0x3FFFFE00, s29;
	s31 =	sor.u32 s24, s23;
	v9 =	vld [tilespmem:s16+$0x80]  }
0xf5: {  	s28 =	sadd.s32 $0x4F00, s30;
	v5 =	vld [tilespmem:s31+$0x0];
	[tilespmem:s16+$0x0] =	vst v4;
	v1 =	vadd.f32 v1, v2  }
0xf6: {  	s17 =	sor.u32 s24, s28;
	v4 =	vld [tilespmem:$0x14700]  }
0xf7: {  	s18 =	sand.u32 $0x3F80, s26;
	v2 =	vld [tilespmem:s17+$0x0];
	[tilespmem:s25+$0x80] =	vst v1  }
0xf8: {  	s18 =	sor.u32 s24, s18;
	v12 =	vld [tilespmem:s22+$0x80]  }
0xf9: {  	s26 =	sor.u32 s21, s23;
	v3 =	vunpack.i.u.bf16.f32 v3;
	v1 =	vld [tilespmem:s18+$0xED00]  }
0xfa: {  	v13 =	vld [tilespmem:s26+$0x0];
	v3 =	vadd.f32 v9, v3  }
0xfb: {  	v9 =	vld [tilespmem:$0x14680];
	v14 =	vunpack.i.l.bf16.f32 v5  }
0xfc: {  	v3 =	vmul.f32 v3, v6;
	s18 =	sor.u32 s21, s28;
	v15 =	vld [tilespmem:$0x14780];
	v14 =	vadd.f32 v2, v14  }
0xfd: {  	s23 =	simm.s32 $0xED20;
	s21 =	simm.s32 $0x40;
	v17 =	vld [tilespmem:s18+$0x0];
	v16 =	vunpack.i.l.bf16.f32 v12  }
0xfe: {  	s29 =	simm.s32 $0x100;
	s24 =	simm.s32 $0x80;
	s28 =	sand.u32 $0x60, s21;
	v2 =	vld [tilespmem:s23+$0x0];
	v3 =	vadd.f32 v3, v4;
	v4 =	vmul.f32 v14, v1;
	v7 =	vadd.f32 v7, v16  }
0xff: {  	s30 =	sand.u32 $0x3FFFFE00, s29;
	s24 =	sand.u32 $0x3FFFFF00, s24;
	s29 =	sor.u32 $0x10, s28;
	v14 =	vld [tilespmem:s17+$0x80]  }
0x100: {  	v23 =	vld [tilespmem:s17+$0x100];
	s23 =	sor.u32 s29, s24;
	v4 =	vadd.f32 v4, v9;
	v7 =	vmul.f32 v7, v8  }
0x101: {  	v20 =	vld [tilespmem:s23+$0x0];
	[tilespmem:s16+$0x80] =	vst v3;
	v3 =	vunpack.i.l.bf16.f32 v13  }
0x102: {  	v19 =	vld [tilespmem:s19+$0x80];
	[tilespmem:s17+$0x0] =	vst v4;
	v7 =	vadd.f32 v7, v15;
	v15 =	vadd.f32 v17, v3  }
0x103: {  	s30 =	sadd.s32 $0x4F00, s30;
	v4 =	vunpack.i.u.bf16.f32 v5;
	v17 =	vld [tilespmem:$0x14700]  }
0x104: {  	s19 =	sor.u32 s29, s30;
	v16 =	vld [tilespmem:s18+$0x80];
	v4 =	vadd.f32 v14, v4;
	v5 =	vmul.f32 v15, v2  }
0x105: {  	v21 =	vld [tilespmem:s19+$0x0]  }
0x106: {  	v62 =	vld [tilespmem:s19+$0x80];
	[tilespmem:s25+$0x100] =	vst v7;
	v7 =	vadd.f32 v5, v9;
	v9 =	vmul.f32 v4, v1  }
0x107: {  	v3 =	vld [tilespmem:s18+$0x100];
	v61 =	vunpack.i.l.bf16.f32 v19;
	v19 =	vunpack.i.u.bf16.f32 v19  }
0x108: {  	v11 =	vadd.f32 v11, v19;
	v19 =	vld [tilespmem:s17+$0x180];
	[tilespmem:s18+$0x0] =	vst v7;
	v7 =	vadd.f32 v9, v17  }
0x109: {  	v15 =	vld [tilespmem:$0x14780]  }
0x10a: {  	v14 =	vld [tilespmem:$0x14800];
	[tilespmem:s17+$0x80] =	vst v7  }
0x10b: {  	v22 =	vld [tilespmem:s31+$0x80];
	s31 =	sand.u32 $0x3F80, s21  }
0x10c: {  	v17 =	vld [tilespmem:$0x14700];
	s20 =	sor.u32 s29, s31  }
0x10d: {  	s24 =	sor.u32 s28, s24;
	v9 =	vunpack.i.u.bf16.f32 v13;
	v7 =	vld [tilespmem:s20+$0xED00]  }
0x10e: {  	v12 =	vunpack.i.u.bf16.f32 v12;
	v13 =	vadd.f32 v16, v9;
	v16 =	vld [tilespmem:s24+$0x0]  }
0x10f: {  	v12 =	vadd.f32 v18, v12;
	v24 =	vunpack.i.l.bf16.f32 v20;
	v9 =	vld [tilespmem:$0x14680]  }
0x110: {  	v21 =	vadd.f32 v21, v24;
	v13 =	vmul.f32 v13, v2;
	v25 =	vld [tilespmem:$0x14780];
	s20 =	sor.u32 s28, s30;
	v60 =	vunpack.i.l.bf16.f32 v22  }
0x111: {  	v12 =	vmul.f32 v12, v8;
	v18 =	vld [tilespmem:s20+$0x0];
	v23 =	vadd.f32 v23, v60  }
0x112: {  	s22 =	simm.s32 $0xED40;
	v13 =	vadd.f32 v13, v17;
	v17 =	vld [tilespmem:s20+$0x80];
	v21 =	vmul.f32 v21, v7  }
0x113: {  	v10 =	vadd.f32 v10, v61;
	v4 =	vld [tilespmem:s22+$0x0];
	v12 =	vadd.f32 v12, v14;
	v23 =	vmul.f32 v23, v1  }
0x114: {  	v5 =	vld [tilespmem:s18+$0x180];
	[tilespmem:s18+$0x80] =	vst v13;
	v13 =	vadd.f32 v21, v9  }
0x115: {  	v10 =	vmul.f32 v10, v6;
	[tilespmem:s25+$0x180] =	vst v12;
	v63 =	vunpack.i.l.bf16.f32 v16;
	v8 =	vld [tilespmem:s26+$0x80];
	v23 =	vadd.f32 v23, v25  }
0x116: {  	v6 =	vmul.f32 v11, v6;
	v14 =	vunpack.i.u.bf16.f32 v16;
	v18 =	vadd.f32 v18, v63;
	[tilespmem:s19+$0x0] =	vst v13;
	v13 =	vld [tilespmem:s20+$0x100]  }
0x117: {  	v11 =	vadd.f32 v10, v15;
	v12 =	vunpack.i.u.bf16.f32 v20;
	v15 =	vadd.f32 v17, v14;
	v14 =	vld [tilespmem:$0x14700];
	[tilespmem:s17+$0x100] =	vst v23  }
0x118: {  	v17 =	vadd.f32 v62, v12;
	v16 =	vmul.f32 v18, v4;
	v18 =	vunpack.i.u.bf16.f32 v22;
	v10 =	vld [tilespmem:$0x14800]  }
0x119: {  	[tilespmem:s16+$0x100] =	vst v11;
	s25 =	simm.s32 $0x4;
	v12 =	vld [tilespmem:$0x14780];
	v11 =	vmul.f32 v15, v4;
	v15 =	vadd.f32 v19, v18  }
.LBB2_14:
0x11a: {  	s25 =	sadd.s32 $0x2, s25;
	v9 =	vadd.f32 v16, v9;
	v16 =	vld [tilespmem:s20+$0x180];
	v17 =	vmul.f32 v17, v7;
	s21 =	sadd.s32 $0x20, s21;
	s22 =	sadd.s32 $0x20, s22;
	v18 =	vunpack.i.l.bf16.f32 v8  }
0x11b: {  	v8 =	vunpack.i.u.bf16.f32 v8;
	s28 =	sand.u32 $0x60, s21;
	s26 =	sshll.u32 s25, $0x5;
	s29 =	sshll.u32 s25, $0x6;
	v18 =	vadd.f32 v3, v18;
	v15 =	vmul.f32 v15, v1;
	v19 =	vld [tilespmem:$0x14800];
	v1 =	vmovc v7;
	v3 =	vmovc v13  }
0x11c: {  	v7 =	vld [tilespmem:s22+$0x0];
	s30 =	sand.u32 $0x3FFFFF00, s26;
	s29 =	sand.u32 $0x3FFFFE00, s29;
	s31 =	sor.u32 $0x10, s28;
	[tilespmem:s20+$0x0] =	vst v9;
	v9 =	vadd.f32 v17, v14;
	v17 =	vadd.f32 v5, v8  }
0x11d: {  	s26 =	sor.u32 s28, s30;
	s29 =	sadd.s32 $0x4F00, s29;
	s30 =	sor.u32 s31, s30;
	v8 =	vld [tilespmem:$0x14700];
	v13 =	vmul.f32 v18, v2;
	v10 =	vadd.f32 v15, v10  }
0x11e: {  	p0 =	slt.u32 s25, $0x26E;
	s28 =	sor.u32 s28, s29;
	v14 =	vld [tilespmem:s30+$0x0];
	s29 =	sor.u32 s31, s29;
	[tilespmem:s19+$0x80] =	vst v9;
	v9 =	vmul.f32 v17, v2;
	v2 =	vmov v4  }
0x11f: {  	v15 =	vld [tilespmem:s29+$0x0];
	v17 =	vadd.f32 v13, v12;
	[tilespmem:s17+$0x180] =	vst v10;
	v5 =	vmov v16;
	s17 =	smov.u32 s19;
	s19 =	smov.u32 s29  }
0x120: {  	s29 =	sand.u32 $0x3F80, s21;
	v10 =	vld [tilespmem:s23+$0x80];
	v12 =	vadd.f32 v6, v19;
	v6 =	vmov v9;
	s23 =	smov.u32 s30  }
0x121: {  	s29 =	sor.u32 s31, s29;
	v13 =	vld [tilespmem:s17+$0x100];
	[tilespmem:s18+$0x100] =	vst v17;
	v4 =	vmov v7  }
0x122: {  	v7 =	vld [tilespmem:s29+$0xED00];
	v8 =	vadd.f32 v11, v8;
	[tilespmem:s16+$0x180] =	vst v12;
	s16 =	smov.u32 s18;
	s18 =	smov.u32 s20;
	s20 =	smov.u32 s28  }
0x123: {  	v11 =	vld [tilespmem:s26+$0x0]  }
0x124: {  	v12 =	vunpack.i.l.bf16.f32 v14;
	v9 =	vld [tilespmem:$0x14680];
	[tilespmem:s18+$0x80] =	vst v8  }
0x125: {  	v8 =	vadd.f32 v15, v12;
	v12 =	vunpack.i.l.bf16.f32 v10;
	v15 =	vld [tilespmem:$0x14780]  }
0x126: {  	v16 =	vld [tilespmem:s20+$0x0];
	v12 =	vadd.f32 v13, v12  }
0x127: {  	v17 =	vld [tilespmem:s20+$0x80];
	v8 =	vmul.f32 v8, v7  }
0x128: {  	v18 =	vunpack.i.u.bf16.f32 v11;
	v11 =	vunpack.i.l.bf16.f32 v11;
	v19 =	vld [tilespmem:s19+$0x80];
	v12 =	vmul.f32 v12, v1  }
0x129: {  	v20 =	vadd.f32 v8, v9;
	v21 =	vld [tilespmem:s17+$0x180]  }
.Ltmp6:
0x12a: {  	v8 =	vld [tilespmem:s24+$0x80];
	v12 =	vadd.f32 v12, v15;
	s24 =	smov.u32 s26;
	(pc) =	sbr.rel @p0 .LBB2_14-.Ltmp6, $4  }
0x12b: {  	v11 =	vadd.f32 v16, v11;
	v13 =	vld [tilespmem:s20+$0x100];
	[tilespmem:s19+$0x0] =	vst v20  }
0x12c: {  	v15 =	vadd.f32 v17, v18;
	v17 =	vunpack.i.u.bf16.f32 v14;
	v14 =	vld [tilespmem:$0x14700];
	[tilespmem:s17+$0x100] =	vst v12  }
0x12d: {  	v18 =	vunpack.i.u.bf16.f32 v10;
	v16 =	vmul.f32 v11, v4;
	v17 =	vadd.f32 v19, v17;
	v10 =	vld [tilespmem:$0x14800]  }
0x12e: {  	v11 =	vmul.f32 v15, v4;
	v12 =	vld [tilespmem:$0x14780];
	v15 =	vadd.f32 v21, v18  }
0x12f: {  	v9 =	vadd.f32 v16, v9;
	_ =	sdelay $0x1  }
0x130: {  	[tilespmem:s20+$0x0] =	vst v9  }
0x131: {  	v9 =	vld [tilespmem:$0x14700]  }
0x132: {  	v17 =	vmul.f32 v17, v7;
	_ =	sdelay $0x1  }
0x133: {  	v14 =	vadd.f32 v17, v14;
	_ =	sdelay $0x1  }
0x134: {  	[tilespmem:s19+$0x80] =	vst v14;
	v9 =	vadd.f32 v11, v9  }
0x135: {  	v41 =	vld [tilespmem:s23+$0x80]  }
0x136: {  	v42 =	vld [tilespmem:s19+$0x100];
	[tilespmem:s20+$0x80] =	vst v9  }
0x137: {  	v9 =	vld [tilespmem:s24+$0x80];
	_ =	sdelay $0x2  }
0x138: {  	v18 =	vld [tilespmem:$0x14780];
	v43 =	vunpack.i.l.bf16.f32 v41  }
0x139: {  	v19 =	vunpack.i.l.bf16.f32 v8;
	v14 =	vadd.f32 v42, v43  }
0x13a: {  	v3 =	vadd.f32 v3, v19;
	v44 =	vld [tilespmem:$0x14780];
	v45 =	vunpack.i.l.bf16.f32 v9  }
0x13b: {  	v14 =	vmul.f32 v14, v7;
	v13 =	vadd.f32 v13, v45  }
0x13c: {  	v46 =	vld [tilespmem:s19+$0x180];
	v3 =	vmul.f32 v3, v2  }
0x13d: {  	v14 =	vadd.f32 v14, v18;
	v13 =	vmul.f32 v13, v4  }
0x13e: {  	v40 =	vld [tilespmem:s20+$0x180];
	v3 =	vadd.f32 v3, v12  }
0x13f: {  	v47 =	vld [tilespmem:$0x14800];
	[tilespmem:s19+$0x100] =	vst v14;
	v13 =	vadd.f32 v13, v44  }
0x140: {  	[tilespmem:s18+$0x100] =	vst v3;
	v3 =	vunpack.i.u.bf16.f32 v41;
	v48 =	vld [tilespmem:$0x14800]  }
0x141: {  	v49 =	vunpack.i.u.bf16.f32 v8;
	v1 =	vmul.f32 v15, v1;
	v50 =	vld [tilespmem:$0x14800];
	v3 =	vadd.f32 v46, v3;
	[tilespmem:s20+$0x100] =	vst v13  }
0x142: {  	v5 =	vadd.f32 v5, v49;
	v51 =	vunpack.i.u.bf16.f32 v9;
	v52 =	vld [tilespmem:$0x14800]  }
0x143: {  	v1 =	vadd.f32 v1, v10;
	v3 =	vmul.f32 v3, v7;
	v53 =	vadd.f32 v40, v51  }
0x144: {  	v2 =	vmul.f32 v5, v2;
	v54 =	vadd.f32 v6, v47  }
0x145: {  	[tilespmem:s17+$0x180] =	vst v1;
	v1 =	vadd.f32 v3, v48;
	v3 =	vmul.f32 v53, v4  }
0x146: {  	[tilespmem:s16+$0x180] =	vst v54;
	v2 =	vadd.f32 v2, v50  }
0x147: {  	[tilespmem:s19+$0x180] =	vst v1;
	v1 =	vadd.f32 v3, v52  }
0x148: {  	[tilespmem:s18+$0x180] =	vst v2  }
0x149: {  	[tilespmem:s20+$0x180] =	vst v1  }
0x14a: {  	v1 =	vld [tilespmem:$0x11400]  }
0x14b: {  	v2 =	vld [tilespmem:$0x4E00]  }
0x14c: {  	v3 =	vld [tilespmem:$0xEB00]  }
0x14d: {  	v55 =	vld [tilespmem:$0xEB80]  }
0x14e: {  	v5 =	vld [tilespmem:$0x4E80]  }
0x14f: {  	v56 =	vld [tilespmem:$0xEC00]  }
0x150: {  	v57 =	vld [tilespmem:$0xEC80];
	_ =	sdelay $0x1  }
0x151: {  	v59 =	vld [tilespmem:$0x14680];
	v58 =	vunpack.i.l.bf16.f32 v2  }
0x152: {  	v60 =	vld [tilespmem:$0x14700];
	v2 =	vunpack.i.u.bf16.f32 v2;
	v3 =	vadd.f32 v3, v58  }
0x153: {  	v63 =	vld [tilespmem:$0x14800];
	v61 =	vunpack.i.l.bf16.f32 v5;
	v5 =	vunpack.i.u.bf16.f32 v5;
	v2 =	vadd.f32 v55, v2  }
0x154: {  	v62 =	vld [tilespmem:$0x14780];
	v4 =	vadd.f32 v56, v61;
	v5 =	vadd.f32 v57, v5;
	v3 =	vmul.f32 v3, v1  }
0x155: {  	v2 =	vmul.f32 v2, v1  }
0x156: {  	v4 =	vmul.f32 v4, v1;
	v1 =	vmul.f32 v5, v1;
	v3 =	vadd.f32 v3, v59  }
0x157: {  	v2 =	vadd.f32 v2, v60  }
0x158: {  	v1 =	vadd.f32 v1, v63;
	[tilespmem:$0xEB00] =	vst v3  }
0x159: {  	s15 =	sadd.s32 $0x1, s15;
	v3 =	vadd.f32 v4, v62;
	[tilespmem:$0xEB80] =	vst v2  }
0x15a: {  	p0 =	sne.s32 s15, s8;
	[tilespmem:$0xEC80] =	vst v1  }
.Ltmp7:
0x15b: {  	[tilespmem:$0xEC00] =	vst v3;
	(pc) =	sbr.rel @p0 .LBB2_1-.Ltmp7, $4  }
0x15c: {  	[hbm4b:s7+s11] =	stream.strided.scatter [tilespmem:s14], [sflag:$0x3], $0x9E00, s12, s11, $0x38;
	[tilespmem:$0x1E680] =	vst v63  }
0x15d: {  	_ =	swait.ge [sflag:s9], $0x9E00  }
0x15e: {  	[sflag:s9] =	ssyncset.done $0x0  }
0x15f: {  	[sflag:s9] =	ssyncadd.s32 $0xFFFF6200  }
0x160: {  	_ =	sfence.sel $0x180000  }
0x161: {  	[bflag:$0x0] =	sbarrier.arrive $0xFFFF  }
0x162: {  	p0 =	sne.s32 s1, $0x0;
	_ =	strace $0x9000004A  }
0x163: {  	s0 =	sadd.s32 @!p0 $0x100000, s0;
	[bflag:$0x2] =	sbarrier.arrive $0xFFFF  }
0x164: {  	[sflag:s0] =	ssyncadd.tile.s32 @!p0 $0x1;
	_ =	shalt  }
.Lfunc_end2:
_tile_overlayer_lowered:
.L_overlay_start_2:
0x165: {  	(tag) =	ssettag $0x2  }
0x166: {  	s0 =	rddreg [dreg:$0x0];
	s2 =	stileid.u32  }
0x167: {  	s1 =	rddreg [dreg:$0x1];
	p0 =	sne.s32 s2, $0x0  }
0x168: {  	s3 =	rddreg [dreg:$0x2];
	[bflag:$0x3] =	sbarrier.arrive $0xFFFF;
	s2 =	simm.s32 @!p0 $0x1C03  }
0x169: {  	[timem:s3], [sflag:s2] =	dma.local @!p0 [hbm:s0], s1  }
0x16a: {  	s0 =	simm.s32 @!p0 $0x3  }
0x16b: {  	_ =	swait.ge @!p0 [sflag:s0], s1  }
0x16c: {  	s1 =	ssub.s32 @!p0 $0x0, s1;
	[sflag:s0] =	ssyncset.done @!p0 $0x0  }
0x16d: {  	[sflag:s0] =	ssyncadd.s32 @!p0 s1  }
0x16e: {  	[bflag:$0x3] =	sbarrier.arrive $0xFFFF  }
0x16f: {  	_ =	shalt  }

// kernel: kernel.13.cloned.1.call-start
scs
__scs_entry_jumppad:
0x0: {  	(pc) =	sbr.rel $0x88, $3  }
0x1: {  	(tag) =	ssettag $0x0;
	lr =	simm.s32 $0x1  }
0x2: {  	[smem:$0x3F9B] =	sst lr;
	_ =	strace $0xD0000000  }
0x3: {  	_ = 	snop  }
0x4: {  	_ = 	snop  }
0x5: {  	_ = 	snop  }
0x6: {  	_ = 	snop  }
0x7: {  	_ = 	snop  }
__scs_overlays_trampoline_lowered:
0x8: {  	[smem:$0x3FAA] =	sst s0  }
0x9: {  	[smem:$0x3FAB] =	sst s1  }
0xa: {  	[smem:$0x3FAC] =	sst s2  }
0xb: {  	[smem:$0x3FAD] =	sst s3  }
0xc: {  	[smem:$0x3FAE] =	sst s4  }
0xd: {  	[smem:$0x3FAF] =	sst s5  }
0xe: {  	[smem:$0x3FB0] =	sst s6  }
0xf: {  	[smem:$0x3FB1] =	sst s7  }
0x10: {  	[smem:$0x3FB2] =	sst s8  }
0x11: {  	[smem:$0x3FB3] =	sst s9;
	s0 =	simm.s32 @!p0 $0x0  }
0x12: {  	s1 =	sld [smem:$0x3F99];
	s0 =	simm.s32 @p0 $0x1  }
0x13: {  	[smem:$0x3FB4] =	sst s0;
	s0 =	simm.s32 @!p1 $0x0  }
0x14: {  	s2 =	sld [smem:$0x3F98];
	s0 =	simm.s32 @p1 $0x1  }
0x15: {  	[smem:$0x3FB5] =	sst s0;
	s0 =	simm.s32 @!p2 $0x0  }
0x16: {  	s3 =	sld [smem:$0x3FDB];
	s0 =	simm.s32 @p2 $0x1  }
0x17: {  	s4 =	simm.s32 $0x1BF5;
	[smem:$0x3FB7] =	sst s0  }
0x18: {  	s0 =	sld [smem:$0x3F9A];
	_ =	swait.ge [sflag:s4], $0x0  }
0x19: {  	s7 =	sld [smem:$0x3F9B]  }
0x1a: {  	s8 =	sadd.s32 $0xFFFFE003, lr  }
0x1b: {  	s9 =	sadd.s32 $0xFFFFFEF7, lr;
	s5 =	simm.s32 $0xFFFFFFFF;
	p2 =	slt.u32 s8, $0xFFFFF086  }
0x1c: {  	p1 =	slt.u32 s9, $0xF7A;
	s5 =	simm.s32 @!p2 $0x0  }
0x1d: {  	s5 =	simm.s32 @p1 $0x1;
	p0 =	seq.s32 s7, s2  }
0x1e: {  	s7 =	smul.u32 @!p0 $0xF7A, s2;
	p2 =	seq.s32 @!p0 s5, $0x0  }
0x1f: {  	s9 =	smul.u32 $0xF7A, s1;
	s8 =	simm.s32 @!p0 $0x1BF5;
	p2 =	por !p2, p0  }
0x20: {  	[sflag:s8] =	ssyncset.s32 @!p0 $0xFFFFF086;
	s6 =	sadd.s32 @!p0 s3, s7;
	s7 =	simm.s32 @!p0 $0x108  }
0x21: {  	s3 =	sadd.s32 s3, s9;
	s6 =	sadd.s32 @!p0 $0x88, s6;
	s7 =	simm.s32 @p2 $0x1082  }
0x22: {  	[simem:s7], [sflag:s8] =	dma.local @!p0 [hbm:s6], $0xF7A  }
0x23: {  	s9 =	sor.u32 $0xD0000000, s2;
	s6 =	simm.s32 $0x108;
	_ =	swait.ge @!p0 [sflag:s8], $0x0  }
0x24: {  	s3 =	sadd.s32 $0x88, s3;
	s6 =	simm.s32 @!p1 $0x1082;
	[sflag:s4] =	ssyncset.s32 $0xFFFFF086  }
0x25: {  	[simem:s6], [sflag:s4] =	dma.local [hbm:s3], $0xF7A  }
0x26: {  	[smem:$0x3F9B] =	sst s1;
	(tag) =	ssettag s2;
	_ =	strace s9  }
0x27: {  	s1 =	sld [smem:$0x3FAB]  }
0x28: {  	s2 =	sld [smem:$0x3FAC]  }
0x29: {  	s4 =	sld [smem:$0x3FAE]  }
0x2a: {  	p0 =	seq.s32 s5, $0x0;
	s5 =	sld [smem:$0x3FAF]  }
0x2b: {  	s6 =	sld [smem:$0x3FB0]  }
0x2c: {  	s7 =	sld [smem:$0x3FB1]  }
0x2d: {  	s3 =	simm.s32 $0x108;
	s8 =	sld [smem:$0x3FB2]  }
0x2e: {  	s3 =	simm.s32 @!p0 $0x1082;
	s9 =	sld [smem:$0x3FB3]  }
0x2f: {  	lr =	sadd.s32 s0, s3;
	s0 =	sld [smem:$0x3FAA]  }
0x30: {  	s3 =	sld [smem:$0x3FAD]  }
0x31: {  	[smem:$0x3FB6] =	sst s10  }
0x32: {  	s10 =	sld [smem:$0x3FB4];
	_ =	sdelay $0x3  }
0x33: {  	p0 =	seq.s32 s10, $0x1;
	s10 =	sld [smem:$0x3FB6];
	_ =	sdelay $0x3  }
0x34: {  	[smem:$0x3FB6] =	sst s10  }
0x35: {  	s10 =	sld [smem:$0x3FB5];
	_ =	sdelay $0x3  }
0x36: {  	p1 =	seq.s32 s10, $0x1;
	s10 =	sld [smem:$0x3FB6];
	_ =	sdelay $0x3  }
0x37: {  	[smem:$0x3FB6] =	sst s10  }
0x38: {  	s10 =	sld [smem:$0x3FB7]  }
0x39: {  	_ = 	snop;
	(pc) =	sbr.ind lr, $3  }
0x3a: {  	_ = 	snop  }
0x3b: {  	_ = 	snop  }
0x3c: {  	p2 =	seq.s32 s10, $0x1;
	s10 =	sld [smem:$0x3FB6]  }
0x3d: {  	_ =	shalt  }
0x3e: {  	_ =	shalt  }
0x3f: {  	_ =	shalt  }
0x40: {  	_ =	shalt  }
0x41: {  	_ =	shalt  }
0x42: {  	_ =	shalt  }
0x43: {  	_ =	shalt  }
0x44: {  	_ =	shalt  }
0x45: {  	_ =	shalt  }
0x46: {  	_ =	shalt  }
0x47: {  	_ =	shalt  }
0x48: {  	_ =	shalt  }
0x49: {  	_ =	shalt  }
0x4a: {  	_ =	shalt  }
0x4b: {  	_ =	shalt  }
0x4c: {  	_ =	shalt  }
0x4d: {  	_ =	shalt  }
0x4e: {  	_ =	shalt  }
0x4f: {  	_ =	shalt  }
0x50: {  	_ =	shalt  }
0x51: {  	_ =	shalt  }
0x52: {  	_ =	shalt  }
0x53: {  	_ =	shalt  }
0x54: {  	_ =	shalt  }
0x55: {  	_ =	shalt  }
0x56: {  	_ =	shalt  }
0x57: {  	_ =	shalt  }
0x58: {  	_ =	shalt  }
0x59: {  	_ =	shalt  }
0x5a: {  	_ =	shalt  }
0x5b: {  	_ =	shalt  }
0x5c: {  	_ =	shalt  }
0x5d: {  	_ =	shalt  }
0x5e: {  	_ =	shalt  }
0x5f: {  	_ =	shalt  }
0x60: {  	_ =	shalt  }
0x61: {  	_ =	shalt  }
0x62: {  	_ =	shalt  }
0x63: {  	_ =	shalt  }
0x64: {  	_ =	shalt  }
0x65: {  	_ =	shalt  }
0x66: {  	_ =	shalt  }
0x67: {  	_ =	shalt  }
0x68: {  	_ =	shalt  }
0x69: {  	_ =	shalt  }
0x6a: {  	_ =	shalt  }
0x6b: {  	_ =	shalt  }
0x6c: {  	_ =	shalt  }
0x6d: {  	_ =	shalt  }
0x6e: {  	_ =	shalt  }
0x6f: {  	_ =	shalt  }
0x70: {  	_ =	shalt  }
0x71: {  	_ =	shalt  }
0x72: {  	_ =	shalt  }
0x73: {  	_ =	shalt  }
0x74: {  	_ =	shalt  }
0x75: {  	_ =	shalt  }
0x76: {  	_ =	shalt  }
0x77: {  	_ =	shalt  }
0x78: {  	_ =	shalt  }
0x79: {  	_ =	shalt  }
0x7a: {  	_ =	shalt  }
0x7b: {  	_ =	shalt  }
0x7c: {  	_ =	shalt  }
0x7d: {  	_ =	shalt  }
0x7e: {  	_ =	shalt  }
0x7f: {  	_ =	shalt  }
0x80: {  	_ =	shalt  }
0x81: {  	_ =	shalt  }
0x82: {  	_ =	shalt  }
0x83: {  	_ =	shalt  }
0x84: {  	_ =	shalt  }
0x85: {  	_ =	shalt  }
0x86: {  	_ =	shalt  }
0x87: {  	_ =	shalt  }
.Lfunc_end0:
.L_simem_size_0:
called_computation.2_lowered:
.L_overlay_start_0:
0x88: {  	s2 =	sld [smem:$0x3FD9]  }
0x89: {  	s3 =	sld [smem:$0x3FFE];
	_ =	sdelay $0x1  }
0x8a: {  	s1 =	srdreg.scid  }
0x8b: {  	s0 =	sand.u32 $0x1, s1  }
0x8c: {  	s17 =	sshll.u32 s0, $0xA;
	s2 =	sadd.s32 s3, s2  }
0x8d: {  	s2 =	sadd.s32 s2, s17  }
0x8e: {  	[smem:$0x3FC2] =	sst s2  }
0x8f: {  	_ = 	snop  }
0x90: {  	s2 =	sld [smem:$0x3FD0];
	(tm) =	ssettm $0x1  }
0x91: {  	s18 =	sld [smem:$0x3FFB];
	_ =	sdelay $0x3  }
0x92: {  	_ =	strace s18  }
0x93: {  	s3 =	sld [smem:$0x3FFC];
	_ =	sdelay $0x3  }
0x94: {  	_ =	strace s3  }
0x95: {  	s3 =	sld [smem:$0x3FFD];
	_ =	sdelay $0x3  }
0x96: {  	_ =	strace s3  }
0x97: {  	_ =	strace $0x8FFFFFFF  }
0x98: {  	s19 =	sld [smem:$0x3FDB];
	_ =	sdelay $0x1  }
0x99: {  	s4 =	simm.s32 $_scs_section_size  }
0x9a: {  	s5 =	simm.s32 $_size__tile_overlayer_lowered;
	s6 =	simm.s32 $_tile_overlayer_lowered  }
0x9b: {  	s22 =	simm.s32 $0x1BFF;
	s21 =	sshll.u32 s6, $0x1;
	s3 =	sadd.s32 s4, s19  }
0x9c: {  	s7 =	simm.s32 $0x0;
	s20 =	sshll.u32 s5, $0x1;
	s5 =	sadd.s32 s21, s3  }
0x9d: {  	[timem:s7], [sflag:s22] =	dma.local [hbm:s5], s20  }
0x9e: {  	_ =	swait.ge [sflag:s22], s20  }
0x9f: {  	s4 =	ssub.s32 $0x0, s20;
	[sflag:s22] =	ssyncset.done $0x0  }
0xa0: {  	[sflag:s22] =	ssyncadd.s32 s4;
	_ =	sdelay $0x1  }
0xa1: {  	s23 =	simm.s32 $0x1B8B  }
0xa2: {  	_ =	swait.ge [sflag:s23], $0x1  }
0xa3: {  	[sflag:s23] =	ssyncset.done $0x0  }
0xa4: {  	s25 =	simm.s32 $0x1B8E;
	s24 =	sld [smem:$0x3FFE];
	[sflag:s23] =	ssyncadd.s32 $0xFFFFFFFF  }
0xa5: {  	s26 =	simm.s32 $execute0_lowered;
	[smem:$0x3FD2] =	sst s25  }
0xa6: {  	s5 =	sshll.u32 s26, $0x1;
	_ =	strace $0x8000004C;
	[dreg:$0x1] =	wrdreg $0xFFFFFFFF  }
0xa7: {  	s28 =	simm.s32 $_size_execute0_lowered;
	s3 =	sadd.s32 s3, s5;
	[dreg:$0x0] =	wrdreg $0x0  }
0xa8: {  	s5 =	sshll.u32 s28, $0x1;
	[dreg:$0x2] =	wrdreg s3  }
0xa9: {  	[dreg:$0x3] =	wrdreg s5  }
0xaa: {  	[dreg:$0x4] =	wrdreg $0xC0  }
0xab: {  	_ =	task [dreg:s7], $0x5FFFF  }
0xac: {  	[dreg:$0x1] =	wrdreg $0xFFFFFFFF  }
0xad: {  	[dreg:$0x0] =	wrdreg $0x60  }
0xae: {  	[dreg:$0x2] =	wrdreg s24  }
0xaf: {  	[dreg:$0x3] =	wrdreg s2  }
0xb0: {  	[dreg:$0x4] =	wrdreg $0x9  }
0xb1: {  	_ =	task.clear_ibuf [dreg:s7], $0x5FFFF;
	_ =	strace $0x9000004C  }
0xb2: {  	s29 =	simm.s32 $0x9;
	_ =	strace $0x8000004E  }
0xb3: {  	_ =	swait.ge [sflag:s29], $0x1  }
0xb4: {  	[sflag:s29] =	ssyncadd.s32 $0xFFFFFFFF  }
0xb5: {  	_ =	strace $0x9000004E  }
0xb6: {  	_ =	sfence  }
0xb7: {  	s30 =	sld [smem:$0x0];
	_ =	sdelay $0x2  }
0xb8: {  	s31 =	sshll.u32 s1, $0xD;
	s1 =	sshrl.u32 s1, $0x2  }
0xb9: {  	s3 =	sand.u32 $0x4000, s31;
	s1 =	sadd.s32 s1, s30  }
0xba: {  	s0 =	sor.u32 s3, s0;
	s1 =	sshll.u32 s1, $0x11  }
0xbb: {  	s0 =	sor.u32 s1, s0  }
0xbc: {  	s0 =	sadd.s32 $0x8F2B, s0  }
0xbd: {  	[sflag:s0] =	ssyncadd.remote.s32 $0x1  }
0xbe: {  	_ =	sfence.sel $0xFFFF  }
0xbf: {  	[dreg:$0x0] =	wrdreg $0xFFFFFFFF;
	(pc) =	sbr.abs _section_cstart, $3  }
0xc0: {  	[dreg:$0x1] =	wrdreg $0xFFFFFFFF  }
0xc1: {  	_ =	task.clear_ibuf [dreg:s7], $0x2FFFF;
	_ =	strace $0x9FFFFFFF  }
0xc2: {  	(tm) =	ssettm $0x7FFFFFFF  }
0xc3: {  	_ =	shalt  }
tec
execute0_lowered:
.L_overlay_start_1:
0x0: {  	(tag) =	ssettag $0x1  }
0x1: {  	s5 =	rddreg [dreg:$0x0]  }
0x2: {  	s6 =	rddreg [dreg:$0x1]  }
0x3: {  	s0 =	rddreg [dreg:$0x2]  }
0x4: {  	s2 =	simm.s32 $0x0;
	s3 =	srdreg.scid;
	s1 =	stileid.u32  }
0x5: {  	s11 =	simm.s32 $0x200;
	s12 =	simm.s32 $0x400;
	s13 =	simm.s32 $0x14880  }
0x6: {  	s14 =	simm.s32 $0x4F00;
	s15 =	simm.s32 $0x0;
	[smem:$0x7FF] =	sst s2  }
0x7: {  	s7 =	sand.u32 $0x1, s3;
	s8 =	smul.u32 $0x13C00, s1;
	s3 =	sadd.s32 $0x33800, s5  }
0x8: {  	s4 =	sadd.s32 $0x2200, s5;
	s10 =	sshll.u32 s1, $0xA;
	s9 =	sshll.u32 s7, $0x9  }
0x9: {  	_ =	strace $0x8000004D;
	s7 =	ssub.s32 $0x2, s7;
	s8 =	sor.u32 s9, s8  }
0xa: {  	s9 =	sor.u32 s9, s10;
	s30 =	sshrl.u32 s7, $0x1;
	s10 =	simm.s32 $0x14680  }
0xb: {  	s8 =	sshrl.u32 s8, $0x3;
	s9 =	sshrl.u32 s9, $0x3;
	s31 =	ssub.s32 s7, s30  }
0xc: {  	s8 =	sadd.s32 s8, s5;
	s5 =	sadd.s32 s6, s9;
	s9 =	simm.s32 $0x3  }
0xd: {  	v0 =	vimm.f32 $0.0e+00;
	s6 =	sadd.s32 $0xC000, s8;
	s7 =	sadd.s32 $0x33E00, s8;
	s8 =	smax.u32 s31, $0x1  }
.LBB2_1:
0xe: {  	s16 =	simm.s32 $0xED00  }
0xf: {  	[tilespmem:s16], [sflag:$0x3] =	stream.linear.gather [hbm4b:s3+s2], $0x2780, $0x38;
	[tilespmem:$0x1E680] =	vst v63  }
0x10: {  	_ =	swait.ge [sflag:s9], $0x2780  }
0x11: {  	[sflag:s9] =	ssyncset.done $0x0  }
0x12: {  	[sflag:s9] =	ssyncadd.s32 $0xFFFFD880  }
0x13: {  	[tilespmem:s10], [sflag:$0x3] =	stream.linear.gather [hbm4b:s5+s2], $0x200, $0x38;
	[tilespmem:$0x1E680] =	vst v63  }
0x14: {  	_ =	swait.ge [sflag:s9], $0x200  }
0x15: {  	[sflag:s9] =	ssyncset.done $0x0  }
0x16: {  	[sflag:s9] =	ssyncadd.s32 $0xFFFFFE00  }
0x17: {  	[tilespmem:s13], [sflag:$0x3] =	stream.strided.gather [hbm4b:s6+s11], $0x9E00, s12, s11, $0x38;
	[tilespmem:$0x1E680] =	vst v63  }
0x18: {  	s18 =	sand.u32 $0x60, s2;
	_ =	swait.ge [sflag:s9], $0x9E00  }
0x19: {  	s19 =	sand.u32 $0x3F80, s2;
	s17 =	sor.u32 $0x10, s18;
	[sflag:s9] =	ssyncset.done $0x0  }
0x1a: {  	s20 =	simm.s32 $0x0;
	s19 =	sor.u32 s17, s19;
	[sflag:s9] =	ssyncadd.s32 $0xFFFF6200  }
0x1b: {  	s20 =	sand.u32 $0xFFFFFE00, s20;
	v2 =	vld [tilespmem:s19+$0xED00]  }
0x1c: {  	s26 =	sor.u32 s18, s20;
	v4 =	vld [tilespmem:s16+$0x0]  }
0x1d: {  	v5 =	vld [tilespmem:s26+$0x14880]  }
0x1e: {  	s19 =	sor.u32 s20, s17;
	v7 =	vld [tilespmem:s26+$0x14900]  }
0x1f: {  	s30 =	simm.s32 $0x20;
	v1 =	vld [tilespmem:s19+$0x14880]  }
0x20: {  	s21 =	simm.s32 $0x0;
	s20 =	sand.u32 $0x60, s30;
	v3 =	vld [tilespmem:s19+$0x14900]  }
0x21: {  	s23 =	simm.s32 $0x80;
	s16 =	sand.u32 $0x3F80, s30;
	s25 =	sor.u32 $0x10, s20  }
0x22: {  	s21 =	sand.u32 $0x3FFFFF00, s21;
	s24 =	sand.u32 $0xFFFFFE00, s23;
	s16 =	sor.u32 s25, s16  }
0x23: {  	s31 =	sor.u32 s17, s21;
	s17 =	sor.u32 s24, s25;
	v11 =	vld [tilespmem:s16+$0xED00]  }
0x24: {  	v8 =	vld [tilespmem:s17+$0x14880];
	v5 =	vmul.f32 v5, v4;
	v7 =	vmul.f32 v7, v4  }
0x25: {  	s22 =	simm.s32 $0xED20;
	v9 =	vld [tilespmem:s17+$0x14900];
	v6 =	vmul.f32 v1, v2;
	v3 =	vmul.f32 v3, v2  }
0x26: {  	s28 =	sor.u32 s18, s21;
	s16 =	sor.u32 s20, s24;
	v1 =	vld [tilespmem:s22+$0x0];
	v5 =	vpack.i.f32.bf16 v7, v5  }
0x27: {  	v7 =	vld [tilespmem:s16+$0x14880];
	v3 =	vpack.i.f32.bf16 v3, v6;
	[tilespmem:s28+$0x0] =	vst v5  }
0x28: {  	v5 =	vld [tilespmem:s16+$0x14900];
	[tilespmem:s31+$0x0] =	vst v3  }
0x29: {  	v3 =	vld [tilespmem:s19+$0x14980]  }
0x2a: {  	v6 =	vld [tilespmem:s19+$0x14A00];
	_ =	sdelay $0x2  }
0x2b: {  	v8 =	vmul.f32 v8, v11;
	v9 =	vmul.f32 v9, v11;
	v10 =	vld [tilespmem:s26+$0x14980]  }
0x2c: {  	s29 =	simm.s32 $0x40;
	v7 =	vmul.f32 v7, v1;
	v5 =	vmul.f32 v5, v1  }
0x2d: {  	s29 =	sand.u32 $0x3FFFFF00, s29;
	v3 =	vmul.f32 v3, v2;
	v2 =	vmul.f32 v6, v2;
	v6 =	vld [tilespmem:s26+$0x14A00]  }
0x2e: {  	s25 =	sor.u32 s25, s29;
	v8 =	vpack.i.f32.bf16 v9, v8  }
0x2f: {  	s30 =	simm.s32 $0x40;
	s22 =	sor.u32 s20, s29;
	[tilespmem:s25+$0x0] =	vst v8;
	v5 =	vpack.i.f32.bf16 v5, v7  }
0x30: {  	s23 =	simm.s32 $0xED40;
	s21 =	sand.u32 $0x60, s30;
	v8 =	vmul.f32 v10, v4;
	v10 =	vld [tilespmem:s17+$0x14980];
	[tilespmem:s22+$0x0] =	vst v5;
	v2 =	vpack.i.f32.bf16 v2, v3  }
0x31: {  	s18 =	sand.u32 $0x3F80, s30;
	s30 =	simm.s32 $0x100;
	s24 =	sor.u32 $0x10, s21;
	v5 =	vld [tilespmem:s17+$0x14A00];
	[tilespmem:s31+$0x80] =	vst v2  }
0x32: {  	s18 =	sor.u32 s24, s18;
	v3 =	vld [tilespmem:s23+$0x0];
	s31 =	sand.u32 $0xFFFFFE00, s30;
	[tilespmem:s19+$0x5080] =	vst v0;
	v4 =	vmul.f32 v6, v4  }
0x33: {  	v2 =	vld [tilespmem:s18+$0xED00];
	[tilespmem:s19+$0x4F00] =	vst v0;
	s18 =	sor.u32 s31, s24  }
0x34: {  	[tilespmem:s19+$0x4F80] =	vst v0;
	v6 =	vld [tilespmem:s18+$0x14880];
	v4 =	vpack.i.f32.bf16 v4, v8  }
0x35: {  	s20 =	sor.u32 s21, s31;
	v9 =	vld [tilespmem:s18+$0x14900];
	[tilespmem:s28+$0x80] =	vst v4  }
0x36: {  	v8 =	vld [tilespmem:s20+$0x14880];
	[tilespmem:s26+$0x4F00] =	vst v0  }
0x37: {  	v7 =	vld [tilespmem:s20+$0x14900];
	[tilespmem:s26+$0x4F80] =	vst v0  }
0x38: {  	v10 =	vmul.f32 v10, v11;
	v11 =	vmul.f32 v5, v11;
	v4 =	vld [tilespmem:s16+$0x14980];
	[tilespmem:s26+$0x5000] =	vst v0  }
0x39: {  	s29 =	simm.s32 $0x60;
	v5 =	vld [tilespmem:s16+$0x14A00];
	s28 =	simm.s32 $0x4;
	[tilespmem:s26+$0x5080] =	vst v0  }
.LBB2_2:
0x3a: {  	s26 =	sand.u32 $0x60, s29;
	s30 =	sshll.u32 s28, $0x5;
	v6 =	vmul.f32 v6, v2;
	v9 =	vmul.f32 v9, v2;
	s23 =	sadd.s32 $0x20, s23;
	v10 =	vpack.i.f32.bf16 v11, v10;
	[tilespmem:s19+$0x5000] =	vst v0  }
0x3b: {  	s31 =	sand.u32 $0x3F80, s29;
	s19 =	sor.u32 $0x10, s26;
	v8 =	vmul.f32 v8, v3;
	s30 =	sand.u32 $0x3FFFFF00, s30;
	[tilespmem:s25+$0x80] =	vst v10  }
0x3c: {  	s28 =	sadd.s32 $0x2, s28;
	v10 =	vld [tilespmem:s23+$0x0];
	s31 =	sor.u32 s19, s31;
	v7 =	vmul.f32 v7, v3;
	v6 =	vpack.i.f32.bf16 v9, v6;
	s25 =	sor.u32 s24, s30;
	[tilespmem:s17+$0x5080] =	vst v0  }
0x3d: {  	s24 =	sshll.u32 s28, $0x6;
	s30 =	sor.u32 s21, s30;
	s21 =	smov.u32 s26;
	v12 =	vld [tilespmem:s31+$0xED00];
	[tilespmem:s25+$0x0] =	vst v6;
	v4 =	vmul.f32 v4, v1  }
0x3e: {  	s26 =	sand.u32 $0xFFFFFE00, s24;
	s24 =	smov.u32 s19;
	s19 =	smov.u32 s17;
	v6 =	vpack.i.f32.bf16 v7, v8;
	v11 =	vld [tilespmem:s18+$0x14980];
	v5 =	vmul.f32 v5, v1;
	[tilespmem:s17+$0x4F00] =	vst v0;
	v1 =	vmov v3  }
0x3f: {  	p0 =	slt.u32 s28, $0x26E;
	s31 =	sor.u32 s21, s26;
	s26 =	sor.u32 s26, s24;
	[tilespmem:s30+$0x0] =	vst v6;
	v13 =	vld [tilespmem:s18+$0x14A00]  }
0x40: {  	s17 =	smov.u32 s18;
	s18 =	smov.u32 s26;
	v6 =	vld [tilespmem:s26+$0x14880];
	v4 =	vpack.i.f32.bf16 v5, v4;
	[tilespmem:s19+$0x4F80] =	vst v0  }
.Ltmp0:
0x41: {  	v9 =	vld [tilespmem:s18+$0x14900];
	[tilespmem:s22+$0x80] =	vst v4;
	v3 =	vmov v10;
	s22 =	smov.u32 s30;
	(pc) =	sbr.rel @p0 .LBB2_2-.Ltmp0, $4  }
0x42: {  	v8 =	vld [tilespmem:s31+$0x14880];
	[tilespmem:s16+$0x4F00] =	vst v0  }
0x43: {  	v7 =	vld [tilespmem:s31+$0x14900];
	[tilespmem:s16+$0x4F80] =	vst v0  }
0x44: {  	v10 =	vmul.f32 v11, v2;
	v4 =	vld [tilespmem:s20+$0x14980];
	v11 =	vmul.f32 v13, v2;
	[tilespmem:s16+$0x5000] =	vst v0;
	v2 =	vmov v12  }
0x45: {  	s29 =	sadd.s32 $0x20, s29;
	v5 =	vld [tilespmem:s20+$0x14A00];
	[tilespmem:s16+$0x5080] =	vst v0;
	s16 =	smov.u32 s20;
	s20 =	smov.u32 s31  }
0x46: {  	s23 =	sshll.u32 s28, $0x5;
	v6 =	vmul.f32 v6, v2;
	v9 =	vmul.f32 v9, v2;
	v10 =	vpack.i.f32.bf16 v11, v10;
	[tilespmem:s19+$0x5000] =	vst v0  }
0x47: {  	s31 =	sand.u32 $0x3FFFFF00, s23;
	[tilespmem:s25+$0x80] =	vst v10  }
0x48: {  	v6 =	vpack.i.f32.bf16 v9, v6;
	s23 =	sor.u32 s24, s31;
	[tilespmem:s17+$0x5080] =	vst v0  }
0x49: {  	[tilespmem:s23+$0x0] =	vst v6  }
0x4a: {  	v8 =	vmul.f32 v8, v3;
	v7 =	vmul.f32 v7, v3;
	[tilespmem:s17+$0x4F00] =	vst v0;
	v58 =	vld [tilespmem:s18+$0x14980]  }
0x4b: {  	[tilespmem:s17+$0x4F80] =	vst v0;
	v4 =	vmul.f32 v4, v1;
	v1 =	vmul.f32 v5, v1;
	v59 =	vld [tilespmem:s18+$0x14A00]  }
0x4c: {  	s19 =	sor.u32 s21, s31;
	[tilespmem:s17+$0x5000] =	vst v0;
	v57 =	vpack.i.f32.bf16 v7, v8  }
0x4d: {  	[tilespmem:s19+$0x0] =	vst v57;
	v1 =	vpack.i.f32.bf16 v1, v4  }
0x4e: {  	[tilespmem:s22+$0x80] =	vst v1  }
0x4f: {  	v60 =	vld [tilespmem:s20+$0x14A00];
	[tilespmem:s16+$0x4F00] =	vst v0  }
0x50: {  	v1 =	vld [tilespmem:s20+$0x14980];
	[tilespmem:s16+$0x4F80] =	vst v0;
	v61 =	vmul.f32 v58, v2;
	v2 =	vmul.f32 v59, v2  }
0x51: {  	[tilespmem:s16+$0x5000] =	vst v0  }
0x52: {  	[tilespmem:s16+$0x5080] =	vst v0;
	v2 =	vpack.i.f32.bf16 v2, v61  }
0x53: {  	[tilespmem:s23+$0x80] =	vst v2  }
0x54: {  	[tilespmem:s18+$0x5080] =	vst v0  }
0x55: {  	v1 =	vmul.f32 v1, v3;
	v2 =	vmul.f32 v60, v3;
	[tilespmem:s18+$0x4F00] =	vst v0  }
0x56: {  	[tilespmem:s18+$0x4F80] =	vst v0  }
0x57: {  	[tilespmem:s18+$0x5000] =	vst v0;
	v1 =	vpack.i.f32.bf16 v2, v1  }
0x58: {  	[tilespmem:s19+$0x80] =	vst v1  }
0x59: {  	[tilespmem:s20+$0x4F00] =	vst v0  }
0x5a: {  	[tilespmem:s20+$0x4F80] =	vst v0  }
0x5b: {  	[tilespmem:s20+$0x5000] =	vst v0  }
0x5c: {  	[tilespmem:s20+$0x5080] =	vst v0  }
0x5d: {  	v1 =	vld [tilespmem:$0x11400]  }
0x5e: {  	v2 =	vld [tilespmem:$0x1E480]  }
0x5f: {  	v3 =	vld [tilespmem:$0x1E500]  }
0x60: {  	v62 =	vld [tilespmem:$0x1E580]  }
0x61: {  	v63 =	vld [tilespmem:$0x1E600];
	_ =	sdelay $0x2  }
0x62: {  	[tilespmem:$0xEB00] =	vst v0  }
0x63: {  	[tilespmem:$0xEB80] =	vst v0;
	v2 =	vmul.f32 v2, v1;
	v3 =	vmul.f32 v3, v1  }
0x64: {  	[tilespmem:$0xEC00] =	vst v0;
	v4 =	vmul.f32 v62, v1;
	v1 =	vmul.f32 v63, v1  }
0x65: {  	[tilespmem:$0xEC80] =	vst v0;
	v2 =	vpack.i.f32.bf16 v3, v2  }
0x66: {  	v1 =	vpack.i.f32.bf16 v1, v4;
	[tilespmem:$0x4E00] =	vst v2  }
0x67: {  	s17 =	simm.s32 $0x0;
	s16 =	simm.s32 $0x11480;
	s18 =	simm.s32 $0x0;
	[tilespmem:$0x4E80] =	vst v1  }
.LBB2_4:
0x68: {  	p0 =	seq.s32 s17, $0x310  }
.Ltmp1:
0x69: {  	_ = 	snop;
	(pc) =	sbr.rel @!p0 .LBB2_4-.Ltmp1, $4  }
0x6a: {  	_ = 	snop  }
0x6b: {  	s19 =	sadd.s32 s17, s4  }
0x6c: {  	[tilespmem:s16], [sflag:$0x1] =	stream.linear.gather [hbm4b:s19+s18], $0x80, $0x38;
	[tilespmem:$0x1E680] =	vst v63  }
0x6d: {  	s17 =	sadd.s32 $0x10, s17;
	s16 =	sadd.s32 $0x100, s16  }
0x6e: {  	p0 =	por $0x1, $0x1  }
.LBB2_6:
0x6f: {  	p1 =	seq.s32 s18, $0x31  }
.Ltmp2:
0x70: {  	_ = 	snop;
	(pc) =	sbr.rel @p1 .LBB2_10-.Ltmp2, $2  }
0x71: {  	_ =	sdelay $0x2  }
0x72: {  	s16 =	sadd.s32 $0x1, s18  }
0x73: {  	s17 =	simm.s32 $0x1  }
0x74: {  	s20 =	smul.u32 $0x320, s16;
	s17 =	simm.s32 @!p0 $0x0  }
0x75: {  	s21 =	sand.u32 $0x1, s16;
	s17 =	sshll.u32 s17, $0x7  }
0x76: {  	s20 =	sadd.s32 s4, s20;
	s19 =	sadd.s32 $0x11480, s17;
	s17 =	sadd.s32 $0x1, s21  }
0x77: {  	s21 =	simm.s32 $0x10;
	s23 =	sadd.s32 $0x0, s20;
	s22 =	sadd.s32 $0x100, s19  }
.LBB2_8:
0x78: {  	[tilespmem:s19], [sflag:s17] =	stream.linear.gather [hbm4b:s23+s2], $0x80, $0x38;
	[tilespmem:$0x1E680] =	vst v63  }
0x79: {  	s23 =	smov.u32 s21;
	s19 =	smov.u32 s22;
	p1 =	sne.s32 s21, $0x310  }
.Ltmp3:
0x7a: {  	s21 =	sadd.s32 $0x10, s21;
	(pc) =	sbr.rel @p1 .LBB2_8-.Ltmp3, $2  }
0x7b: {  	_ =	sdelay $0x2  }
0x7c: {  	s22 =	sadd.s32 $0x100, s22;
	s23 =	sadd.s32 s23, s20  }
0x7d: {  	[tilespmem:s19], [sflag:s17] =	stream.linear.gather [hbm4b:s23+s2], $0x80, $0x38;
	[tilespmem:$0x1E680] =	vst v63  }
.LBB2_10:
0x7e: {  	s17 =	sshll.u32 s18, $0x7  }
0x7f: {  	s17 =	sand.u32 $0x80, s17  }
0x80: {  	s25 =	sand.u32 $0x1, s18;
	v1 =	vmov s17  }
0x81: {  	s18 =	sadd.s32 $0x1, s25  }
0x82: {  	s19 =	simm.s32 $0x0;
	_ =	swait.ge [sflag:s18], $0x1900  }
0x83: {  	s20 =	sand.u32 $0x40, s19;
	s19 =	sand.u32 $0x3F00, s19;
	[sflag:s18] =	ssyncset.done $0x0  }
0x84: {  	s26 =	sor.u32 s20, s19;
	[sflag:s18] =	ssyncadd.s32 $0xFFFFE700  }
0x85: {  	s19 =	sadd.s32 s17, s26;
	v2 =	vld.idx.msk [tilespmem:v1+s26+$0x11480 ss:$0x1], $0xffff  }
0x86: {  	s28 =	sadd.s32 $0x11480, s19  }
0x87: {  	v3 =	vld [tilespmem:s28+$0x10];
	_ =	sdelay $0x1  }
0x88: {  	v4 =	vld [tilespmem:s28+$0x30]  }
0x89: {  	s29 =	simm.s32 $0x80;
	s30 =	simm.s32 $0x40;
	v5 =	vshll.u32 v2, $0x1  }
0x8a: {  	s19 =	sand.u32 $0x40, s30;
	s18 =	sand.u32 $0x3F00, s29;
	v6 =	vld [tilespmem:s28+$0x20];
	v7 =	vand.u32 $0x7F, v2;
	v5 =	vand.u32 $0x1FF00, v5  }
0x8b: {  	s18 =	sor.u32 s19, s18;
	v5 =	vor.u32 v7, v5;
	v7 =	vshll.u32 v3, $0x1  }
0x8c: {  	s19 =	sadd.s32 s17, s18;
	v9 =	vand.u32 $0x7F, v3;
	v8 =	vor.u32 $0x80, v5;
	v7 =	vand.u32 $0x1FF00, v7  }
0x8d: {  	s31 =	sadd.s32 $0x11480, s19;
	v10 =	vshll.u32 v4, $0x1;
	v7 =	vor.u32 v9, v7  }
0x8e: {  	v57 =	vld [tilespmem:s31+$0x20];
	v10 =	vand.u32 $0x1FF00, v10;
	v9 =	vand.u32 $0x7F, v4;
	v11 =	vor.u32 $0x80, v7  }
0x8f: {  	v12 =	vshll.u32 v6, $0x1;
	v17 =	vshrl.u32 v3, $0x10;
	v9 =	vor.u32 v9, v10  }
0x90: {  	v12 =	vand.u32 $0x1FF00, v12;
	v10 =	vand.u32 $0x7F, v6;
	v13 =	vor.u32 $0x80, v9;
	v5 =	vld.idx.msk [tilespmem:v5+s2+$0x0], $0xffff  }
0x91: {  	v14 =	vshrl.u32 v2, $0x10;
	v2 =	vshrl.u32 v2, $0xE;
	v10 =	vor.u32 v10, v12;
	v8 =	vld.idx.msk [tilespmem:v8+s2+$0x0], $0xffff  }
0x92: {  	v2 =	vand.u32 $0x3FE00, v2;
	v12 =	vand.u32 $0x7F, v14;
	v14 =	vor.u32 $0x80, v10;
	v15 =	vld.idx.msk [tilespmem:v7+s2+$0x0], $0xffff  }
0x93: {  	v60 =	vshrl.u32 v57, $0x10;
	v61 =	vand.u32 $0x7F, v57;
	v7 =	vshrl.u32 v4, $0x10;
	v16 =	vld.idx.msk [tilespmem:v11+s2+$0x0], $0xffff  }
0x94: {  	v12 =	vor.u32 v12, v2;
	v4 =	vshrl.u32 v4, $0xE;
	v2 =	vand.u32 $0x7F, v7;
	v9 =	vld.idx.msk [tilespmem:v9+s2+$0x0], $0xffff  }
0x95: {  	v7 =	vshrl.u32 v6, $0x10;
	v6 =	vshrl.u32 v6, $0xE;
	v11 =	vor.u32 $0x80, v12;
	v13 =	vld.idx.msk [tilespmem:v13+s2+$0x0], $0xffff  }
0x96: {  	v4 =	vand.u32 $0x3FE00, v4;
	v7 =	vand.u32 $0x7F, v7;
	v6 =	vand.u32 $0x3FE00, v6;
	v10 =	vld.idx.msk [tilespmem:v10+s2+$0x0], $0xffff  }
0x97: {  	v19 =	vor.u32 v2, v4;
	v18 =	vunpack.i.l.bf16.f32 v5;
	v14 =	vld.idx.msk [tilespmem:v14+s2+$0x0], $0xffff;
	v6 =	vor.u32 v7, v6  }
0x98: {  	v7 =	vshrl.u32 v3, $0xE;
	v3 =	vld.idx.msk [tilespmem:v1+s18+$0x11480 ss:$0x1], $0xffff;
	v2 =	vunpack.i.u.bf16.f32 v5;
	v5 =	vor.u32 $0x100, v19  }
0x99: {  	[tilespmem:v12+s14+$0x0] =	vst.idx.add.f32.msk $0xffff, v18;
	v18 =	vor.u32 $0x80, v19;
	v20 =	vunpack.i.u.bf16.f32 v8;
	v4 =	vor.u32 $0x180, v6  }
0x9a: {  	v21 =	vor.u32 $0x80, v6;
	v22 =	vor.u32 $0x100, v6;
	v7 =	vand.u32 $0x3FE00, v7;
	[tilespmem:v11+s14+$0x0] =	vst.idx.add.f32.msk $0xffff, v2  }
0x9b: {  	v8 =	vunpack.i.l.bf16.f32 v8;
	v2 =	vld [tilespmem:s31+$0x30];
	v11 =	vor.u32 $0x100, v12;
	v23 =	vunpack.i.l.bf16.f32 v9  }
0x9c: {  	v59 =	vunpack.i.l.bf16.f32 v15;
	v9 =	vunpack.i.u.bf16.f32 v9;
	v25 =	vunpack.i.l.bf16.f32 v10;
	[tilespmem:v19+s14+$0x0] =	vst.idx.add.f32.msk $0xffff, v23  }
0x9d: {  	v24 =	vunpack.i.l.bf16.f32 v13;
	v26 =	vunpack.i.u.bf16.f32 v13;
	v13 =	vand.u32 $0x7F, v17;
	[tilespmem:v6+s14+$0x0] =	vst.idx.add.f32.msk $0xffff, v25  }
0x9e: {  	v15 =	vunpack.i.u.bf16.f32 v15;
	v10 =	vunpack.i.u.bf16.f32 v10;
	v17 =	vor.u32 v13, v7;
	[tilespmem:v18+s14+$0x0] =	vst.idx.add.f32.msk $0xffff, v9  }
0x9f: {  	v12 =	vor.u32 $0x180, v12;
	v23 =	vshll.u32 v57, $0x1;
	v6 =	vshll.u32 v3, $0x1;
	[tilespmem:v21+s14+$0x0] =	vst.idx.add.f32.msk $0xffff, v10  }
0xa0: {  	v7 =	vunpack.i.u.bf16.f32 v14;
	v13 =	vshrl.u32 v3, $0x10;
	v18 =	vunpack.i.l.bf16.f32 v14;
	[tilespmem:v11+s14+$0x0] =	vst.idx.add.f32.msk $0xffff, v8  }
0xa1: {  	v9 =	vor.u32 $0x180, v17;
	v6 =	vand.u32 $0x1FF00, v6;
	v58 =	vor.u32 $0x80, v17;
	v11 =	vld [tilespmem:s31+$0x10]  }
0xa2: {  	v14 =	vor.u32 $0x100, v17;
	v10 =	vand.u32 $0x7F, v60;
	[tilespmem:v5+s14+$0x0] =	vst.idx.add.f32.msk $0xffff, v24;
	v8 =	vand.u32 $0x7F, v13  }
0xa3: {  	v13 =	vshrl.u32 v2, $0x10;
	[tilespmem:v17+s14+$0x0] =	vst.idx.add.f32.msk $0xffff, v59;
	v17 =	vor.u32 $0x180, v19;
	v19 =	vand.u32 $0x7F, v3  }
0xa4: {  	[tilespmem:v22+s14+$0x0] =	vst.idx.add.f32.msk $0xffff, v18;
	v63 =	vshll.u32 v2, $0x1;
	v5 =	vand.u32 $0x7F, v13;
	v6 =	vor.u32 v19, v6  }
0xa5: {  	v13 =	vunpack.i.u.bf16.f32 v16;
	[tilespmem:v12+s14+$0x0] =	vst.idx.add.f32.msk $0xffff, v20;
	v19 =	vshrl.u32 v57, $0xE;
	v18 =	vor.u32 $0x80, v6  }
0xa6: {  	v16 =	vunpack.i.l.bf16.f32 v16;
	[tilespmem:v58+s14+$0x0] =	vst.idx.add.f32.msk $0xffff, v15;
	v62 =	vand.u32 $0x3FE00, v19;
	v19 =	vshll.u32 v11, $0x1  }
0xa7: {  	v20 =	vand.u32 $0x1FF00, v23;
	[tilespmem:v14+s14+$0x0] =	vst.idx.add.f32.msk $0xffff, v16;
	v15 =	vand.u32 $0x7F, v11;
	v14 =	vand.u32 $0x1FF00, v19  }
0xa8: {  	v16 =	vand.u32 $0x7F, v2;
	v19 =	vand.u32 $0x1FF00, v63;
	[tilespmem:v17+s14+$0x0] =	vst.idx.add.f32.msk $0xffff, v26;
	v17 =	vor.u32 v15, v14  }
0xa9: {  	v12 =	vshrl.u32 v11, $0x10;
	v15 =	vor.u32 v16, v19;
	v14 =	vld.idx.msk [tilespmem:v6+s2+$0x0], $0xffff;
	v19 =	vor.u32 $0x80, v17  }
0xaa: {  	s20 =	simm.s32 $0x80;
	s19 =	simm.s32 $0x100;
	s18 =	simm.s32 $0x4;
	v10 =	vor.u32 v10, v62;
	v16 =	vor.u32 $0x80, v15;
	v6 =	vld.idx.msk [tilespmem:v18+s2+$0x0], $0xffff;
	v18 =	vor.u32 v61, v20  }
.LBB2_11:
0xab: {  	s21 =	sand.u32 $0x40, s20;
	s22 =	sand.u32 $0x3F00, s19;
	s18 =	sadd.s32 $0x4, s18;
	v11 =	vshrl.u32 v11, $0xE;
	v20 =	vor.u32 $0x80, v18;
	[tilespmem:v9+s14+$0x0] =	vst.idx.add.f32.msk $0xffff, v13  }
0xac: {  	v3 =	vshrl.u32 v3, $0xE;
	s22 =	sor.u32 s21, s22;
	p1 =	slt.u32 s18, $0x18C;
	[tilespmem:v4+s14+$0x0] =	vst.idx.add.f32.msk $0xffff, v7  }
0xad: {  	v3 =	vand.u32 $0x3FE00, v3;
	s21 =	sadd.s32 s17, s22;
	v13 =	vld.idx.msk [tilespmem:v17+s2+$0x0], $0xffff  }
0xae: {  	v17 =	vor.u32 v8, v3;
	s21 =	sadd.s32 $0x11480, s21;
	v19 =	vld.idx.msk [tilespmem:v19+s2+$0x0], $0xffff  }
0xaf: {  	v7 =	vld.idx.msk [tilespmem:v15+s2+$0x0], $0xffff  }
0xb0: {  	v2 =	vshrl.u32 v2, $0xE;
	v8 =	vor.u32 $0x80, v17;
	v9 =	vld.idx.msk [tilespmem:v16+s2+$0x0], $0xffff  }
0xb1: {  	v2 =	vand.u32 $0x3FE00, v2;
	v15 =	vld.idx.msk [tilespmem:v18+s2+$0x0], $0xffff  }
0xb2: {  	v3 =	vunpack.i.l.bf16.f32 v14;
	v18 =	vor.u32 v5, v2;
	v16 =	vld.idx.msk [tilespmem:v20+s2+$0x0], $0xffff  }
0xb3: {  	v5 =	vor.u32 $0x80, v18;
	[tilespmem:v17+s14+$0x0] =	vst.idx.add.f32.msk $0xffff, v3  }
0xb4: {  	v4 =	vor.u32 $0x180, v10;
	v2 =	vunpack.i.u.bf16.f32 v14;
	v14 =	vunpack.i.u.bf16.f32 v6;
	v3 =	vld.idx.msk [tilespmem:v1+s22+$0x11480 ss:$0x1], $0xffff  }
0xb5: {  	v21 =	vor.u32 $0x100, v10;
	v20 =	vor.u32 $0x80, v10;
	v22 =	vor.u32 $0x100, v18;
	[tilespmem:v8+s14+$0x0] =	vst.idx.add.f32.msk $0xffff, v2  }
0xb6: {  	v23 =	vunpack.i.l.bf16.f32 v7;
	v8 =	vor.u32 $0x100, v17;
	v24 =	vunpack.i.l.bf16.f32 v9;
	v2 =	vld [tilespmem:s21+$0x30]  }
0xb7: {  	v7 =	vunpack.i.u.bf16.f32 v7;
	v26 =	vunpack.i.u.bf16.f32 v9;
	v25 =	vunpack.i.l.bf16.f32 v15;
	[tilespmem:v18+s14+$0x0] =	vst.idx.add.f32.msk $0xffff, v23  }
0xb8: {  	v11 =	vand.u32 $0x3FE00, v11;
	v9 =	vand.u32 $0x7F, v12;
	v12 =	vunpack.i.u.bf16.f32 v15;
	[tilespmem:v5+s14+$0x0] =	vst.idx.add.f32.msk $0xffff, v7  }
0xb9: {  	v15 =	vunpack.i.l.bf16.f32 v16;
	v5 =	vunpack.i.l.bf16.f32 v6;
	v6 =	vor.u32 v9, v11;
	[tilespmem:v10+s14+$0x0] =	vst.idx.add.f32.msk $0xffff, v25  }
0xba: {  	v7 =	vunpack.i.u.bf16.f32 v16;
	v10 =	vshll.u32 v3, $0x1;
	v9 =	vor.u32 $0x180, v6;
	v23 =	vld [tilespmem:s21+$0x20]  }
0xbb: {  	v11 =	vshrl.u32 v3, $0x10;
	v16 =	vor.u32 $0x100, v6;
	v10 =	vand.u32 $0x1FF00, v10;
	[tilespmem:v8+s14+$0x0] =	vst.idx.add.f32.msk $0xffff, v5  }
0xbc: {  	v25 =	vor.u32 $0x80, v6;
	v8 =	vand.u32 $0x7F, v11;
	v5 =	vshrl.u32 v2, $0x10;
	[tilespmem:v22+s14+$0x0] =	vst.idx.add.f32.msk $0xffff, v24  }
0xbd: {  	v5 =	vand.u32 $0x7F, v5;
	v22 =	vor.u32 $0x180, v17;
	v17 =	vunpack.i.l.bf16.f32 v13;
	v11 =	vld [tilespmem:s21+$0x10]  }
0xbe: {  	v24 =	vunpack.i.u.bf16.f32 v13;
	v13 =	vunpack.i.u.bf16.f32 v19;
	[tilespmem:v6+s14+$0x0] =	vst.idx.add.f32.msk $0xffff, v17;
	v6 =	vor.u32 $0x180, v18  }
0xbf: {  	v19 =	vunpack.i.l.bf16.f32 v19;
	v17 =	vand.u32 $0x7F, v3;
	v18 =	vshrl.u32 v23, $0x10;
	[tilespmem:v20+s14+$0x0] =	vst.idx.add.f32.msk $0xffff, v12  }
0xc0: {  	v10 =	vor.u32 v17, v10;
	v12 =	vshrl.u32 v23, $0xE;
	v20 =	vand.u32 $0x7F, v18;
	[tilespmem:v21+s14+$0x0] =	vst.idx.add.f32.msk $0xffff, v15  }
0xc1: {  	v18 =	vor.u32 $0x80, v10;
	v21 =	vand.u32 $0x7F, v23;
	v27 =	vand.u32 $0x3FE00, v12;
	[tilespmem:v25+s14+$0x0] =	vst.idx.add.f32.msk $0xffff, v24  }
.Ltmp4:
0xc2: {  	v17 =	vshll.u32 v2, $0x1;
	v12 =	vand.u32 $0x7F, v11;
	v15 =	vshll.u32 v11, $0x1;
	[tilespmem:v16+s14+$0x0] =	vst.idx.add.f32.msk $0xffff, v19;
	(pc) =	sbr.rel @p1 .LBB2_11-.Ltmp4, $4  }
0xc3: {  	v16 =	vand.u32 $0x7F, v2;
	v19 =	vand.u32 $0x1FF00, v17;
	v15 =	vand.u32 $0x1FF00, v15;
	[tilespmem:v6+s14+$0x0] =	vst.idx.add.f32.msk $0xffff, v26  }
0xc4: {  	v6 =	vshll.u32 v23, $0x1;
	v17 =	vor.u32 v12, v15;
	v15 =	vor.u32 v16, v19;
	[tilespmem:v22+s14+$0x0] =	vst.idx.add.f32.msk $0xffff, v14  }
0xc5: {  	v14 =	vld.idx.msk [tilespmem:v10+s2+$0x0], $0xffff;
	v19 =	vor.u32 $0x80, v17;
	v10 =	vand.u32 $0x1FF00, v6;
	v16 =	vor.u32 $0x80, v15  }
0xc6: {  	s19 =	sadd.s32 $0x80, s19;
	s20 =	sadd.s32 $0x40, s20;
	v12 =	vshrl.u32 v11, $0x10;
	v6 =	vld.idx.msk [tilespmem:v18+s2+$0x0], $0xffff;
	v18 =	vor.u32 v21, v10;
	v10 =	vor.u32 v20, v27  }
0xc7: {  	_ =	sdelay $0x3  }
0xc8: {  	[tilespmem:v9+s14+$0x0] =	vst.idx.add.f32.msk $0xffff, v13  }
0xc9: {  	[tilespmem:v4+s14+$0x0] =	vst.idx.add.f32.msk $0xffff, v7  }
0xca: {  	v1 =	vshrl.u32 v3, $0xE;
	v3 =	vor.u32 $0x80, v18;
	v42 =	vld.idx.msk [tilespmem:v18+s2+$0x0], $0xffff  }
0xcb: {  	v37 =	vld.idx.msk [tilespmem:v17+s2+$0x0], $0xffff;
	v2 =	vshrl.u32 v2, $0xE;
	v1 =	vand.u32 $0x3FE00, v1  }
0xcc: {  	v39 =	vld.idx.msk [tilespmem:v15+s2+$0x0], $0xffff;
	v11 =	vshrl.u32 v11, $0xE;
	v2 =	vand.u32 $0x3FE00, v2;
	v1 =	vor.u32 v8, v1  }
0xcd: {  	v38 =	vld.idx.msk [tilespmem:v19+s2+$0x0], $0xffff;
	v12 =	vand.u32 $0x7F, v12;
	v11 =	vand.u32 $0x3FE00, v11;
	v2 =	vor.u32 v5, v2  }
0xce: {  	v41 =	vld.idx.msk [tilespmem:v16+s2+$0x0], $0xffff;
	v49 =	vor.u32 v12, v11  }
0xcf: {  	v50 =	vor.u32 $0x80, v10;
	v3 =	vld.idx.msk [tilespmem:v3+s2+$0x0], $0xffff;
	v51 =	vunpack.i.l.bf16.f32 v42  }
0xd0: {  	v40 =	vor.u32 $0x80, v1;
	v44 =	vunpack.i.l.bf16.f32 v14;
	[tilespmem:v10+s14+$0x0] =	vst.idx.add.f32.msk $0xffff, v51  }
0xd1: {  	v43 =	vor.u32 $0x80, v2;
	v48 =	vunpack.i.l.bf16.f32 v39;
	[tilespmem:v1+s14+$0x0] =	vst.idx.add.f32.msk $0xffff, v44  }
0xd2: {  	v55 =	vor.u32 $0x80, v49;
	v57 =	vunpack.i.l.bf16.f32 v37;
	[tilespmem:v2+s14+$0x0] =	vst.idx.add.f32.msk $0xffff, v48  }
0xd3: {  	v47 =	vor.u32 $0x100, v1;
	v5 =	vunpack.i.u.bf16.f32 v42;
	[tilespmem:v49+s14+$0x0] =	vst.idx.add.f32.msk $0xffff, v57  }
0xd4: {  	v45 =	vunpack.i.u.bf16.f32 v14;
	v46 =	vor.u32 $0x100, v2;
	[tilespmem:v50+s14+$0x0] =	vst.idx.add.f32.msk $0xffff, v5  }
0xd5: {  	v56 =	vor.u32 $0x100, v49;
	v8 =	vunpack.i.u.bf16.f32 v39;
	[tilespmem:v40+s14+$0x0] =	vst.idx.add.f32.msk $0xffff, v45  }
0xd6: {  	v52 =	vor.u32 $0x100, v10;
	v4 =	vunpack.i.u.bf16.f32 v37;
	[tilespmem:v43+s14+$0x0] =	vst.idx.add.f32.msk $0xffff, v8  }
0xd7: {  	v53 =	vunpack.i.l.bf16.f32 v6;
	v2 =	vor.u32 $0x180, v2;
	[tilespmem:v55+s14+$0x0] =	vst.idx.add.f32.msk $0xffff, v4  }
0xd8: {  	v54 =	vunpack.i.l.bf16.f32 v41;
	v1 =	vor.u32 $0x180, v1;
	[tilespmem:v47+s14+$0x0] =	vst.idx.add.f32.msk $0xffff, v53  }
0xd9: {  	v59 =	vor.u32 $0x180, v49;
	v61 =	vunpack.i.l.bf16.f32 v38;
	[tilespmem:v46+s14+$0x0] =	vst.idx.add.f32.msk $0xffff, v54  }
0xda: {  	v60 =	vor.u32 $0x180, v10;
	p1 =	seq.s32 s16, $0x32;
	[tilespmem:v56+s14+$0x0] =	vst.idx.add.f32.msk $0xffff, v61;
	v58 =	vunpack.i.l.bf16.f32 v3  }
.Ltmp5:
0xdb: {  	v62 =	vunpack.i.u.bf16.f32 v41;
	[tilespmem:v52+s14+$0x0] =	vst.idx.add.f32.msk $0xffff, v58;
	(pc) =	sbr.rel @!p1 .LBB2_6-.Ltmp5, $4  }
0xdc: {  	v63 =	vunpack.i.u.bf16.f32 v6;
	[tilespmem:v2+s14+$0x0] =	vst.idx.add.f32.msk $0xffff, v62  }
0xdd: {  	v2 =	vunpack.i.u.bf16.f32 v38;
	[tilespmem:v1+s14+$0x0] =	vst.idx.add.f32.msk $0xffff, v63  }
0xde: {  	v1 =	vunpack.i.u.bf16.f32 v3;
	[tilespmem:v59+s14+$0x0] =	vst.idx.add.f32.msk $0xffff, v2  }
0xdf: {  	p0 =	por !p0, !p0;
	s18 =	smov.u32 s16;
	[tilespmem:v60+s14+$0x0] =	vst.idx.add.f32.msk $0xffff, v1  }
0xe0: {  	s16 =	simm.s32 $0x0  }
0xe1: {  	s19 =	simm.s32 $0x0;
	s20 =	simm.s32 $0x0;
	s18 =	sand.u32 $0x60, s16  }
0xe2: {  	s19 =	sand.u32 $0x3FFFFF00, s19;
	s20 =	sand.u32 $0x3FFFFE00, s20;
	s21 =	sor.u32 $0x10, s18  }
0xe3: {  	s20 =	sadd.s32 $0x4F00, s20;
	s22 =	sor.u32 s21, s19  }
0xe4: {  	s25 =	sor.u32 s21, s20;
	v1 =	vld [tilespmem:s22+$0x0]  }
0xe5: {  	s16 =	sand.u32 $0x3F80, s16;
	v2 =	vld [tilespmem:s25+$0x0]  }
0xe6: {  	s16 =	sor.u32 s21, s16  }
0xe7: {  	v8 =	vld [tilespmem:s16+$0xED00];
	_ =	sdelay $0x1  }
0xe8: {  	v4 =	vld [tilespmem:$0x14680];
	s19 =	sor.u32 s18, s19;
	v5 =	vunpack.i.l.bf16.f32 v1  }
0xe9: {  	v3 =	vld [tilespmem:s19+$0x0];
	s16 =	sor.u32 s18, s20;
	v2 =	vadd.f32 v2, v5  }
0xea: {  	s17 =	simm.s32 $0xED00;
	v5 =	vld [tilespmem:s16+$0x0]  }
0xeb: {  	v6 =	vld [tilespmem:s17+$0x0];
	v2 =	vmul.f32 v2, v8  }
0xec: {  	v7 =	vld [tilespmem:s25+$0x80]  }
0xed: {  	v2 =	vadd.f32 v2, v4  }
0xee: {  	v9 =	vunpack.i.l.bf16.f32 v3  }
0xef: {  	v18 =	vld [tilespmem:s25+$0x180];
	v5 =	vadd.f32 v5, v9;
	[tilespmem:s25+$0x0] =	vst v2  }
0xf0: {  	v1 =	vunpack.i.u.bf16.f32 v1;
	v2 =	vld [tilespmem:$0x14700]  }
0xf1: {  	s26 =	simm.s32 $0x20;
	v10 =	vld [tilespmem:s16+$0x100];
	v1 =	vadd.f32 v7, v1;
	v5 =	vmul.f32 v5, v6  }
0xf2: {  	s28 =	simm.s32 $0x40;
	s21 =	sand.u32 $0x60, s26;
	v11 =	vld [tilespmem:s16+$0x180]  }
0xf3: {  	s29 =	simm.s32 $0x80;
	s23 =	sand.u32 $0x3FFFFF00, s28;
	s24 =	sor.u32 $0x10, s21;
	v7 =	vld [tilespmem:s25+$0x100];
	v1 =	vmul.f32 v1, v8;
	v4 =	vadd.f32 v5, v4  }
0xf4: {  	s30 =	sand.u32 $0x3FFFFE00, s29;
	s31 =	sor.u32 s24, s23;
	v9 =	vld [tilespmem:s16+$0x80]  }
0xf5: {  	s28 =	sadd.s32 $0x4F00, s30;
	v5 =	vld [tilespmem:s31+$0x0];
	[tilespmem:s16+$0x0] =	vst v4;
	v1 =	vadd.f32 v1, v2  }
0xf6: {  	s17 =	sor.u32 s24, s28;
	v4 =	vld [tilespmem:$0x14700]  }
0xf7: {  	s18 =	sand.u32 $0x3F80, s26;
	v2 =	vld [tilespmem:s17+$0x0];
	[tilespmem:s25+$0x80] =	vst v1  }
0xf8: {  	s18 =	sor.u32 s24, s18;
	v12 =	vld [tilespmem:s22+$0x80]  }
0xf9: {  	s26 =	sor.u32 s21, s23;
	v3 =	vunpack.i.u.bf16.f32 v3;
	v1 =	vld [tilespmem:s18+$0xED00]  }
0xfa: {  	v13 =	vld [tilespmem:s26+$0x0];
	v3 =	vadd.f32 v9, v3  }
0xfb: {  	v9 =	vld [tilespmem:$0x14680];
	v14 =	vunpack.i.l.bf16.f32 v5  }
0xfc: {  	v3 =	vmul.f32 v3, v6;
	s18 =	sor.u32 s21, s28;
	v15 =	vld [tilespmem:$0x14780];
	v14 =	vadd.f32 v2, v14  }
0xfd: {  	s23 =	simm.s32 $0xED20;
	s21 =	simm.s32 $0x40;
	v17 =	vld [tilespmem:s18+$0x0];
	v16 =	vunpack.i.l.bf16.f32 v12  }
0xfe: {  	s29 =	simm.s32 $0x100;
	s24 =	simm.s32 $0x80;
	s28 =	sand.u32 $0x60, s21;
	v2 =	vld [tilespmem:s23+$0x0];
	v3 =	vadd.f32 v3, v4;
	v4 =	vmul.f32 v14, v1;
	v7 =	vadd.f32 v7, v16  }
0xff: {  	s30 =	sand.u32 $0x3FFFFE00, s29;
	s24 =	sand.u32 $0x3FFFFF00, s24;
	s29 =	sor.u32 $0x10, s28;
	v14 =	vld [tilespmem:s17+$0x80]  }
0x100: {  	v23 =	vld [tilespmem:s17+$0x100];
	s23 =	sor.u32 s29, s24;
	v4 =	vadd.f32 v4, v9;
	v7 =	vmul.f32 v7, v8  }
0x101: {  	v20 =	vld [tilespmem:s23+$0x0];
	[tilespmem:s16+$0x80] =	vst v3;
	v3 =	vunpack.i.l.bf16.f32 v13  }
0x102: {  	v19 =	vld [tilespmem:s19+$0x80];
	[tilespmem:s17+$0x0] =	vst v4;
	v7 =	vadd.f32 v7, v15;
	v15 =	vadd.f32 v17, v3  }
0x103: {  	s30 =	sadd.s32 $0x4F00, s30;
	v4 =	vunpack.i.u.bf16.f32 v5;
	v17 =	vld [tilespmem:$0x14700]  }
0x104: {  	s19 =	sor.u32 s29, s30;
	v16 =	vld [tilespmem:s18+$0x80];
	v4 =	vadd.f32 v14, v4;
	v5 =	vmul.f32 v15, v2  }
0x105: {  	v21 =	vld [tilespmem:s19+$0x0]  }
0x106: {  	v62 =	vld [tilespmem:s19+$0x80];
	[tilespmem:s25+$0x100] =	vst v7;
	v7 =	vadd.f32 v5, v9;
	v9 =	vmul.f32 v4, v1  }
0x107: {  	v3 =	vld [tilespmem:s18+$0x100];
	v61 =	vunpack.i.l.bf16.f32 v19;
	v19 =	vunpack.i.u.bf16.f32 v19  }
0x108: {  	v11 =	vadd.f32 v11, v19;
	v19 =	vld [tilespmem:s17+$0x180];
	[tilespmem:s18+$0x0] =	vst v7;
	v7 =	vadd.f32 v9, v17  }
0x109: {  	v15 =	vld [tilespmem:$0x14780]  }
0x10a: {  	v14 =	vld [tilespmem:$0x14800];
	[tilespmem:s17+$0x80] =	vst v7  }
0x10b: {  	v22 =	vld [tilespmem:s31+$0x80];
	s31 =	sand.u32 $0x3F80, s21  }
0x10c: {  	v17 =	vld [tilespmem:$0x14700];
	s20 =	sor.u32 s29, s31  }
0x10d: {  	s24 =	sor.u32 s28, s24;
	v9 =	vunpack.i.u.bf16.f32 v13;
	v7 =	vld [tilespmem:s20+$0xED00]  }
0x10e: {  	v12 =	vunpack.i.u.bf16.f32 v12;
	v13 =	vadd.f32 v16, v9;
	v16 =	vld [tilespmem:s24+$0x0]  }
0x10f: {  	v12 =	vadd.f32 v18, v12;
	v24 =	vunpack.i.l.bf16.f32 v20;
	v9 =	vld [tilespmem:$0x14680]  }
0x110: {  	v21 =	vadd.f32 v21, v24;
	v13 =	vmul.f32 v13, v2;
	v25 =	vld [tilespmem:$0x14780];
	s20 =	sor.u32 s28, s30;
	v60 =	vunpack.i.l.bf16.f32 v22  }
0x111: {  	v12 =	vmul.f32 v12, v8;
	v18 =	vld [tilespmem:s20+$0x0];
	v23 =	vadd.f32 v23, v60  }
0x112: {  	s22 =	simm.s32 $0xED40;
	v13 =	vadd.f32 v13, v17;
	v17 =	vld [tilespmem:s20+$0x80];
	v21 =	vmul.f32 v21, v7  }
0x113: {  	v10 =	vadd.f32 v10, v61;
	v4 =	vld [tilespmem:s22+$0x0];
	v12 =	vadd.f32 v12, v14;
	v23 =	vmul.f32 v23, v1  }
0x114: {  	v5 =	vld [tilespmem:s18+$0x180];
	[tilespmem:s18+$0x80] =	vst v13;
	v13 =	vadd.f32 v21, v9  }
0x115: {  	v10 =	vmul.f32 v10, v6;
	[tilespmem:s25+$0x180] =	vst v12;
	v63 =	vunpack.i.l.bf16.f32 v16;
	v8 =	vld [tilespmem:s26+$0x80];
	v23 =	vadd.f32 v23, v25  }
0x116: {  	v6 =	vmul.f32 v11, v6;
	v14 =	vunpack.i.u.bf16.f32 v16;
	v18 =	vadd.f32 v18, v63;
	[tilespmem:s19+$0x0] =	vst v13;
	v13 =	vld [tilespmem:s20+$0x100]  }
0x117: {  	v11 =	vadd.f32 v10, v15;
	v12 =	vunpack.i.u.bf16.f32 v20;
	v15 =	vadd.f32 v17, v14;
	v14 =	vld [tilespmem:$0x14700];
	[tilespmem:s17+$0x100] =	vst v23  }
0x118: {  	v17 =	vadd.f32 v62, v12;
	v16 =	vmul.f32 v18, v4;
	v18 =	vunpack.i.u.bf16.f32 v22;
	v10 =	vld [tilespmem:$0x14800]  }
0x119: {  	[tilespmem:s16+$0x100] =	vst v11;
	s25 =	simm.s32 $0x4;
	v12 =	vld [tilespmem:$0x14780];
	v11 =	vmul.f32 v15, v4;
	v15 =	vadd.f32 v19, v18  }
.LBB2_14:
0x11a: {  	s25 =	sadd.s32 $0x2, s25;
	v9 =	vadd.f32 v16, v9;
	v16 =	vld [tilespmem:s20+$0x180];
	v17 =	vmul.f32 v17, v7;
	s21 =	sadd.s32 $0x20, s21;
	s22 =	sadd.s32 $0x20, s22;
	v18 =	vunpack.i.l.bf16.f32 v8  }
0x11b: {  	v8 =	vunpack.i.u.bf16.f32 v8;
	s28 =	sand.u32 $0x60, s21;
	s26 =	sshll.u32 s25, $0x5;
	s29 =	sshll.u32 s25, $0x6;
	v18 =	vadd.f32 v3, v18;
	v15 =	vmul.f32 v15, v1;
	v19 =	vld [tilespmem:$0x14800];
	v1 =	vmovc v7;
	v3 =	vmovc v13  }
0x11c: {  	v7 =	vld [tilespmem:s22+$0x0];
	s30 =	sand.u32 $0x3FFFFF00, s26;
	s29 =	sand.u32 $0x3FFFFE00, s29;
	s31 =	sor.u32 $0x10, s28;
	[tilespmem:s20+$0x0] =	vst v9;
	v9 =	vadd.f32 v17, v14;
	v17 =	vadd.f32 v5, v8  }
0x11d: {  	s26 =	sor.u32 s28, s30;
	s29 =	sadd.s32 $0x4F00, s29;
	s30 =	sor.u32 s31, s30;
	v8 =	vld [tilespmem:$0x14700];
	v13 =	vmul.f32 v18, v2;
	v10 =	vadd.f32 v15, v10  }
0x11e: {  	p0 =	slt.u32 s25, $0x26E;
	s28 =	sor.u32 s28, s29;
	v14 =	vld [tilespmem:s30+$0x0];
	s29 =	sor.u32 s31, s29;
	[tilespmem:s19+$0x80] =	vst v9;
	v9 =	vmul.f32 v17, v2;
	v2 =	vmov v4  }
0x11f: {  	v15 =	vld [tilespmem:s29+$0x0];
	v17 =	vadd.f32 v13, v12;
	[tilespmem:s17+$0x180] =	vst v10;
	v5 =	vmov v16;
	s17 =	smov.u32 s19;
	s19 =	smov.u32 s29  }
0x120: {  	s29 =	sand.u32 $0x3F80, s21;
	v10 =	vld [tilespmem:s23+$0x80];
	v12 =	vadd.f32 v6, v19;
	v6 =	vmov v9;
	s23 =	smov.u32 s30  }
0x121: {  	s29 =	sor.u32 s31, s29;
	v13 =	vld [tilespmem:s17+$0x100];
	[tilespmem:s18+$0x100] =	vst v17;
	v4 =	vmov v7  }
0x122: {  	v7 =	vld [tilespmem:s29+$0xED00];
	v8 =	vadd.f32 v11, v8;
	[tilespmem:s16+$0x180] =	vst v12;
	s16 =	smov.u32 s18;
	s18 =	smov.u32 s20;
	s20 =	smov.u32 s28  }
0x123: {  	v11 =	vld [tilespmem:s26+$0x0]  }
0x124: {  	v12 =	vunpack.i.l.bf16.f32 v14;
	v9 =	vld [tilespmem:$0x14680];
	[tilespmem:s18+$0x80] =	vst v8  }
0x125: {  	v8 =	vadd.f32 v15, v12;
	v12 =	vunpack.i.l.bf16.f32 v10;
	v15 =	vld [tilespmem:$0x14780]  }
0x126: {  	v16 =	vld [tilespmem:s20+$0x0];
	v12 =	vadd.f32 v13, v12  }
0x127: {  	v17 =	vld [tilespmem:s20+$0x80];
	v8 =	vmul.f32 v8, v7  }
0x128: {  	v18 =	vunpack.i.u.bf16.f32 v11;
	v11 =	vunpack.i.l.bf16.f32 v11;
	v19 =	vld [tilespmem:s19+$0x80];
	v12 =	vmul.f32 v12, v1  }
0x129: {  	v20 =	vadd.f32 v8, v9;
	v21 =	vld [tilespmem:s17+$0x180]  }
.Ltmp6:
0x12a: {  	v8 =	vld [tilespmem:s24+$0x80];
	v12 =	vadd.f32 v12, v15;
	s24 =	smov.u32 s26;
	(pc) =	sbr.rel @p0 .LBB2_14-.Ltmp6, $4  }
0x12b: {  	v11 =	vadd.f32 v16, v11;
	v13 =	vld [tilespmem:s20+$0x100];
	[tilespmem:s19+$0x0] =	vst v20  }
0x12c: {  	v15 =	vadd.f32 v17, v18;
	v17 =	vunpack.i.u.bf16.f32 v14;
	v14 =	vld [tilespmem:$0x14700];
	[tilespmem:s17+$0x100] =	vst v12  }
0x12d: {  	v18 =	vunpack.i.u.bf16.f32 v10;
	v16 =	vmul.f32 v11, v4;
	v17 =	vadd.f32 v19, v17;
	v10 =	vld [tilespmem:$0x14800]  }
0x12e: {  	v11 =	vmul.f32 v15, v4;
	v12 =	vld [tilespmem:$0x14780];
	v15 =	vadd.f32 v21, v18  }
0x12f: {  	v9 =	vadd.f32 v16, v9;
	_ =	sdelay $0x1  }
0x130: {  	[tilespmem:s20+$0x0] =	vst v9  }
0x131: {  	v9 =	vld [tilespmem:$0x14700]  }
0x132: {  	v17 =	vmul.f32 v17, v7;
	_ =	sdelay $0x1  }
0x133: {  	v14 =	vadd.f32 v17, v14;
	_ =	sdelay $0x1  }
0x134: {  	[tilespmem:s19+$0x80] =	vst v14;
	v9 =	vadd.f32 v11, v9  }
0x135: {  	v41 =	vld [tilespmem:s23+$0x80]  }
0x136: {  	v42 =	vld [tilespmem:s19+$0x100];
	[tilespmem:s20+$0x80] =	vst v9  }
0x137: {  	v9 =	vld [tilespmem:s24+$0x80];
	_ =	sdelay $0x2  }
0x138: {  	v18 =	vld [tilespmem:$0x14780];
	v43 =	vunpack.i.l.bf16.f32 v41  }
0x139: {  	v19 =	vunpack.i.l.bf16.f32 v8;
	v14 =	vadd.f32 v42, v43  }
0x13a: {  	v3 =	vadd.f32 v3, v19;
	v44 =	vld [tilespmem:$0x14780];
	v45 =	vunpack.i.l.bf16.f32 v9  }
0x13b: {  	v14 =	vmul.f32 v14, v7;
	v13 =	vadd.f32 v13, v45  }
0x13c: {  	v46 =	vld [tilespmem:s19+$0x180];
	v3 =	vmul.f32 v3, v2  }
0x13d: {  	v14 =	vadd.f32 v14, v18;
	v13 =	vmul.f32 v13, v4  }
0x13e: {  	v40 =	vld [tilespmem:s20+$0x180];
	v3 =	vadd.f32 v3, v12  }
0x13f: {  	v47 =	vld [tilespmem:$0x14800];
	[tilespmem:s19+$0x100] =	vst v14;
	v13 =	vadd.f32 v13, v44  }
0x140: {  	[tilespmem:s18+$0x100] =	vst v3;
	v3 =	vunpack.i.u.bf16.f32 v41;
	v48 =	vld [tilespmem:$0x14800]  }
0x141: {  	v49 =	vunpack.i.u.bf16.f32 v8;
	v1 =	vmul.f32 v15, v1;
	v50 =	vld [tilespmem:$0x14800];
	v3 =	vadd.f32 v46, v3;
	[tilespmem:s20+$0x100] =	vst v13  }
0x142: {  	v5 =	vadd.f32 v5, v49;
	v51 =	vunpack.i.u.bf16.f32 v9;
	v52 =	vld [tilespmem:$0x14800]  }
0x143: {  	v1 =	vadd.f32 v1, v10;
	v3 =	vmul.f32 v3, v7;
	v53 =	vadd.f32 v40, v51  }
0x144: {  	v2 =	vmul.f32 v5, v2;
	v54 =	vadd.f32 v6, v47  }
0x145: {  	[tilespmem:s17+$0x180] =	vst v1;
	v1 =	vadd.f32 v3, v48;
	v3 =	vmul.f32 v53, v4  }
0x146: {  	[tilespmem:s16+$0x180] =	vst v54;
	v2 =	vadd.f32 v2, v50  }
0x147: {  	[tilespmem:s19+$0x180] =	vst v1;
	v1 =	vadd.f32 v3, v52  }
0x148: {  	[tilespmem:s18+$0x180] =	vst v2  }
0x149: {  	[tilespmem:s20+$0x180] =	vst v1  }
0x14a: {  	v1 =	vld [tilespmem:$0x11400]  }
0x14b: {  	v2 =	vld [tilespmem:$0x4E00]  }
0x14c: {  	v3 =	vld [tilespmem:$0xEB00]  }
0x14d: {  	v55 =	vld [tilespmem:$0xEB80]  }
0x14e: {  	v5 =	vld [tilespmem:$0x4E80]  }
0x14f: {  	v56 =	vld [tilespmem:$0xEC00]  }
0x150: {  	v57 =	vld [tilespmem:$0xEC80];
	_ =	sdelay $0x1  }
0x151: {  	v59 =	vld [tilespmem:$0x14680];
	v58 =	vunpack.i.l.bf16.f32 v2  }
0x152: {  	v60 =	vld [tilespmem:$0x14700];
	v2 =	vunpack.i.u.bf16.f32 v2;
	v3 =	vadd.f32 v3, v58  }
0x153: {  	v63 =	vld [tilespmem:$0x14800];
	v61 =	vunpack.i.l.bf16.f32 v5;
	v5 =	vunpack.i.u.bf16.f32 v5;
	v2 =	vadd.f32 v55, v2  }
0x154: {  	v62 =	vld [tilespmem:$0x14780];
	v4 =	vadd.f32 v56, v61;
	v5 =	vadd.f32 v57, v5;
	v3 =	vmul.f32 v3, v1  }
0x155: {  	v2 =	vmul.f32 v2, v1  }
0x156: {  	v4 =	vmul.f32 v4, v1;
	v1 =	vmul.f32 v5, v1;
	v3 =	vadd.f32 v3, v59  }
0x157: {  	v2 =	vadd.f32 v2, v60  }
0x158: {  	v1 =	vadd.f32 v1, v63;
	[tilespmem:$0xEB00] =	vst v3  }
0x159: {  	s15 =	sadd.s32 $0x1, s15;
	v3 =	vadd.f32 v4, v62;
	[tilespmem:$0xEB80] =	vst v2  }
0x15a: {  	p0 =	sne.s32 s15, s8;
	[tilespmem:$0xEC80] =	vst v1  }
.Ltmp7:
0x15b: {  	[tilespmem:$0xEC00] =	vst v3;
	(pc) =	sbr.rel @p0 .LBB2_1-.Ltmp7, $4  }
0x15c: {  	[hbm4b:s7+s11] =	stream.strided.scatter [tilespmem:s14], [sflag:$0x3], $0x9E00, s12, s11, $0x38;
	[tilespmem:$0x1E680] =	vst v63  }
0x15d: {  	_ =	swait.ge [sflag:s9], $0x9E00  }
0x15e: {  	[sflag:s9] =	ssyncset.done $0x0  }
0x15f: {  	[sflag:s9] =	ssyncadd.s32 $0xFFFF6200  }
0x160: {  	_ =	sfence.sel $0x180000  }
0x161: {  	[bflag:$0x0] =	sbarrier.arrive $0xFFFF  }
0x162: {  	p0 =	sne.s32 s1, $0x0;
	_ =	strace $0x9000004D  }
0x163: {  	s0 =	sadd.s32 @!p0 $0x100000, s0;
	[bflag:$0x2] =	sbarrier.arrive $0xFFFF  }
0x164: {  	[sflag:s0] =	ssyncadd.tile.s32 @!p0 $0x1;
	_ =	shalt  }
.Lfunc_end2:
_tile_overlayer_lowered:
.L_overlay_start_2:
0x165: {  	(tag) =	ssettag $0x2  }
0x166: {  	s0 =	rddreg [dreg:$0x0];
	s2 =	stileid.u32  }
0x167: {  	s1 =	rddreg [dreg:$0x1];
	p0 =	sne.s32 s2, $0x0  }
0x168: {  	s3 =	rddreg [dreg:$0x2];
	[bflag:$0x3] =	sbarrier.arrive $0xFFFF;
	s2 =	simm.s32 @!p0 $0x1C03  }
0x169: {  	[timem:s3], [sflag:s2] =	dma.local @!p0 [hbm:s0], s1  }
0x16a: {  	s0 =	simm.s32 @!p0 $0x3  }
0x16b: {  	_ =	swait.ge @!p0 [sflag:s0], s1  }
0x16c: {  	s1 =	ssub.s32 @!p0 $0x0, s1;
	[sflag:s0] =	ssyncset.done @!p0 $0x0  }
0x16d: {  	[sflag:s0] =	ssyncadd.s32 @!p0 s1  }
0x16e: {  	[bflag:$0x3] =	sbarrier.arrive $0xFFFF  }
0x16f: {  	_ =	shalt  }

// kernel: kernel.7.cloned.1.call-start
scs
__scs_entry_jumppad:
0x0: {  	(pc) =	sbr.rel $0x88, $3  }
0x1: {  	(tag) =	ssettag $0x0;
	lr =	simm.s32 $0x1  }
0x2: {  	[smem:$0x3F9B] =	sst lr;
	_ =	strace $0xD0000000  }
0x3: {  	_ = 	snop  }
0x4: {  	_ = 	snop  }
0x5: {  	_ = 	snop  }
0x6: {  	_ = 	snop  }
0x7: {  	_ = 	snop  }
__scs_overlays_trampoline_lowered:
0x8: {  	[smem:$0x3FAA] =	sst s0  }
0x9: {  	[smem:$0x3FAB] =	sst s1  }
0xa: {  	[smem:$0x3FAC] =	sst s2  }
0xb: {  	[smem:$0x3FAD] =	sst s3  }
0xc: {  	[smem:$0x3FAE] =	sst s4  }
0xd: {  	[smem:$0x3FAF] =	sst s5  }
0xe: {  	[smem:$0x3FB0] =	sst s6  }
0xf: {  	[smem:$0x3FB1] =	sst s7  }
0x10: {  	[smem:$0x3FB2] =	sst s8  }
0x11: {  	[smem:$0x3FB3] =	sst s9;
	s0 =	simm.s32 @!p0 $0x0  }
0x12: {  	s1 =	sld [smem:$0x3F99];
	s0 =	simm.s32 @p0 $0x1  }
0x13: {  	[smem:$0x3FB4] =	sst s0;
	s0 =	simm.s32 @!p1 $0x0  }
0x14: {  	s2 =	sld [smem:$0x3F98];
	s0 =	simm.s32 @p1 $0x1  }
0x15: {  	[smem:$0x3FB5] =	sst s0;
	s0 =	simm.s32 @!p2 $0x0  }
0x16: {  	s3 =	sld [smem:$0x3FDB];
	s0 =	simm.s32 @p2 $0x1  }
0x17: {  	s4 =	simm.s32 $0x1BF5;
	[smem:$0x3FB7] =	sst s0  }
0x18: {  	s0 =	sld [smem:$0x3F9A];
	_ =	swait.ge [sflag:s4], $0x0  }
0x19: {  	s7 =	sld [smem:$0x3F9B]  }
0x1a: {  	s8 =	sadd.s32 $0xFFFFE003, lr  }
0x1b: {  	s9 =	sadd.s32 $0xFFFFFEF7, lr;
	s5 =	simm.s32 $0xFFFFFFFF;
	p2 =	slt.u32 s8, $0xFFFFF086  }
0x1c: {  	p1 =	slt.u32 s9, $0xF7A;
	s5 =	simm.s32 @!p2 $0x0  }
0x1d: {  	s5 =	simm.s32 @p1 $0x1;
	p0 =	seq.s32 s7, s2  }
0x1e: {  	s7 =	smul.u32 @!p0 $0xF7A, s2;
	p2 =	seq.s32 @!p0 s5, $0x0  }
0x1f: {  	s9 =	smul.u32 $0xF7A, s1;
	s8 =	simm.s32 @!p0 $0x1BF5;
	p2 =	por !p2, p0  }
0x20: {  	[sflag:s8] =	ssyncset.s32 @!p0 $0xFFFFF086;
	s6 =	sadd.s32 @!p0 s3, s7;
	s7 =	simm.s32 @!p0 $0x108  }
0x21: {  	s3 =	sadd.s32 s3, s9;
	s6 =	sadd.s32 @!p0 $0x88, s6;
	s7 =	simm.s32 @p2 $0x1082  }
0x22: {  	[simem:s7], [sflag:s8] =	dma.local @!p0 [hbm:s6], $0xF7A  }
0x23: {  	s9 =	sor.u32 $0xD0000000, s2;
	s6 =	simm.s32 $0x108;
	_ =	swait.ge @!p0 [sflag:s8], $0x0  }
0x24: {  	s3 =	sadd.s32 $0x88, s3;
	s6 =	simm.s32 @!p1 $0x1082;
	[sflag:s4] =	ssyncset.s32 $0xFFFFF086  }
0x25: {  	[simem:s6], [sflag:s4] =	dma.local [hbm:s3], $0xF7A  }
0x26: {  	[smem:$0x3F9B] =	sst s1;
	(tag) =	ssettag s2;
	_ =	strace s9  }
0x27: {  	s1 =	sld [smem:$0x3FAB]  }
0x28: {  	s2 =	sld [smem:$0x3FAC]  }
0x29: {  	s4 =	sld [smem:$0x3FAE]  }
0x2a: {  	p0 =	seq.s32 s5, $0x0;
	s5 =	sld [smem:$0x3FAF]  }
0x2b: {  	s6 =	sld [smem:$0x3FB0]  }
0x2c: {  	s7 =	sld [smem:$0x3FB1]  }
0x2d: {  	s3 =	simm.s32 $0x108;
	s8 =	sld [smem:$0x3FB2]  }
0x2e: {  	s3 =	simm.s32 @!p0 $0x1082;
	s9 =	sld [smem:$0x3FB3]  }
0x2f: {  	lr =	sadd.s32 s0, s3;
	s0 =	sld [smem:$0x3FAA]  }
0x30: {  	s3 =	sld [smem:$0x3FAD]  }
0x31: {  	[smem:$0x3FB6] =	sst s10  }
0x32: {  	s10 =	sld [smem:$0x3FB4];
	_ =	sdelay $0x3  }
0x33: {  	p0 =	seq.s32 s10, $0x1;
	s10 =	sld [smem:$0x3FB6];
	_ =	sdelay $0x3  }
0x34: {  	[smem:$0x3FB6] =	sst s10  }
0x35: {  	s10 =	sld [smem:$0x3FB5];
	_ =	sdelay $0x3  }
0x36: {  	p1 =	seq.s32 s10, $0x1;
	s10 =	sld [smem:$0x3FB6];
	_ =	sdelay $0x3  }
0x37: {  	[smem:$0x3FB6] =	sst s10  }
0x38: {  	s10 =	sld [smem:$0x3FB7]  }
0x39: {  	_ = 	snop;
	(pc) =	sbr.ind lr, $3  }
0x3a: {  	_ = 	snop  }
0x3b: {  	_ = 	snop  }
0x3c: {  	p2 =	seq.s32 s10, $0x1;
	s10 =	sld [smem:$0x3FB6]  }
0x3d: {  	_ =	shalt  }
0x3e: {  	_ =	shalt  }
0x3f: {  	_ =	shalt  }
0x40: {  	_ =	shalt  }
0x41: {  	_ =	shalt  }
0x42: {  	_ =	shalt  }
0x43: {  	_ =	shalt  }
0x44: {  	_ =	shalt  }
0x45: {  	_ =	shalt  }
0x46: {  	_ =	shalt  }
0x47: {  	_ =	shalt  }
0x48: {  	_ =	shalt  }
0x49: {  	_ =	shalt  }
0x4a: {  	_ =	shalt  }
0x4b: {  	_ =	shalt  }
0x4c: {  	_ =	shalt  }
0x4d: {  	_ =	shalt  }
0x4e: {  	_ =	shalt  }
0x4f: {  	_ =	shalt  }
0x50: {  	_ =	shalt  }
0x51: {  	_ =	shalt  }
0x52: {  	_ =	shalt  }
0x53: {  	_ =	shalt  }
0x54: {  	_ =	shalt  }
0x55: {  	_ =	shalt  }
0x56: {  	_ =	shalt  }
0x57: {  	_ =	shalt  }
0x58: {  	_ =	shalt  }
0x59: {  	_ =	shalt  }
0x5a: {  	_ =	shalt  }
0x5b: {  	_ =	shalt  }
0x5c: {  	_ =	shalt  }
0x5d: {  	_ =	shalt  }
0x5e: {  	_ =	shalt  }
0x5f: {  	_ =	shalt  }
0x60: {  	_ =	shalt  }
0x61: {  	_ =	shalt  }
0x62: {  	_ =	shalt  }
0x63: {  	_ =	shalt  }
0x64: {  	_ =	shalt  }
0x65: {  	_ =	shalt  }
0x66: {  	_ =	shalt  }
0x67: {  	_ =	shalt  }
0x68: {  	_ =	shalt  }
0x69: {  	_ =	shalt  }
0x6a: {  	_ =	shalt  }
0x6b: {  	_ =	shalt  }
0x6c: {  	_ =	shalt  }
0x6d: {  	_ =	shalt  }
0x6e: {  	_ =	shalt  }
0x6f: {  	_ =	shalt  }
0x70: {  	_ =	shalt  }
0x71: {  	_ =	shalt  }
0x72: {  	_ =	shalt  }
0x73: {  	_ =	shalt  }
0x74: {  	_ =	shalt  }
0x75: {  	_ =	shalt  }
0x76: {  	_ =	shalt  }
0x77: {  	_ =	shalt  }
0x78: {  	_ =	shalt  }
0x79: {  	_ =	shalt  }
0x7a: {  	_ =	shalt  }
0x7b: {  	_ =	shalt  }
0x7c: {  	_ =	shalt  }
0x7d: {  	_ =	shalt  }
0x7e: {  	_ =	shalt  }
0x7f: {  	_ =	shalt  }
0x80: {  	_ =	shalt  }
0x81: {  	_ =	shalt  }
0x82: {  	_ =	shalt  }
0x83: {  	_ =	shalt  }
0x84: {  	_ =	shalt  }
0x85: {  	_ =	shalt  }
0x86: {  	_ =	shalt  }
0x87: {  	_ =	shalt  }
.Lfunc_end0:
.L_simem_size_0:
called_computation_lowered:
.L_overlay_start_0:
0x88: {  	s2 =	sld [smem:$0x3FD9]  }
0x89: {  	s3 =	sld [smem:$0x3FFE];
	_ =	sdelay $0x1  }
0x8a: {  	s1 =	srdreg.scid  }
0x8b: {  	s0 =	sand.u32 $0x1, s1  }
0x8c: {  	s17 =	sshll.u32 s0, $0xA;
	s2 =	sadd.s32 s3, s2  }
0x8d: {  	s2 =	sadd.s32 s2, s17  }
0x8e: {  	[smem:$0x3FC2] =	sst s2  }
0x8f: {  	_ = 	snop  }
0x90: {  	s2 =	sld [smem:$0x3FC9]  }
0x91: {  	s18 =	sld [smem:$0x3FD0];
	(tm) =	ssettm $0x1  }
0x92: {  	s4 =	sld [smem:$0x3FFB];
	_ =	sdelay $0x3  }
0x93: {  	_ =	strace s4  }
0x94: {  	s4 =	sld [smem:$0x3FFC];
	_ =	sdelay $0x3  }
0x95: {  	_ =	strace s4  }
0x96: {  	s4 =	sld [smem:$0x3FFD];
	_ =	sdelay $0x3  }
0x97: {  	_ =	strace s4  }
0x98: {  	_ =	strace $0x8FFFFFFF  }
0x99: {  	s19 =	sld [smem:$0x3FDB];
	_ =	sdelay $0x1  }
0x9a: {  	s5 =	simm.s32 $_scs_section_size  }
0x9b: {  	s6 =	simm.s32 $_size__tile_overlayer_lowered;
	s7 =	simm.s32 $_tile_overlayer_lowered  }
0x9c: {  	s22 =	simm.s32 $0x1BFF;
	s21 =	sshll.u32 s7, $0x1;
	s4 =	sadd.s32 s5, s19  }
0x9d: {  	s8 =	simm.s32 $0x0;
	s20 =	sshll.u32 s6, $0x1;
	s6 =	sadd.s32 s21, s4  }
0x9e: {  	[timem:s8], [sflag:s22] =	dma.local [hbm:s6], s20  }
0x9f: {  	_ =	swait.ge [sflag:s22], s20  }
0xa0: {  	s5 =	ssub.s32 $0x0, s20;
	[sflag:s22] =	ssyncset.done $0x0  }
0xa1: {  	[sflag:s22] =	ssyncadd.s32 s5;
	_ =	sdelay $0x1  }
0xa2: {  	s23 =	simm.s32 $0x1B8B  }
0xa3: {  	_ =	swait.ge [sflag:s23], $0x1  }
0xa4: {  	[sflag:s23] =	ssyncset.done $0x0  }
0xa5: {  	s25 =	simm.s32 $0x1B8E;
	s24 =	sld [smem:$0x3FFE];
	[sflag:s23] =	ssyncadd.s32 $0xFFFFFFFF  }
0xa6: {  	s26 =	simm.s32 $execute0_lowered;
	[smem:$0x3FD2] =	sst s25  }
0xa7: {  	s6 =	sshll.u32 s26, $0x1;
	_ =	strace $0x80000046;
	[dreg:$0x1] =	wrdreg $0xFFFFFFFF  }
0xa8: {  	s28 =	simm.s32 $_size_execute0_lowered;
	s4 =	sadd.s32 s4, s6;
	[dreg:$0x0] =	wrdreg $0x0  }
0xa9: {  	s6 =	sshll.u32 s28, $0x1;
	[dreg:$0x2] =	wrdreg s4  }
0xaa: {  	[dreg:$0x3] =	wrdreg s6  }
0xab: {  	[dreg:$0x4] =	wrdreg $0xC0  }
0xac: {  	_ =	task [dreg:s8], $0x5FFFF  }
0xad: {  	[dreg:$0x1] =	wrdreg $0xFFFFFFFF  }
0xae: {  	[dreg:$0x0] =	wrdreg $0x60  }
0xaf: {  	[dreg:$0x2] =	wrdreg s2  }
0xb0: {  	[dreg:$0x3] =	wrdreg s18  }
0xb1: {  	[dreg:$0x4] =	wrdreg s24  }
0xb2: {  	[dreg:$0x5] =	wrdreg $0x9  }
0xb3: {  	_ =	task.clear_ibuf [dreg:s8], $0x6FFFF;
	_ =	strace $0x90000046  }
0xb4: {  	s29 =	simm.s32 $0x9;
	_ =	strace $0x80000048  }
0xb5: {  	_ =	swait.ge [sflag:s29], $0x1  }
0xb6: {  	[sflag:s29] =	ssyncadd.s32 $0xFFFFFFFF  }
0xb7: {  	_ =	strace $0x90000048  }
0xb8: {  	_ =	sfence  }
0xb9: {  	s30 =	sld [smem:$0x0];
	_ =	sdelay $0x2  }
0xba: {  	s31 =	sshll.u32 s1, $0xD;
	s1 =	sshrl.u32 s1, $0x2  }
0xbb: {  	s3 =	sand.u32 $0x4000, s31;
	s1 =	sadd.s32 s1, s30  }
0xbc: {  	s0 =	sor.u32 s3, s0;
	s1 =	sshll.u32 s1, $0x11  }
0xbd: {  	s0 =	sor.u32 s1, s0  }
0xbe: {  	s0 =	sadd.s32 $0x8F2B, s0  }
0xbf: {  	[sflag:s0] =	ssyncadd.remote.s32 $0x1  }
0xc0: {  	_ =	sfence.sel $0xFFFF  }
0xc1: {  	[dreg:$0x0] =	wrdreg $0xFFFFFFFF;
	(pc) =	sbr.abs _section_cstart, $3  }
0xc2: {  	[dreg:$0x1] =	wrdreg $0xFFFFFFFF  }
0xc3: {  	_ =	task.clear_ibuf [dreg:s8], $0x2FFFF;
	_ =	strace $0x9FFFFFFF  }
0xc4: {  	(tm) =	ssettm $0x7FFFFFFF  }
0xc5: {  	_ =	shalt  }
tec
execute0_lowered:
.L_overlay_start_1:
0x0: {  	(tag) =	ssettag $0x1  }
0x1: {  	s1 =	rddreg [dreg:$0x0]  }
0x2: {  	s6 =	rddreg [dreg:$0x1];
	s2 =	srdreg.scid  }
0x3: {  	s0 =	stileid.u32;
	s5 =	rddreg [dreg:$0x2]  }
0x4: {  	s4 =	simm.s32 $0x0;
	s11 =	simm.s32 $0x1;
	s14 =	simm.s32 $0x0  }
0x5: {  	s7 =	sand.u32 $0x1, s2;
	s3 =	sshll.u32 s0, $0x1;
	s8 =	sshrl.u32 s0, $0x2  }
0x6: {  	[smem:$0x7FF] =	sst s4;
	s3 =	sor.u32 s7, s3;
	s8 =	smul.u32 $0x13C00, s8  }
.Ltmp0:
0x7: {  	s7 =	ssub.s32 $0x2, s7;
	s9 =	sshll.u32 s3, $0x7;
	(pc) =	sbr.rel .LBB2_1-.Ltmp0, $4  }
0x8: {  	s5 =	sadd.s32 $0x2200, s5;
	s10 =	sshrl.u32 s7, $0x1;
	s9 =	sand.u32 $0x380, s9  }
0x9: {  	_ =	strace $0x80000047;
	s7 =	ssub.s32 s7, s10;
	s8 =	sor.u32 s8, s9  }
0xa: {  	s10 =	simm.s32 $0x3180;
	s7 =	smax.u32 s7, $0x1;
	s8 =	sshrl.u32 s8, $0x3  }
0xb: {  	v0 =	vimm.f32 $0.0e+00;
	v1 =	vimm.f32 $1.000000000e+00;
	s9 =	simm.s32 $0x2;
	s6 =	sadd.s32 s6, s8;
	s8 =	simm.s32 $0x2780  }
.LBB2_9:
0xc: {  	s14 =	sadd.s32 $0x1, s14  }
0xd: {  	p0 =	sne.s32 s14, s7  }
.Ltmp1:
0xe: {  	s0 =	simm.s32 $0x80;
	s2 =	simm.s32 $0x400;
	(pc) =	sbr.rel @!p0 .LBB2_10-.Ltmp1, $4  }
0xf: {  	[hbm4b:s6+s0] =	stream.strided.scatter [tilespmem:s4], [sflag:$0x1], $0x2780, s2, s0, $0x38;
	[tilespmem:$0x3680] =	vst v63  }
0x10: {  	_ =	swait.ge [sflag:s11], $0x2780  }
0x11: {  	[sflag:s11] =	ssyncset.done $0x0  }
0x12: {  	[sflag:s11] =	ssyncadd.s32 $0xFFFFD880  }
.LBB2_1:
0x13: {  	s15 =	simm.s32 $0x10  }
0x14: {  	s16 =	simm.s32 $0x0;
	[tilespmem:s15+$0xFFFFFFF0] =	vst v0  }
.LBB2_2:
0x15: {  	s16 =	sadd.s32 $0x2, s16  }
0x16: {  	p0 =	slt.u32 s16, $0x26E  }
.Ltmp2:
0x17: {  	_ = 	snop;
	(pc) =	sbr.rel @p0 .LBB2_2-.Ltmp2, $3  }
0x18: {  	_ =	sdelay $0x1  }
0x19: {  	[tilespmem:s15+$0x0] =	vst v0;
	s15 =	sadd.s32 $0x20, s15  }
0x1a: {  	[tilespmem:s15+$0xFFFFFFF0] =	vst v0  }
.Ltmp3:
0x1b: {  	(pc) =	sbr.rel .LBB2_4-.Ltmp3, $3  }
0x1c: {  	_ =	sdelay $0x1  }
0x1d: {  	[tilespmem:s15+$0x0] =	vst v0  }
0x1e: {  	s15 =	simm.s32 $0x0;
	[tilespmem:$0x2700] =	vst v0  }
.LBB2_8:
0x1f: {  	s15 =	sadd.s32 $0x1, s15  }
0x20: {  	p0 =	sne.s32 s15, $0x8  }
.Ltmp4:
0x21: {  	_ = 	snop;
	(pc) =	sbr.rel @!p0 .LBB2_9-.Ltmp4, $1  }
0x22: {  	_ =	sdelay $0x3  }
.LBB2_4:
0x23: {  	s16 =	sshll.u32 s15, $0x5  }
0x24: {  	s16 =	sor.u32 s3, s16  }
0x25: {  	p0 =	sgt.u32 s16, $0xF9  }
.Ltmp5:
0x26: {  	_ = 	snop;
	(pc) =	sbr.rel @p0 .LBB2_8-.Ltmp5, $1  }
0x27: {  	_ =	sdelay $0x3  }
0x28: {  	s17 =	smul.u32 $0x140, s16;
	_ =	sdelay $0x1  }
0x29: {  	s20 =	simm.s32 $0x0;
	s17 =	sadd.s32 s1, s17  }
0x2a: {  	[tilespmem:s8], [sflag:$0x2] =	stream.linear.gather [hbm4b:s17+s20], $0xA00, $0x38;
	[tilespmem:$0x3680] =	vst v63  }
0x2b: {  	s23 =	sand.u32 $0xF00, s20;
	_ =	swait.ge [sflag:s9], $0xA00  }
0x2c: {  	s18 =	sand.u32 $0x40, s20;
	s17 =	sadd.s32 $0x2780, s23;
	[sflag:s9] =	ssyncset.done $0x0  }
0x2d: {  	s22 =	sor.u32 $0x30, s18;
	s19 =	sor.u32 s18, s17;
	[sflag:s9] =	ssyncadd.s32 $0xFFFFF600  }
0x2e: {  	s25 =	sor.u32 $0x10, s18;
	s21 =	sor.u32 s22, s17;
	v2 =	vld [tilespmem:s19+$0x80]  }
0x2f: {  	s23 =	sor.u32 $0x20, s18;
	s24 =	sor.u32 s25, s17;
	v4 =	vld [tilespmem:s21+$0x80]  }
0x30: {  	s17 =	sor.u32 s23, s17;
	v5 =	vld [tilespmem:s24+$0x80]  }
0x31: {  	v6 =	vld [tilespmem:s17+$0x80]  }
0x32: {  	s26 =	simm.s32 $0x80;
	v3 =	vld [tilespmem:s19+$0x0]  }
0x33: {  	s18 =	simm.s32 $0x40;
	v8 =	vld [tilespmem:s17+$0x0];
	s17 =	sand.u32 $0xF00, s26  }
0x34: {  	v10 =	vld [tilespmem:s24+$0x0];
	s24 =	sand.u32 $0x40, s18;
	s26 =	sadd.s32 $0x2780, s17  }
0x35: {  	v7 =	vld [tilespmem:s21+$0x0];
	s19 =	sor.u32 $0x20, s24;
	s28 =	sor.u32 s24, s26  }
0x36: {  	s30 =	sor.u32 s19, s26;
	v11 =	vld [tilespmem:s28+$0x80];
	v9 =	vshll.u32 v2, $0x10  }
0x37: {  	v9 =	vor.u32 v3, v9;
	v3 =	vld [tilespmem:s30+$0x80]  }
0x38: {  	s17 =	sor.u32 $0x10, s24;
	[tilespmem:v2+s4+$0x0] =	vst.idx.add.f32.msk $0xffff, v1  }
0x39: {  	s29 =	sand.u32 $0x780, s20;
	s20 =	sor.u32 $0x30, s24;
	s21 =	sor.u32 s17, s26;
	[tilespmem:v4+s4+$0x0] =	vst.idx.add.f32.msk $0xffff, v1  }
0x3a: {  	s24 =	sor.u32 s20, s26;
	v2 =	vld [tilespmem:s21+$0x80]  }
0x3b: {  	v12 =	vshll.u32 v4, $0x10;
	v4 =	vld [tilespmem:s24+$0x80]  }
0x3c: {  	s31 =	simm.s32 $0x3180;
	[tilespmem:v6+s4+$0x0] =	vst.idx.add.f32.msk $0xffff, v1  }
0x3d: {  	s29 =	sadd.s32 $0x3180, s29;
	[tilespmem:s31+$0x0] =	vst v9;
	v9 =	vor.u32 v7, v12;
	v7 =	vld [tilespmem:s30+$0x0]  }
0x3e: {  	s22 =	sor.u32 s22, s29;
	v63 =	vshll.u32 v6, $0x10;
	[tilespmem:v5+s4+$0x0] =	vst.idx.add.f32.msk $0xffff, v1  }
0x3f: {  	v6 =	vor.u32 v8, v63;
	v8 =	vshll.u32 v5, $0x10;
	s31 =	sor.u32 s23, s29;
	[tilespmem:s22+$0x0] =	vst v9;
	v9 =	vld [tilespmem:s28+$0x0]  }
0x40: {  	s26 =	simm.s32 $0x100;
	s23 =	simm.s32 $0x4;
	v8 =	vor.u32 v10, v8;
	[tilespmem:s31+$0x0] =	vst v6  }
0x41: {  	v10 =	vshll.u32 v11, $0x10;
	s22 =	sand.u32 $0x780, s18;
	s28 =	sor.u32 s25, s29;
	s25 =	simm.s32 $0x31C0;
	v5 =	vshll.u32 v3, $0x10;
	[tilespmem:v11+s4+$0x0] =	vst.idx.add.f32.msk $0xffff, v1;
	v6 =	vshll.u32 v2, $0x10  }
.LBB2_6:
0x42: {  	s29 =	sand.u32 $0xF00, s26;
	s23 =	sadd.s32 $0x4, s23;
	v11 =	vld [tilespmem:s21+$0x0];
	s18 =	sadd.s32 $0x40, s18;
	[tilespmem:s28+$0x0] =	vst v8;
	v12 =	vmov v7  }
0x43: {  	s28 =	sand.u32 $0x40, s18;
	s29 =	sadd.s32 $0x2780, s29;
	s30 =	sand.u32 $0x780, s18;
	v7 =	vld [tilespmem:s24+$0x0]  }
0x44: {  	s31 =	sor.u32 s28, s29;
	s2 =	sor.u32 $0x10, s28;
	s0 =	sor.u32 $0x20, s28;
	v8 =	vor.u32 v9, v10;
	[tilespmem:v4+s4+$0x0] =	vst.idx.add.f32.msk $0xffff, v1  }
0x45: {  	p0 =	slt.u32 s23, $0x4C;
	v13 =	vld [tilespmem:s31+$0x80];
	s21 =	sor.u32 s2, s29;
	[tilespmem:s25+$0x0] =	vst v8  }
0x46: {  	s13 =	sor.u32 $0x30, s28;
	s12 =	sor.u32 s0, s29;
	v14 =	vld [tilespmem:s21+$0x80]  }
0x47: {  	s24 =	sor.u32 s13, s29;
	s29 =	sadd.s32 $0x3180, s22;
	s22 =	smov.u32 s30;
	v15 =	vld [tilespmem:s12+$0x80];
	v8 =	vor.u32 v11, v6;
	v6 =	vshll.u32 v4, $0x10  }
0x48: {  	s28 =	sor.u32 s17, s29;
	s30 =	sor.u32 s19, s29;
	s17 =	sor.u32 s20, s29;
	v4 =	vld [tilespmem:s24+$0x80];
	v6 =	vor.u32 v7, v6  }
.Ltmp6:
0x49: {  	s19 =	smov.u32 s0;
	v7 =	vld [tilespmem:s12+$0x0];
	[tilespmem:s17+$0x0] =	vst v6;
	s17 =	smov.u32 s2;
	(pc) =	sbr.rel @p0 .LBB2_6-.Ltmp6, $4  }
0x4a: {  	s20 =	smov.u32 s13;
	v11 =	vor.u32 v12, v5;
	v10 =	vshll.u32 v13, $0x10;
	[tilespmem:v3+s4+$0x0] =	vst.idx.add.f32.msk $0xffff, v1  }
0x4b: {  	v9 =	vld [tilespmem:s31+$0x0];
	v6 =	vshll.u32 v14, $0x10;
	[tilespmem:s30+$0x0] =	vst v11  }
0x4c: {  	v5 =	vshll.u32 v15, $0x10;
	[tilespmem:v2+s4+$0x0] =	vst.idx.add.f32.msk $0xffff, v1;
	v2 =	vmov v14;
	v3 =	vmov v15  }
0x4d: {  	s26 =	sadd.s32 $0x80, s26;
	s25 =	sadd.s32 $0x40, s25;
	[tilespmem:v13+s4+$0x0] =	vst.idx.add.f32.msk $0xffff, v1  }
0x4e: {  	_ =	sdelay $0x1  }
0x4f: {  	v11 =	vld [tilespmem:s24+$0x0]  }
0x50: {  	[tilespmem:s28+$0x0] =	vst v8;
	v62 =	vld [tilespmem:s21+$0x0]  }
0x51: {  	[tilespmem:v4+s4+$0x0] =	vst.idx.add.f32.msk $0xffff, v1  }
0x52: {  	s0 =	sadd.s32 $0x3180, s22;
	[tilespmem:v3+s4+$0x0] =	vst.idx.add.f32.msk $0xffff, v1  }
0x53: {  	v3 =	vor.u32 v7, v5;
	[tilespmem:v2+s4+$0x0] =	vst.idx.add.f32.msk $0xffff, v1;
	s29 =	sor.u32 s19, s0  }
0x54: {  	v63 =	vshll.u32 v4, $0x10;
	v9 =	vor.u32 v9, v10;
	[tilespmem:s29+$0x0] =	vst v3  }
0x55: {  	s30 =	smul.u32 $0xA0, s16;
	s2 =	sor.u32 s20, s0;
	[tilespmem:s25+$0x0] =	vst v9;
	v4 =	vor.u32 v11, v63  }
0x56: {  	s0 =	sor.u32 s17, s0;
	v3 =	vor.u32 v62, v6;
	[tilespmem:s2+$0x0] =	vst v4  }
.Ltmp7:
0x57: {  	s31 =	sadd.s32 s5, s30;
	[tilespmem:s0+$0x0] =	vst v3;
	(pc) =	sbr.rel .LBB2_8-.Ltmp7, $4  }
0x58: {  	[hbm4b:s31+s4] =	stream.linear.scatter [tilespmem:s10], [sflag:$0x1], $0x500, $0x38;
	[tilespmem:$0x3680] =	vst v63  }
0x59: {  	_ =	swait.ge [sflag:s11], $0x500  }
0x5a: {  	[sflag:s11] =	ssyncset.done $0x0  }
0x5b: {  	[sflag:s11] =	ssyncadd.s32 $0xFFFFFB00  }
.LBB2_10:
0x5c: {  	_ =	sfence.sel $0x180000  }
0x5d: {  	[bflag:$0x0] =	sbarrier.arrive $0xFFFF  }
0x5e: {  	_ =	strace $0x90000047  }
0x5f: {  	s0 =	stileid.u32;
	[bflag:$0x2] =	sbarrier.arrive $0xFFFF  }
0x60: {  	p0 =	sne.s32 s0, $0x0;
	s0 =	rddreg [dreg:$0x3]  }
0x61: {  	s0 =	sadd.s32 @!p0 $0x100000, s0  }
0x62: {  	[sflag:s0] =	ssyncadd.tile.s32 @!p0 $0x1;
	_ =	shalt  }
.Lfunc_end2:
_tile_overlayer_lowered:
.L_overlay_start_2:
0x63: {  	(tag) =	ssettag $0x2  }
0x64: {  	s0 =	rddreg [dreg:$0x0];
	s2 =	stileid.u32  }
0x65: {  	s1 =	rddreg [dreg:$0x1];
	p0 =	sne.s32 s2, $0x0  }
0x66: {  	s3 =	rddreg [dreg:$0x2];
	[bflag:$0x3] =	sbarrier.arrive $0xFFFF;
	s2 =	simm.s32 @!p0 $0x1C01  }
0x67: {  	[timem:s3], [sflag:s2] =	dma.local @!p0 [hbm:s0], s1  }
0x68: {  	s0 =	simm.s32 @!p0 $0x1  }
0x69: {  	_ =	swait.ge @!p0 [sflag:s0], s1  }
0x6a: {  	s1 =	ssub.s32 @!p0 $0x0, s1;
	[sflag:s0] =	ssyncset.done @!p0 $0x0  }
0x6b: {  	[sflag:s0] =	ssyncadd.s32 @!p0 s1  }
0x6c: {  	[bflag:$0x3] =	sbarrier.arrive $0xFFFF  }
0x6d: {  	_ =	shalt  }

</sc_bundles>
